<compile_context>
chip_gen: v7x
topology: tpu7x:2x2x1
jax: 0.10.2.dev20260603
libtpu: 0.0.44.dev20260713+nightly
codegen_flags: <defaults>
</compile_context>

<pallas_src>
import functools

import jax
import jax.numpy as jnp
import numpy as np
from jax import lax
from jax.experimental import pallas as pl
from jax.experimental.pallas import tpu as pltpu
from jax.experimental.pallas import tpu_sc as plsc

N = 100000
E = 6400000

NC = 2
NS = 16
LANES = 16

N_PAD = 100352
NPT = N_PAD // NS
E_PAD = 6553600
EPT = E_PAD // (NC * NS)
CHUNK = 2048
ROWS = CHUNK // 128
N_CHUNKS = EPT // CHUNK


def _sc_kernel(t_hbm, l_hbm, d_hbm, f_hbm, cond_hbm, ts_hbm, src_hbm,
               dst_hbm, part_hbm,
               t_s, w_s, acc_s,
               node_a, node_b, node_c, node_d,
               src_v, dst_v, cond_v, tsrc_v, tdst_v, wsrc_v, en_v, ts_v):
    c = lax.axis_index("c")
    s = lax.axis_index("s")
    wid = c * NS + s

    nb = s * NPT
    pltpu.sync_copy(l_hbm.at[pl.ds(nb, NPT)], node_a)
    pltpu.sync_copy(d_hbm.at[pl.ds(nb, NPT)], node_b)
    pltpu.sync_copy(f_hbm.at[pl.ds(nb, NPT)], node_c)
    pltpu.sync_copy(ts_hbm, ts_v)

    @pl.loop(0, NPT // LANES)
    def _(i):
        sl = pl.ds(i * LANES, LANES)
        node_d[sl] = node_a[sl] * node_b[sl] * node_c[sl]
        node_a[sl] = jnp.zeros((LANES,), jnp.float32)
    pltpu.sync_copy(node_d, w_s.at[pl.ds(nb, NPT)])
    pltpu.sync_copy(node_a, acc_s.at[pl.ds(nb, NPT)])
    pltpu.sync_copy(t_hbm.at[pl.ds(nb, NPT)], node_b)
    pltpu.sync_copy(node_b, t_s.at[pl.ds(nb, NPT)])
    ts_v[...] = ts_v[...] * jnp.float32(0.5 * np.pi)
    plsc.subcore_barrier()

    row_base = wid * (EPT // 128)
    edge_base = wid * EPT

    @pl.loop(0, N_CHUNKS)
    def _(g):
        row = row_base + g * ROWS
        pltpu.sync_copy(src_hbm.at[pl.ds(row, ROWS)], src_v)
        pltpu.sync_copy(dst_hbm.at[pl.ds(row, ROWS)], dst_v)
        pltpu.sync_copy(cond_hbm.at[pl.ds(edge_base + g * CHUNK, CHUNK)],
                        cond_v)
        for j in range(ROWS):
            dsl = pl.ds(j * 128, 128)
            pltpu.sync_copy(t_s.at[src_v.at[j]], tsrc_v.at[dsl])
            pltpu.sync_copy(t_s.at[dst_v.at[j]], tdst_v.at[dsl])
            pltpu.sync_copy(w_s.at[src_v.at[j]], wsrc_v.at[dsl])

        tsk = ts_v[...]

        @pl.loop(0, CHUNK // LANES)
        def _(i):
            sl = pl.ds(i * LANES, LANES)
            ts = tsrc_v[sl]
            td = tdst_v[sl]
            d_t = jnp.maximum(ts - td, jnp.float32(0.0))
            en_v[sl] = (d_t * cond_v[sl]) * (wsrc_v[sl] * (td * td * td)) * tsk

        for j in range(ROWS):
            dsl = pl.ds(j * 128, 128)
            pltpu.sync_copy(en_v.at[dsl], acc_s.at[dst_v.at[j]], add=True)

    plsc.subcore_barrier()

    pltpu.sync_copy(acc_s.at[pl.ds(nb, NPT)], node_a)
    pltpu.sync_copy(node_a, part_hbm.at[c, s])


@jax.jit
def _run_sc(t_p, l_p, d_p, f_p, cond_p, ts16, src2d, dst2d):
    mesh = plsc.VectorSubcoreMesh(core_axis_name="c", subcore_axis_name="s")
    fn = pl.kernel(
        _sc_kernel,
        out_type=jax.ShapeDtypeStruct((NC, NS, NPT), jnp.float32),
        mesh=mesh,
        scratch_types=[
            pltpu.VMEM_SHARED((N_PAD,), jnp.float32),
            pltpu.VMEM_SHARED((N_PAD,), jnp.float32),
            pltpu.VMEM_SHARED((N_PAD,), jnp.float32),
            pltpu.VMEM((NPT,), jnp.float32),
            pltpu.VMEM((NPT,), jnp.float32),
            pltpu.VMEM((NPT,), jnp.float32),
            pltpu.VMEM((NPT,), jnp.float32),
            pltpu.VMEM((ROWS, 128), jnp.int32),
            pltpu.VMEM((ROWS, 128), jnp.int32),
            pltpu.VMEM((CHUNK,), jnp.float32),
            pltpu.VMEM((CHUNK,), jnp.float32),
            pltpu.VMEM((CHUNK,), jnp.float32),
            pltpu.VMEM((CHUNK,), jnp.float32),
            pltpu.VMEM((CHUNK,), jnp.float32),
            pltpu.VMEM((LANES,), jnp.float32),
        ],
    )
    return fn(t_p, l_p, d_p, f_p, cond_p, ts16, src2d, dst2d)


def _combine_body(p_ref, o_ref):
    o_ref[...] = p_ref[0] + p_ref[1]


@jax.jit
def _combine(part):
    p3 = part.reshape(2, N_PAD // 128, 128)
    out = pl.pallas_call(
        _combine_body,
        out_shape=jax.ShapeDtypeStruct((N_PAD // 128, 128), jnp.float32),
    )(p3)
    return out.reshape(N_PAD)[:N]


def kernel(T, L, D, avg_f, conductivity, time_step, edge_index):
    t_p = jnp.pad(T, (0, N_PAD - N))
    l_p = jnp.pad(L, (0, N_PAD - N))
    d_p = jnp.pad(D, (0, N_PAD - N))
    f_p = jnp.pad(avg_f, (0, N_PAD - N))
    cond_p = jnp.pad(conductivity.astype(jnp.float32), (0, E_PAD - E))
    src2d = jnp.pad(edge_index[0], (0, E_PAD - E)).reshape(E_PAD // 128, 128)
    dst2d = jnp.pad(edge_index[1], (0, E_PAD - E)).reshape(E_PAD // 128, 128)
    ts16 = jnp.broadcast_to(time_step.astype(jnp.float32), (LANES,))
    part = _run_sc(t_p, l_p, d_p, f_p, cond_p, ts16, src2d, dst2d)
    return _combine(part)

# --- scband reference (transcript-rebuilt; emitter-appended) ---
"""Pipeline reference for scband-message-factory-bayonet2-helium-1228360646896 (READ-ONLY COPY).

The authoritative reference and input builder live on the scoring server;
editing this copy changes nothing except your own understanding.
"""

import jax, jax.numpy as jnp
import numpy as np

N = 100000
E = 6400000


def setup_inputs(seed: int = 0) -> dict:
    key = jax.random.key(seed)
    ks = jax.random.split(key, 7)
    T = jax.random.uniform(ks[0], (N,), dtype=jnp.float32)
    L = jax.random.uniform(ks[1], (N,), dtype=jnp.float32)
    D = jax.random.uniform(ks[2], (N,), dtype=jnp.float32)
    avg_f = jax.random.uniform(ks[3], (N,), dtype=jnp.float32)
    conductivity = jax.random.uniform(ks[4], (E,), dtype=jnp.float32)
    time_step = jnp.ones((1,), dtype=jnp.float32)
    # int32 used for portability on default (no-x64) CPU jax; values in [0, N)
    edge_index = jax.random.randint(ks[5], (2, E), 0, N, dtype=jnp.int32)
    return {"T": T, "L": L, "D": D, "avg_f": avg_f,
            "conductivity": conductivity, "time_step": time_step,
            "edge_index": edge_index}


def reference(T, L, D, avg_f, conductivity, time_step, edge_index):
    pi = jnp.float32(np.pi)
    src = edge_index[0]
    dst = edge_index[1]
    # broadcast_node_to_edges(SOURCE, 'T') / (TARGET, 'T')
    T_src = jnp.take(T, src, axis=0)          # liquid -> magnets (SOURCE)
    T_dst = jnp.take(T, dst, axis=0)          # magnets -> liquid (TARGET)
    L_b = jnp.take(L, src, axis=0)
    D_b = jnp.take(D, src, axis=0)
    f_b = jnp.take(avg_f, src, axis=0)
    delta_T = T_dst - T_src
    delta_T = jax.nn.relu(-delta_T)
    kapitza_coeff = conductivity.astype(jnp.float32)
    wetted_area = L_b.astype(jnp.float32) * D_b.astype(jnp.float32) * pi * f_b.astype(jnp.float32)
    kapitza_power = delta_T * kapitza_coeff / 2 * wetted_area * jnp.power(T_dst, 3)
    kapitza_energy = kapitza_power * time_step[0]
    # pool_edges_to_node(TARGET, sum)
    pooled = jax.ops.segment_sum(kapitza_energy, dst, num_segments=N)
    return pooled

if __name__ == "__main__":
    import jax
    _d = setup_inputs()
    print(jax.jit(kernel)(*tuple(_d.values())))

</pallas_src>

<mosaic_0001>
#map = affine_map<(d0, d1) -> (0)>
#map1 = affine_map<(d0, d1) -> (0, 0)>
#map2 = affine_map<(d0, d1) -> (0, 0, 0)>
module attributes {stable_mosaic.version = 14 : i64} {
  func.func @_sc_kernel(%arg0: i32, %arg1: i32, %arg2: memref<100352xf32, #tpu.memory_space<hbm>>, %arg3: memref<100352xf32, #tpu.memory_space<hbm>>, %arg4: memref<100352xf32, #tpu.memory_space<hbm>>, %arg5: memref<100352xf32, #tpu.memory_space<hbm>>, %arg6: memref<6553600xf32, #tpu.memory_space<hbm>>, %arg7: memref<16xf32, #tpu.memory_space<hbm>>, %arg8: memref<51200x128xi32, #tpu.memory_space<hbm>>, %arg9: memref<51200x128xi32, #tpu.memory_space<hbm>>, %arg10: memref<2x16x6272xf32, #tpu.memory_space<hbm>>, %arg11: memref<100352xf32, #tpu.memory_space<vmem_shared>>, %arg12: memref<100352xf32, #tpu.memory_space<vmem_shared>>, %arg13: memref<100352xf32, #tpu.memory_space<vmem_shared>>, %arg14: memref<6272xf32, #tpu.memory_space<vmem>>, %arg15: memref<6272xf32, #tpu.memory_space<vmem>>, %arg16: memref<6272xf32, #tpu.memory_space<vmem>>, %arg17: memref<6272xf32, #tpu.memory_space<vmem>>, %arg18: memref<16x128xi32, #tpu.memory_space<vmem>>, %arg19: memref<16x128xi32, #tpu.memory_space<vmem>>, %arg20: memref<2048xf32, #tpu.memory_space<vmem>>, %arg21: memref<2048xf32, #tpu.memory_space<vmem>>, %arg22: memref<2048xf32, #tpu.memory_space<vmem>>, %arg23: memref<2048xf32, #tpu.memory_space<vmem>>, %arg24: memref<2048xf32, #tpu.memory_space<vmem>>, %arg25: memref<16xf32, #tpu.memory_space<vmem>>) attributes {dimension_semantics = [#tpu.dimension_semantics<core_parallel>, #tpu.dimension_semantics<subcore_parallel>], iteration_bounds = array<i64: 2, 16>, scalar_prefetch = 0 : i64, scratch_operands = 15 : i64, tpu.core_type = #tpu.core_type<sc_vector_subcore>, window_params = [{transform_indices = #map}, {transform_indices = #map}, {transform_indices = #map}, {transform_indices = #map}, {transform_indices = #map}, {transform_indices = #map}, {transform_indices = #map1}, {transform_indices = #map1}, {transform_indices = #map2}]} {
    %mul3A = arith.constant 16 : i32
    %mul3A_0 = arith.muli %arg0, %mul3A : i32
    %add3A = arith.addi %mul3A_0, %arg1 : i32
    %mul3A_1 = arith.constant 6272 : i32
    %mul3A_2 = arith.muli %arg1, %mul3A_1 : i32
    "tpu.region"() ({
      %run_scoped3A = tpu.sem_alloc : memref<!tpu.dma_semaphore, #tpu.memory_space<semaphore_mem>>
      %dma_start3A = tpu.memref_slice %arg3[%mul3A_2] : memref<100352xf32, #tpu.memory_space<hbm>> -> memref<6272xf32, #tpu.memory_space<hbm>>
      %dma_start3A_25 = tpu.memref_slice %arg3[%mul3A_2] : memref<100352xf32, #tpu.memory_space<hbm>> -> memref<6272xf32, #tpu.memory_space<hbm>>
      tpu.enqueue_dma source(%dma_start3A_25 : memref<6272xf32, #tpu.memory_space<hbm>>) target(%arg14 : memref<6272xf32, #tpu.memory_space<vmem>>) target_semaphore(%run_scoped3A : memref<!tpu.dma_semaphore, #tpu.memory_space<semaphore_mem>>)
      %dma_wait3A = tpu.memref_slice %arg3[%mul3A_2] : memref<100352xf32, #tpu.memory_space<hbm>> -> memref<6272xf32, #tpu.memory_space<hbm>>
      %dma_wait3A_26 = tpu.memref_slice %arg3[%mul3A_2] : memref<100352xf32, #tpu.memory_space<hbm>> -> memref<6272xf32, #tpu.memory_space<hbm>>
      tpu.wait_dma2 semaphore(%run_scoped3A : memref<!tpu.dma_semaphore, #tpu.memory_space<semaphore_mem>>) src(%dma_wait3A_26 : memref<6272xf32, #tpu.memory_space<hbm>>) dst(%arg14 : memref<6272xf32, #tpu.memory_space<vmem>>)
      tpu.yield
    }) : () -> ()
    "tpu.region"() ({
      %run_scoped3A = tpu.sem_alloc : memref<!tpu.dma_semaphore, #tpu.memory_space<semaphore_mem>>
      %dma_start3A = tpu.memref_slice %arg4[%mul3A_2] : memref<100352xf32, #tpu.memory_space<hbm>> -> memref<6272xf32, #tpu.memory_space<hbm>>
      %dma_start3A_25 = tpu.memref_slice %arg4[%mul3A_2] : memref<100352xf32, #tpu.memory_space<hbm>> -> memref<6272xf32, #tpu.memory_space<hbm>>
      tpu.enqueue_dma source(%dma_start3A_25 : memref<6272xf32, #tpu.memory_space<hbm>>) target(%arg15 : memref<6272xf32, #tpu.memory_space<vmem>>) target_semaphore(%run_scoped3A : memref<!tpu.dma_semaphore, #tpu.memory_space<semaphore_mem>>)
      %dma_wait3A = tpu.memref_slice %arg4[%mul3A_2] : memref<100352xf32, #tpu.memory_space<hbm>> -> memref<6272xf32, #tpu.memory_space<hbm>>
      %dma_wait3A_26 = tpu.memref_slice %arg4[%mul3A_2] : memref<100352xf32, #tpu.memory_space<hbm>> -> memref<6272xf32, #tpu.memory_space<hbm>>
      tpu.wait_dma2 semaphore(%run_scoped3A : memref<!tpu.dma_semaphore, #tpu.memory_space<semaphore_mem>>) src(%dma_wait3A_26 : memref<6272xf32, #tpu.memory_space<hbm>>) dst(%arg15 : memref<6272xf32, #tpu.memory_space<vmem>>)
      tpu.yield
    }) : () -> ()
    "tpu.region"() ({
      %run_scoped3A = tpu.sem_alloc : memref<!tpu.dma_semaphore, #tpu.memory_space<semaphore_mem>>
      %dma_start3A = tpu.memref_slice %arg5[%mul3A_2] : memref<100352xf32, #tpu.memory_space<hbm>> -> memref<6272xf32, #tpu.memory_space<hbm>>
      %dma_start3A_25 = tpu.memref_slice %arg5[%mul3A_2] : memref<100352xf32, #tpu.memory_space<hbm>> -> memref<6272xf32, #tpu.memory_space<hbm>>
      tpu.enqueue_dma source(%dma_start3A_25 : memref<6272xf32, #tpu.memory_space<hbm>>) target(%arg16 : memref<6272xf32, #tpu.memory_space<vmem>>) target_semaphore(%run_scoped3A : memref<!tpu.dma_semaphore, #tpu.memory_space<semaphore_mem>>)
      %dma_wait3A = tpu.memref_slice %arg5[%mul3A_2] : memref<100352xf32, #tpu.memory_space<hbm>> -> memref<6272xf32, #tpu.memory_space<hbm>>
      %dma_wait3A_26 = tpu.memref_slice %arg5[%mul3A_2] : memref<100352xf32, #tpu.memory_space<hbm>> -> memref<6272xf32, #tpu.memory_space<hbm>>
      tpu.wait_dma2 semaphore(%run_scoped3A : memref<!tpu.dma_semaphore, #tpu.memory_space<semaphore_mem>>) src(%dma_wait3A_26 : memref<6272xf32, #tpu.memory_space<hbm>>) dst(%arg16 : memref<6272xf32, #tpu.memory_space<vmem>>)
      tpu.yield
    }) : () -> ()
    "tpu.region"() ({
      %run_scoped3A = tpu.sem_alloc : memref<!tpu.dma_semaphore, #tpu.memory_space<semaphore_mem>>
      tpu.enqueue_dma source(%arg7 : memref<16xf32, #tpu.memory_space<hbm>>) target(%arg25 : memref<16xf32, #tpu.memory_space<vmem>>) target_semaphore(%run_scoped3A : memref<!tpu.dma_semaphore, #tpu.memory_space<semaphore_mem>>)
      tpu.wait_dma2 semaphore(%run_scoped3A : memref<!tpu.dma_semaphore, #tpu.memory_space<semaphore_mem>>) src(%arg7 : memref<16xf32, #tpu.memory_space<hbm>>) dst(%arg25 : memref<16xf32, #tpu.memory_space<vmem>>)
      tpu.yield
    }) : () -> ()
    %scan3A = arith.constant 0 : i32
    %scan3A_3 = arith.constant 392 : i32
    %scan3A_4 = arith.addi %scan3A, %scan3A_3 : i32
    %scan3A_5 = arith.constant 1 : i32
    scf.for %scan3A_25 = %scan3A to %scan3A_4 step %scan3A_5  : i32 {
      %mul3A_26 = arith.constant 1 : i32
      %mul3A_27 = arith.muli %scan3A_25, %mul3A_26 : i32
      %add3A_28 = arith.constant 0 : i32
      %add3A_29 = arith.addi %add3A_28, %mul3A_27 : i32
      %mul3A_30 = arith.constant 16 : i32
      %mul3A_31 = arith.muli %add3A_29, %mul3A_30 : i32
      %get3A_32 = arith.index_cast %mul3A_31 : i32 to index
      %get3A_33 = tpu.vector_load %arg14[%get3A_32] {strides = array<i32>} : memref<6272xf32, #tpu.memory_space<vmem>>, vector<16xf32>,
      %get3A_34 = vector.shape_cast %get3A_33 : vector<16xf32> to vector<16xf32>
      %get3A_35 = arith.index_cast %mul3A_31 : i32 to index
      %get3A_36 = tpu.vector_load %arg15[%get3A_35] {strides = array<i32>} : memref<6272xf32, #tpu.memory_space<vmem>>, vector<16xf32>,
      %get3A_37 = vector.shape_cast %get3A_36 : vector<16xf32> to vector<16xf32>
      %mul3A_38 = arith.mulf %get3A_34, %get3A_37 : vector<16xf32>
      %get3A_39 = arith.index_cast %mul3A_31 : i32 to index
      %get3A_40 = tpu.vector_load %arg16[%get3A_39] {strides = array<i32>} : memref<6272xf32, #tpu.memory_space<vmem>>, vector<16xf32>,
      %get3A_41 = vector.shape_cast %get3A_40 : vector<16xf32> to vector<16xf32>
      %mul3A_42 = arith.mulf %mul3A_38, %get3A_41 : vector<16xf32>
      %swap3A_43 = arith.index_cast %mul3A_31 : i32 to index
      %swap3A_44 = tpu.vector_load %arg17[%swap3A_43] {strides = array<i32>} : memref<6272xf32, #tpu.memory_space<vmem>>, vector<16xf32>,
      %swap3A_45 = vector.shape_cast %swap3A_44 : vector<16xf32> to vector<16xf32>
      %swap3A_46 = vector.shape_cast %mul3A_42 : vector<16xf32> to vector<16xf32>
      tpu.vector_store %arg17[%swap3A_43], %swap3A_46 {strides = array<i32>} : memref<6272xf32, #tpu.memory_space<vmem>>, vector<16xf32>,
      %broadcast_in_dim3A = arith.constant 0.000000e+00 : f32
      %broadcast_in_dim3A_47 = vector.broadcast %broadcast_in_dim3A : f32 to vector<16xf32>
      %swap3A_48 = arith.index_cast %mul3A_31 : i32 to index
      %swap3A_49 = tpu.vector_load %arg14[%swap3A_48] {strides = array<i32>} : memref<6272xf32, #tpu.memory_space<vmem>>, vector<16xf32>,
      %swap3A_50 = vector.shape_cast %swap3A_49 : vector<16xf32> to vector<16xf32>
      %swap3A_51 = vector.shape_cast %broadcast_in_dim3A_47 : vector<16xf32> to vector<16xf32>
      tpu.vector_store %arg14[%swap3A_48], %swap3A_51 {strides = array<i32>} : memref<6272xf32, #tpu.memory_space<vmem>>, vector<16xf32>,
    }
    %scan3A_6 = arith.constant 392 : i32
    "tpu.region"() ({
      %run_scoped3A = tpu.sem_alloc : memref<!tpu.dma_semaphore, #tpu.memory_space<semaphore_mem>>
      %dma_start3A = tpu.memref_slice %arg12[%mul3A_2] : memref<100352xf32, #tpu.memory_space<vmem_shared>> -> memref<6272xf32, #tpu.memory_space<vmem_shared>>
      %dma_start3A_25 = tpu.memref_slice %arg12[%mul3A_2] : memref<100352xf32, #tpu.memory_space<vmem_shared>> -> memref<6272xf32, #tpu.memory_space<vmem_shared>>
      tpu.enqueue_dma source(%arg17 : memref<6272xf32, #tpu.memory_space<vmem>>) target(%dma_start3A_25 : memref<6272xf32, #tpu.memory_space<vmem_shared>>) target_semaphore(%run_scoped3A : memref<!tpu.dma_semaphore, #tpu.memory_space<semaphore_mem>>)
      %dma_wait3A = tpu.memref_slice %arg12[%mul3A_2] : memref<100352xf32, #tpu.memory_space<vmem_shared>> -> memref<6272xf32, #tpu.memory_space<vmem_shared>>
      %dma_wait3A_26 = tpu.memref_slice %arg12[%mul3A_2] : memref<100352xf32, #tpu.memory_space<vmem_shared>> -> memref<6272xf32, #tpu.memory_space<vmem_shared>>
      tpu.wait_dma2 semaphore(%run_scoped3A : memref<!tpu.dma_semaphore, #tpu.memory_space<semaphore_mem>>) src(%arg17 : memref<6272xf32, #tpu.memory_space<vmem>>) dst(%dma_wait3A_26 : memref<6272xf32, #tpu.memory_space<vmem_shared>>)
      tpu.yield
    }) : () -> ()
    "tpu.region"() ({
      %run_scoped3A = tpu.sem_alloc : memref<!tpu.dma_semaphore, #tpu.memory_space<semaphore_mem>>
      %dma_start3A = tpu.memref_slice %arg13[%mul3A_2] : memref<100352xf32, #tpu.memory_space<vmem_shared>> -> memref<6272xf32, #tpu.memory_space<vmem_shared>>
      %dma_start3A_25 = tpu.memref_slice %arg13[%mul3A_2] : memref<100352xf32, #tpu.memory_space<vmem_shared>> -> memref<6272xf32, #tpu.memory_space<vmem_shared>>
      tpu.enqueue_dma source(%arg14 : memref<6272xf32, #tpu.memory_space<vmem>>) target(%dma_start3A_25 : memref<6272xf32, #tpu.memory_space<vmem_shared>>) target_semaphore(%run_scoped3A : memref<!tpu.dma_semaphore, #tpu.memory_space<semaphore_mem>>)
      %dma_wait3A = tpu.memref_slice %arg13[%mul3A_2] : memref<100352xf32, #tpu.memory_space<vmem_shared>> -> memref<6272xf32, #tpu.memory_space<vmem_shared>>
      %dma_wait3A_26 = tpu.memref_slice %arg13[%mul3A_2] : memref<100352xf32, #tpu.memory_space<vmem_shared>> -> memref<6272xf32, #tpu.memory_space<vmem_shared>>
      tpu.wait_dma2 semaphore(%run_scoped3A : memref<!tpu.dma_semaphore, #tpu.memory_space<semaphore_mem>>) src(%arg14 : memref<6272xf32, #tpu.memory_space<vmem>>) dst(%dma_wait3A_26 : memref<6272xf32, #tpu.memory_space<vmem_shared>>)
      tpu.yield
    }) : () -> ()
    "tpu.region"() ({
      %run_scoped3A = tpu.sem_alloc : memref<!tpu.dma_semaphore, #tpu.memory_space<semaphore_mem>>
      %dma_start3A = tpu.memref_slice %arg2[%mul3A_2] : memref<100352xf32, #tpu.memory_space<hbm>> -> memref<6272xf32, #tpu.memory_space<hbm>>
      %dma_start3A_25 = tpu.memref_slice %arg2[%mul3A_2] : memref<100352xf32, #tpu.memory_space<hbm>> -> memref<6272xf32, #tpu.memory_space<hbm>>
      tpu.enqueue_dma source(%dma_start3A_25 : memref<6272xf32, #tpu.memory_space<hbm>>) target(%arg15 : memref<6272xf32, #tpu.memory_space<vmem>>) target_semaphore(%run_scoped3A : memref<!tpu.dma_semaphore, #tpu.memory_space<semaphore_mem>>)
      %dma_wait3A = tpu.memref_slice %arg2[%mul3A_2] : memref<100352xf32, #tpu.memory_space<hbm>> -> memref<6272xf32, #tpu.memory_space<hbm>>
      %dma_wait3A_26 = tpu.memref_slice %arg2[%mul3A_2] : memref<100352xf32, #tpu.memory_space<hbm>> -> memref<6272xf32, #tpu.memory_space<hbm>>
      tpu.wait_dma2 semaphore(%run_scoped3A : memref<!tpu.dma_semaphore, #tpu.memory_space<semaphore_mem>>) src(%dma_wait3A_26 : memref<6272xf32, #tpu.memory_space<hbm>>) dst(%arg15 : memref<6272xf32, #tpu.memory_space<vmem>>)
      tpu.yield
    }) : () -> ()
    "tpu.region"() ({
      %run_scoped3A = tpu.sem_alloc : memref<!tpu.dma_semaphore, #tpu.memory_space<semaphore_mem>>
      %dma_start3A = tpu.memref_slice %arg11[%mul3A_2] : memref<100352xf32, #tpu.memory_space<vmem_shared>> -> memref<6272xf32, #tpu.memory_space<vmem_shared>>
      %dma_start3A_25 = tpu.memref_slice %arg11[%mul3A_2] : memref<100352xf32, #tpu.memory_space<vmem_shared>> -> memref<6272xf32, #tpu.memory_space<vmem_shared>>
      tpu.enqueue_dma source(%arg15 : memref<6272xf32, #tpu.memory_space<vmem>>) target(%dma_start3A_25 : memref<6272xf32, #tpu.memory_space<vmem_shared>>) target_semaphore(%run_scoped3A : memref<!tpu.dma_semaphore, #tpu.memory_space<semaphore_mem>>)
      %dma_wait3A = tpu.memref_slice %arg11[%mul3A_2] : memref<100352xf32, #tpu.memory_space<vmem_shared>> -> memref<6272xf32, #tpu.memory_space<vmem_shared>>
      %dma_wait3A_26 = tpu.memref_slice %arg11[%mul3A_2] : memref<100352xf32, #tpu.memory_space<vmem_shared>> -> memref<6272xf32, #tpu.memory_space<vmem_shared>>
      tpu.wait_dma2 semaphore(%run_scoped3A : memref<!tpu.dma_semaphore, #tpu.memory_space<semaphore_mem>>) src(%arg15 : memref<6272xf32, #tpu.memory_space<vmem>>) dst(%dma_wait3A_26 : memref<6272xf32, #tpu.memory_space<vmem_shared>>)
      tpu.yield
    }) : () -> ()
    %get3A = arith.constant 0 : index
    %get3A_7 = tpu.vector_load %arg25[%get3A] {strides = array<i32>} : memref<16xf32, #tpu.memory_space<vmem>>, vector<16xf32>,
    %get3A_8 = vector.shape_cast %get3A_7 : vector<16xf32> to vector<16xf32>
    %mul3A_9 = arith.constant 1.57079637 : f32
    %mul3A_10 = vector.broadcast %mul3A_9 : f32 to vector<16xf32>
    %mul3A_11 = arith.mulf %get3A_8, %mul3A_10 : vector<16xf32>
    %swap3A = arith.constant 0 : index
    %swap3A_12 = tpu.vector_load %arg25[%swap3A] {strides = array<i32>} : memref<16xf32, #tpu.memory_space<vmem>>, vector<16xf32>,
    %swap3A_13 = vector.shape_cast %swap3A_12 : vector<16xf32> to vector<16xf32>
    %swap3A_14 = vector.shape_cast %mul3A_11 : vector<16xf32> to vector<16xf32>
    tpu.vector_store %arg25[%swap3A], %swap3A_14 {strides = array<i32>} : memref<16xf32, #tpu.memory_space<vmem>>, vector<16xf32>,
    %barrier3A = arith.constant 0 : index
    tpu.barrier barrier_id(%barrier3A)
    %mul3A_15 = arith.constant 1600 : i32
    %mul3A_16 = arith.muli %add3A, %mul3A_15 : i32
    %mul3A_17 = arith.constant 204800 : i32
    %mul3A_18 = arith.muli %add3A, %mul3A_17 : i32
    %scan3A_19 = arith.constant 0 : i32
    %scan3A_20 = arith.constant 100 : i32
    %scan3A_21 = arith.addi %scan3A_19, %scan3A_20 : i32
    %scan3A_22 = arith.constant 1 : i32
    scf.for %scan3A_25 = %scan3A_19 to %scan3A_21 step %scan3A_22  : i32 {
      %mul3A_26 = arith.constant 1 : i32
      %mul3A_27 = arith.muli %scan3A_25, %mul3A_26 : i32
      %add3A_28 = arith.constant 0 : i32
      %add3A_29 = arith.addi %add3A_28, %mul3A_27 : i32
      %mul3A_30 = arith.constant 16 : i32
      %mul3A_31 = arith.muli %add3A_29, %mul3A_30 : i32
      %add3A_32 = arith.addi %mul3A_16, %mul3A_31 : i32
      "tpu.region"() ({
        %run_scoped3A_107 = tpu.sem_alloc : memref<!tpu.dma_semaphore, #tpu.memory_space<semaphore_mem>>
        %dma_start3A = arith.constant 0 : i32
        %dma_start3A_108 = tpu.memref_slice %arg8[%add3A_32, %dma_start3A] : memref<51200x128xi32, #tpu.memory_space<hbm>> -> memref<16x128xi32, #tpu.memory_space<hbm>>
        %dma_start3A_109 = arith.constant 0 : i32
        %dma_start3A_110 = tpu.memref_slice %arg8[%add3A_32, %dma_start3A_109] : memref<51200x128xi32, #tpu.memory_space<hbm>> -> memref<16x128xi32, #tpu.memory_space<hbm>>
        tpu.enqueue_dma source(%dma_start3A_110 : memref<16x128xi32, #tpu.memory_space<hbm>>) target(%arg18 : memref<16x128xi32, #tpu.memory_space<vmem>>) target_semaphore(%run_scoped3A_107 : memref<!tpu.dma_semaphore, #tpu.memory_space<semaphore_mem>>)
        %dma_wait3A = arith.constant 0 : i32
        %dma_wait3A_111 = tpu.memref_slice %arg8[%add3A_32, %dma_wait3A] : memref<51200x128xi32, #tpu.memory_space<hbm>> -> memref<16x128xi32, #tpu.memory_space<hbm>>
        %dma_wait3A_112 = arith.constant 0 : i32
        %dma_wait3A_113 = tpu.memref_slice %arg8[%add3A_32, %dma_wait3A_112] : memref<51200x128xi32, #tpu.memory_space<hbm>> -> memref<16x128xi32, #tpu.memory_space<hbm>>
        tpu.wait_dma2 semaphore(%run_scoped3A_107 : memref<!tpu.dma_semaphore, #tpu.memory_space<semaphore_mem>>) src(%dma_wait3A_113 : memref<16x128xi32, #tpu.memory_space<hbm>>) dst(%arg18 : memref<16x128xi32, #tpu.memory_space<vmem>>)
        tpu.yield
      }) : () -> ()
      "tpu.region"() ({
        %run_scoped3A_107 = tpu.sem_alloc : memref<!tpu.dma_semaphore, #tpu.memory_space<semaphore_mem>>
        %dma_start3A = arith.constant 0 : i32
        %dma_start3A_108 = tpu.memref_slice %arg9[%add3A_32, %dma_start3A] : memref<51200x128xi32, #tpu.memory_space<hbm>> -> memref<16x128xi32, #tpu.memory_space<hbm>>
        %dma_start3A_109 = arith.constant 0 : i32
        %dma_start3A_110 = tpu.memref_slice %arg9[%add3A_32, %dma_start3A_109] : memref<51200x128xi32, #tpu.memory_space<hbm>> -> memref<16x128xi32, #tpu.memory_space<hbm>>
        tpu.enqueue_dma source(%dma_start3A_110 : memref<16x128xi32, #tpu.memory_space<hbm>>) target(%arg19 : memref<16x128xi32, #tpu.memory_space<vmem>>) target_semaphore(%run_scoped3A_107 : memref<!tpu.dma_semaphore, #tpu.memory_space<semaphore_mem>>)
        %dma_wait3A = arith.constant 0 : i32
        %dma_wait3A_111 = tpu.memref_slice %arg9[%add3A_32, %dma_wait3A] : memref<51200x128xi32, #tpu.memory_space<hbm>> -> memref<16x128xi32, #tpu.memory_space<hbm>>
        %dma_wait3A_112 = arith.constant 0 : i32
        %dma_wait3A_113 = tpu.memref_slice %arg9[%add3A_32, %dma_wait3A_112] : memref<51200x128xi32, #tpu.memory_space<hbm>> -> memref<16x128xi32, #tpu.memory_space<hbm>>
        tpu.wait_dma2 semaphore(%run_scoped3A_107 : memref<!tpu.dma_semaphore, #tpu.memory_space<semaphore_mem>>) src(%dma_wait3A_113 : memref<16x128xi32, #tpu.memory_space<hbm>>) dst(%arg19 : memref<16x128xi32, #tpu.memory_space<vmem>>)
        tpu.yield
      }) : () -> ()
      %mul3A_33 = arith.constant 2048 : i32
      %mul3A_34 = arith.muli %add3A_29, %mul3A_33 : i32
      %add3A_35 = arith.addi %mul3A_18, %mul3A_34 : i32
      "tpu.region"() ({
        %run_scoped3A_107 = tpu.sem_alloc : memref<!tpu.dma_semaphore, #tpu.memory_space<semaphore_mem>>
        %dma_start3A = tpu.memref_slice %arg6[%add3A_35] : memref<6553600xf32, #tpu.memory_space<hbm>> -> memref<2048xf32, #tpu.memory_space<hbm>>
        %dma_start3A_108 = tpu.memref_slice %arg6[%add3A_35] : memref<6553600xf32, #tpu.memory_space<hbm>> -> memref<2048xf32, #tpu.memory_space<hbm>>
        tpu.enqueue_dma source(%dma_start3A_108 : memref<2048xf32, #tpu.memory_space<hbm>>) target(%arg20 : memref<2048xf32, #tpu.memory_space<vmem>>) target_semaphore(%run_scoped3A_107 : memref<!tpu.dma_semaphore, #tpu.memory_space<semaphore_mem>>)
        %dma_wait3A = tpu.memref_slice %arg6[%add3A_35] : memref<6553600xf32, #tpu.memory_space<hbm>> -> memref<2048xf32, #tpu.memory_space<hbm>>
        %dma_wait3A_109 = tpu.memref_slice %arg6[%add3A_35] : memref<6553600xf32, #tpu.memory_space<hbm>> -> memref<2048xf32, #tpu.memory_space<hbm>>
        tpu.wait_dma2 semaphore(%run_scoped3A_107 : memref<!tpu.dma_semaphore, #tpu.memory_space<semaphore_mem>>) src(%dma_wait3A_109 : memref<2048xf32, #tpu.memory_space<hbm>>) dst(%arg20 : memref<2048xf32, #tpu.memory_space<vmem>>)
        tpu.yield
      }) : () -> ()
      %run_scoped3A = arith.constant 0 : i32
      "tpu.region"() ({
        %run_scoped3A_107 = tpu.sem_alloc : memref<!tpu.dma_semaphore, #tpu.memory_space<semaphore_mem>>
        %dma_start3A = arith.constant 0 : i32
        %dma_start3A_108 = tpu.memref_slice %arg21[%dma_start3A] : memref<2048xf32, #tpu.memory_space<vmem>> -> memref<128xf32, #tpu.memory_space<vmem>>
        %dma_start3A_109 = arith.constant 0 : i32
        %dma_start3A_110 = tpu.memref_slice %arg18[%run_scoped3A, %dma_start3A_109] : memref<16x128xi32, #tpu.memory_space<vmem>> -> memref<1x128xi32, #tpu.memory_space<vmem>>
        %dma_start3A_111 = tpu.memref_squeeze %dma_start3A_110 : memref<1x128xi32, #tpu.memory_space<vmem>> -> memref<128xi32, #tpu.memory_space<vmem>>
        %dma_start3A_112 = arith.constant 0 : i32
        %dma_start3A_113 = tpu.memref_slice %arg11[%dma_start3A_112] : memref<100352xf32, #tpu.memory_space<vmem_shared>> -> memref<100352xf32, #tpu.memory_space<vmem_shared>>
        tpu.enqueue_indirect_dma source(%dma_start3A_113 : memref<100352xf32, #tpu.memory_space<vmem_shared>>) target(%dma_start3A_108 : memref<128xf32, #tpu.memory_space<vmem>>) offsets(%dma_start3A_111 : memref<128xi32, #tpu.memory_space<vmem>>) semaphore(%run_scoped3A_107 : memref<!tpu.dma_semaphore, #tpu.memory_space<semaphore_mem>>)
        %dma_wait3A = arith.constant 0 : i32
        %dma_wait3A_114 = tpu.memref_slice %arg21[%dma_wait3A] : memref<2048xf32, #tpu.memory_space<vmem>> -> memref<128xf32, #tpu.memory_space<vmem>>
        %dma_wait3A_115 = arith.constant 0 : i32
        %dma_wait3A_116 = tpu.memref_slice %arg18[%run_scoped3A, %dma_wait3A_115] : memref<16x128xi32, #tpu.memory_space<vmem>> -> memref<1x128xi32, #tpu.memory_space<vmem>>
        %dma_wait3A_117 = tpu.memref_squeeze %dma_wait3A_116 : memref<1x128xi32, #tpu.memory_space<vmem>> -> memref<128xi32, #tpu.memory_space<vmem>>
        %dma_wait3A_118 = arith.constant 0 : i32
        %dma_wait3A_119 = tpu.memref_slice %arg11[%dma_wait3A_118] : memref<100352xf32, #tpu.memory_space<vmem_shared>> -> memref<100352xf32, #tpu.memory_space<vmem_shared>>
        tpu.wait_indirect_dma semaphore(%run_scoped3A_107 : memref<!tpu.dma_semaphore, #tpu.memory_space<semaphore_mem>>) src(%dma_wait3A_119 : memref<100352xf32, #tpu.memory_space<vmem_shared>>) dst(%dma_wait3A_114 : memref<128xf32, #tpu.memory_space<vmem>>)
        tpu.yield
      }) : () -> ()
      %run_scoped3A_36 = arith.constant 0 : i32
      "tpu.region"() ({
        %run_scoped3A_107 = tpu.sem_alloc : memref<!tpu.dma_semaphore, #tpu.memory_space<semaphore_mem>>
        %dma_start3A = arith.constant 0 : i32
        %dma_start3A_108 = tpu.memref_slice %arg22[%dma_start3A] : memref<2048xf32, #tpu.memory_space<vmem>> -> memref<128xf32, #tpu.memory_space<vmem>>
        %dma_start3A_109 = arith.constant 0 : i32
        %dma_start3A_110 = tpu.memref_slice %arg19[%run_scoped3A_36, %dma_start3A_109] : memref<16x128xi32, #tpu.memory_space<vmem>> -> memref<1x128xi32, #tpu.memory_space<vmem>>
        %dma_start3A_111 = tpu.memref_squeeze %dma_start3A_110 : memref<1x128xi32, #tpu.memory_space<vmem>> -> memref<128xi32, #tpu.memory_space<vmem>>
        %dma_start3A_112 = arith.constant 0 : i32
        %dma_start3A_113 = tpu.memref_slice %arg11[%dma_start3A_112] : memref<100352xf32, #tpu.memory_space<vmem_shared>> -> memref<100352xf32, #tpu.memory_space<vmem_shared>>
        tpu.enqueue_indirect_dma source(%dma_start3A_113 : memref<100352xf32, #tpu.memory_space<vmem_shared>>) target(%dma_start3A_108 : memref<128xf32, #tpu.memory_space<vmem>>) offsets(%dma_start3A_111 : memref<128xi32, #tpu.memory_space<vmem>>) semaphore(%run_scoped3A_107 : memref<!tpu.dma_semaphore, #tpu.memory_space<semaphore_mem>>)
        %dma_wait3A = arith.constant 0 : i32
        %dma_wait3A_114 = tpu.memref_slice %arg22[%dma_wait3A] : memref<2048xf32, #tpu.memory_space<vmem>> -> memref<128xf32, #tpu.memory_space<vmem>>
        %dma_wait3A_115 = arith.constant 0 : i32
        %dma_wait3A_116 = tpu.memref_slice %arg19[%run_scoped3A_36, %dma_wait3A_115] : memref<16x128xi32, #tpu.memory_space<vmem>> -> memref<1x128xi32, #tpu.memory_space<vmem>>
        %dma_wait3A_117 = tpu.memref_squeeze %dma_wait3A_116 : memref<1x128xi32, #tpu.memory_space<vmem>> -> memref<128xi32, #tpu.memory_space<vmem>>
        %dma_wait3A_118 = arith.constant 0 : i32
        %dma_wait3A_119 = tpu.memref_slice %arg11[%dma_wait3A_118] : memref<100352xf32, #tpu.memory_space<vmem_shared>> -> memref<100352xf32, #tpu.memory_space<vmem_shared>>
        tpu.wait_indirect_dma semaphore(%run_scoped3A_107 : memref<!tpu.dma_semaphore, #tpu.memory_space<semaphore_mem>>) src(%dma_wait3A_119 : memref<100352xf32, #tpu.memory_space<vmem_shared>>) dst(%dma_wait3A_114 : memref<128xf32, #tpu.memory_space<vmem>>)
        tpu.yield
      }) : () -> ()
      %run_scoped3A_37 = arith.constant 0 : i32
      "tpu.region"() ({
        %run_scoped3A_107 = tpu.sem_alloc : memref<!tpu.dma_semaphore, #tpu.memory_space<semaphore_mem>>
        %dma_start3A = arith.constant 0 : i32
        %dma_start3A_108 = tpu.memref_slice %arg23[%dma_start3A] : memref<2048xf32, #tpu.memory_space<vmem>> -> memref<128xf32, #tpu.memory_space<vmem>>
        %dma_start3A_109 = arith.constant 0 : i32
        %dma_start3A_110 = tpu.memref_slice %arg18[%run_scoped3A_37, %dma_start3A_109] : memref<16x128xi32, #tpu.memory_space<vmem>> -> memref<1x128xi32, #tpu.memory_space<vmem>>
        %dma_start3A_111 = tpu.memref_squeeze %dma_start3A_110 : memref<1x128xi32, #tpu.memory_space<vmem>> -> memref<128xi32, #tpu.memory_space<vmem>>
        %dma_start3A_112 = arith.constant 0 : i32
        %dma_start3A_113 = tpu.memref_slice %arg12[%dma_start3A_112] : memref<100352xf32, #tpu.memory_space<vmem_shared>> -> memref<100352xf32, #tpu.memory_space<vmem_shared>>
        tpu.enqueue_indirect_dma source(%dma_start3A_113 : memref<100352xf32, #tpu.memory_space<vmem_shared>>) target(%dma_start3A_108 : memref<128xf32, #tpu.memory_space<vmem>>) offsets(%dma_start3A_111 : memref<128xi32, #tpu.memory_space<vmem>>) semaphore(%run_scoped3A_107 : memref<!tpu.dma_semaphore, #tpu.memory_space<semaphore_mem>>)
        %dma_wait3A = arith.constant 0 : i32
        %dma_wait3A_114 = tpu.memref_slice %arg23[%dma_wait3A] : memref<2048xf32, #tpu.memory_space<vmem>> -> memref<128xf32, #tpu.memory_space<vmem>>
        %dma_wait3A_115 = arith.constant 0 : i32
        %dma_wait3A_116 = tpu.memref_slice %arg18[%run_scoped3A_37, %dma_wait3A_115] : memref<16x128xi32, #tpu.memory_space<vmem>> -> memref<1x128xi32, #tpu.memory_space<vmem>>
        %dma_wait3A_117 = tpu.memref_squeeze %dma_wait3A_116 : memref<1x128xi32, #tpu.memory_space<vmem>> -> memref<128xi32, #tpu.memory_space<vmem>>
        %dma_wait3A_118 = arith.constant 0 : i32
        %dma_wait3A_119 = tpu.memref_slice %arg12[%dma_wait3A_118] : memref<100352xf32, #tpu.memory_space<vmem_shared>> -> memref<100352xf32, #tpu.memory_space<vmem_shared>>
        tpu.wait_indirect_dma semaphore(%run_scoped3A_107 : memref<!tpu.dma_semaphore, #tpu.memory_space<semaphore_mem>>) src(%dma_wait3A_119 : memref<100352xf32, #tpu.memory_space<vmem_shared>>) dst(%dma_wait3A_114 : memref<128xf32, #tpu.memory_space<vmem>>)
        tpu.yield
      }) : () -> ()
      %run_scoped3A_38 = arith.constant 1 : i32
      "tpu.region"() ({
        %run_scoped3A_107 = tpu.sem_alloc : memref<!tpu.dma_semaphore, #tpu.memory_space<semaphore_mem>>
        %dma_start3A = arith.constant 128 : i32
        %dma_start3A_108 = tpu.memref_slice %arg21[%dma_start3A] : memref<2048xf32, #tpu.memory_space<vmem>> -> memref<128xf32, #tpu.memory_space<vmem>>
        %dma_start3A_109 = arith.constant 0 : i32
        %dma_start3A_110 = tpu.memref_slice %arg18[%run_scoped3A_38, %dma_start3A_109] : memref<16x128xi32, #tpu.memory_space<vmem>> -> memref<1x128xi32, #tpu.memory_space<vmem>>
        %dma_start3A_111 = tpu.memref_squeeze %dma_start3A_110 : memref<1x128xi32, #tpu.memory_space<vmem>> -> memref<128xi32, #tpu.memory_space<vmem>>
        %dma_start3A_112 = arith.constant 0 : i32
        %dma_start3A_113 = tpu.memref_slice %arg11[%dma_start3A_112] : memref<100352xf32, #tpu.memory_space<vmem_shared>> -> memref<100352xf32, #tpu.memory_space<vmem_shared>>
        tpu.enqueue_indirect_dma source(%dma_start3A_113 : memref<100352xf32, #tpu.memory_space<vmem_shared>>) target(%dma_start3A_108 : memref<128xf32, #tpu.memory_space<vmem>>) offsets(%dma_start3A_111 : memref<128xi32, #tpu.memory_space<vmem>>) semaphore(%run_scoped3A_107 : memref<!tpu.dma_semaphore, #tpu.memory_space<semaphore_mem>>)
        %dma_wait3A = arith.constant 128 : i32
        %dma_wait3A_114 = tpu.memref_slice %arg21[%dma_wait3A] : memref<2048xf32, #tpu.memory_space<vmem>> -> memref<128xf32, #tpu.memory_space<vmem>>
        %dma_wait3A_115 = arith.constant 0 : i32
        %dma_wait3A_116 = tpu.memref_slice %arg18[%run_scoped3A_38, %dma_wait3A_115] : memref<16x128xi32, #tpu.memory_space<vmem>> -> memref<1x128xi32, #tpu.memory_space<vmem>>
        %dma_wait3A_117 = tpu.memref_squeeze %dma_wait3A_116 : memref<1x128xi32, #tpu.memory_space<vmem>> -> memref<128xi32, #tpu.memory_space<vmem>>
        %dma_wait3A_118 = arith.constant 0 : i32
        %dma_wait3A_119 = tpu.memref_slice %arg11[%dma_wait3A_118] : memref<100352xf32, #tpu.memory_space<vmem_shared>> -> memref<100352xf32, #tpu.memory_space<vmem_shared>>
        tpu.wait_indirect_dma semaphore(%run_scoped3A_107 : memref<!tpu.dma_semaphore, #tpu.memory_space<semaphore_mem>>) src(%dma_wait3A_119 : memref<100352xf32, #tpu.memory_space<vmem_shared>>) dst(%dma_wait3A_114 : memref<128xf32, #tpu.memory_space<vmem>>)
        tpu.yield
      }) : () -> ()
      %run_scoped3A_39 = arith.constant 1 : i32
      "tpu.region"() ({
        %run_scoped3A_107 = tpu.sem_alloc : memref<!tpu.dma_semaphore, #tpu.memory_space<semaphore_mem>>
        %dma_start3A = arith.constant 128 : i32
        %dma_start3A_108 = tpu.memref_slice %arg22[%dma_start3A] : memref<2048xf32, #tpu.memory_space<vmem>> -> memref<128xf32, #tpu.memory_space<vmem>>
        %dma_start3A_109 = arith.constant 0 : i32
        %dma_start3A_110 = tpu.memref_slice %arg19[%run_scoped3A_39, %dma_start3A_109] : memref<16x128xi32, #tpu.memory_space<vmem>> -> memref<1x128xi32, #tpu.memory_space<vmem>>
        %dma_start3A_111 = tpu.memref_squeeze %dma_start3A_110 : memref<1x128xi32, #tpu.memory_space<vmem>> -> memref<128xi32, #tpu.memory_space<vmem>>
        %dma_start3A_112 = arith.constant 0 : i32
        %dma_start3A_113 = tpu.memref_slice %arg11[%dma_start3A_112] : memref<100352xf32, #tpu.memory_space<vmem_shared>> -> memref<100352xf32, #tpu.memory_space<vmem_shared>>
        tpu.enqueue_indirect_dma source(%dma_start3A_113 : memref<100352xf32, #tpu.memory_space<vmem_shared>>) target(%dma_start3A_108 : memref<128xf32, #tpu.memory_space<vmem>>) offsets(%dma_start3A_111 : memref<128xi32, #tpu.memory_space<vmem>>) semaphore(%run_scoped3A_107 : memref<!tpu.dma_semaphore, #tpu.memory_space<semaphore_mem>>)
        %dma_wait3A = arith.constant 128 : i32
        %dma_wait3A_114 = tpu.memref_slice %arg22[%dma_wait3A] : memref<2048xf32, #tpu.memory_space<vmem>> -> memref<128xf32, #tpu.memory_space<vmem>>
        %dma_wait3A_115 = arith.constant 0 : i32
        %dma_wait3A_116 = tpu.memref_slice %arg19[%run_scoped3A_39, %dma_wait3A_115] : memref<16x128xi32, #tpu.memory_space<vmem>> -> memref<1x128xi32, #tpu.memory_space<vmem>>
        %dma_wait3A_117 = tpu.memref_squeeze %dma_wait3A_116 : memref<1x128xi32, #tpu.memory_space<vmem>> -> memref<128xi32, #tpu.memory_space<vmem>>
        %dma_wait3A_118 = arith.constant 0 : i32
        %dma_wait3A_119 = tpu.memref_slice %arg11[%dma_wait3A_118] : memref<100352xf32, #tpu.memory_space<vmem_shared>> -> memref<100352xf32, #tpu.memory_space<vmem_shared>>
        tpu.wait_indirect_dma semaphore(%run_scoped3A_107 : memref<!tpu.dma_semaphore, #tpu.memory_space<semaphore_mem>>) src(%dma_wait3A_119 : memref<100352xf32, #tpu.memory_space<vmem_shared>>) dst(%dma_wait3A_114 : memref<128xf32, #tpu.memory_space<vmem>>)
        tpu.yield
      }) : () -> ()
      %run_scoped3A_40 = arith.constant 1 : i32
      "tpu.region"() ({
        %run_scoped3A_107 = tpu.sem_alloc : memref<!tpu.dma_semaphore, #tpu.memory_space<semaphore_mem>>
        %dma_start3A = arith.constant 128 : i32
        %dma_start3A_108 = tpu.memref_slice %arg23[%dma_start3A] : memref<2048xf32, #tpu.memory_space<vmem>> -> memref<128xf32, #tpu.memory_space<vmem>>
        %dma_start3A_109 = arith.constant 0 : i32
        %dma_start3A_110 = tpu.memref_slice %arg18[%run_scoped3A_40, %dma_start3A_109] : memref<16x128xi32, #tpu.memory_space<vmem>> -> memref<1x128xi32, #tpu.memory_space<vmem>>
        %dma_start3A_111 = tpu.memref_squeeze %dma_start3A_110 : memref<1x128xi32, #tpu.memory_space<vmem>> -> memref<128xi32, #tpu.memory_space<vmem>>
        %dma_start3A_112 = arith.constant 0 : i32
        %dma_start3A_113 = tpu.memref_slice %arg12[%dma_start3A_112] : memref<100352xf32, #tpu.memory_space<vmem_shared>> -> memref<100352xf32, #tpu.memory_space<vmem_shared>>
        tpu.enqueue_indirect_dma source(%dma_start3A_113 : memref<100352xf32, #tpu.memory_space<vmem_shared>>) target(%dma_start3A_108 : memref<128xf32, #tpu.memory_space<vmem>>) offsets(%dma_start3A_111 : memref<128xi32, #tpu.memory_space<vmem>>) semaphore(%run_scoped3A_107 : memref<!tpu.dma_semaphore, #tpu.memory_space<semaphore_mem>>)
        %dma_wait3A = arith.constant 128 : i32
        %dma_wait3A_114 = tpu.memref_slice %arg23[%dma_wait3A] : memref<2048xf32, #tpu.memory_space<vmem>> -> memref<128xf32, #tpu.memory_space<vmem>>
        %dma_wait3A_115 = arith.constant 0 : i32
        %dma_wait3A_116 = tpu.memref_slice %arg18[%run_scoped3A_40, %dma_wait3A_115] : memref<16x128xi32, #tpu.memory_space<vmem>> -> memref<1x128xi32, #tpu.memory_space<vmem>>
        %dma_wait3A_117 = tpu.memref_squeeze %dma_wait3A_116 : memref<1x128xi32, #tpu.memory_space<vmem>> -> memref<128xi32, #tpu.memory_space<vmem>>
        %dma_wait3A_118 = arith.constant 0 : i32
        %dma_wait3A_119 = tpu.memref_slice %arg12[%dma_wait3A_118] : memref<100352xf32, #tpu.memory_space<vmem_shared>> -> memref<100352xf32, #tpu.memory_space<vmem_shared>>
        tpu.wait_indirect_dma semaphore(%run_scoped3A_107 : memref<!tpu.dma_semaphore, #tpu.memory_space<semaphore_mem>>) src(%dma_wait3A_119 : memref<100352xf32, #tpu.memory_space<vmem_shared>>) dst(%dma_wait3A_114 : memref<128xf32, #tpu.memory_space<vmem>>)
        tpu.yield
      }) : () -> ()
      %run_scoped3A_41 = arith.constant 2 : i32
      "tpu.region"() ({
        %run_scoped3A_107 = tpu.sem_alloc : memref<!tpu.dma_semaphore, #tpu.memory_space<semaphore_mem>>
        %dma_start3A = arith.constant 256 : i32
        %dma_start3A_108 = tpu.memref_slice %arg21[%dma_start3A] : memref<2048xf32, #tpu.memory_space<vmem>> -> memref<128xf32, #tpu.memory_space<vmem>>
        %dma_start3A_109 = arith.constant 0 : i32
        %dma_start3A_110 = tpu.memref_slice %arg18[%run_scoped3A_41, %dma_start3A_109] : memref<16x128xi32, #tpu.memory_space<vmem>> -> memref<1x128xi32, #tpu.memory_space<vmem>>
        %dma_start3A_111 = tpu.memref_squeeze %dma_start3A_110 : memref<1x128xi32, #tpu.memory_space<vmem>> -> memref<128xi32, #tpu.memory_space<vmem>>
        %dma_start3A_112 = arith.constant 0 : i32
        %dma_start3A_113 = tpu.memref_slice %arg11[%dma_start3A_112] : memref<100352xf32, #tpu.memory_space<vmem_shared>> -> memref<100352xf32, #tpu.memory_space<vmem_shared>>
        tpu.enqueue_indirect_dma source(%dma_start3A_113 : memref<100352xf32, #tpu.memory_space<vmem_shared>>) target(%dma_start3A_108 : memref<128xf32, #tpu.memory_space<vmem>>) offsets(%dma_start3A_111 : memref<128xi32, #tpu.memory_space<vmem>>) semaphore(%run_scoped3A_107 : memref<!tpu.dma_semaphore, #tpu.memory_space<semaphore_mem>>)
        %dma_wait3A = arith.constant 256 : i32
        %dma_wait3A_114 = tpu.memref_slice %arg21[%dma_wait3A] : memref<2048xf32, #tpu.memory_space<vmem>> -> memref<128xf32, #tpu.memory_space<vmem>>
        %dma_wait3A_115 = arith.constant 0 : i32
        %dma_wait3A_116 = tpu.memref_slice %arg18[%run_scoped3A_41, %dma_wait3A_115] : memref<16x128xi32, #tpu.memory_space<vmem>> -> memref<1x128xi32, #tpu.memory_space<vmem>>
        %dma_wait3A_117 = tpu.memref_squeeze %dma_wait3A_116 : memref<1x128xi32, #tpu.memory_space<vmem>> -> memref<128xi32, #tpu.memory_space<vmem>>
        %dma_wait3A_118 = arith.constant 0 : i32
        %dma_wait3A_119 = tpu.memref_slice %arg11[%dma_wait3A_118] : memref<100352xf32, #tpu.memory_space<vmem_shared>> -> memref<100352xf32, #tpu.memory_space<vmem_shared>>
        tpu.wait_indirect_dma semaphore(%run_scoped3A_107 : memref<!tpu.dma_semaphore, #tpu.memory_space<semaphore_mem>>) src(%dma_wait3A_119 : memref<100352xf32, #tpu.memory_space<vmem_shared>>) dst(%dma_wait3A_114 : memref<128xf32, #tpu.memory_space<vmem>>)
        tpu.yield
      }) : () -> ()
      %run_scoped3A_42 = arith.constant 2 : i32
      "tpu.region"() ({
        %run_scoped3A_107 = tpu.sem_alloc : memref<!tpu.dma_semaphore, #tpu.memory_space<semaphore_mem>>
        %dma_start3A = arith.constant 256 : i32
        %dma_start3A_108 = tpu.memref_slice %arg22[%dma_start3A] : memref<2048xf32, #tpu.memory_space<vmem>> -> memref<128xf32, #tpu.memory_space<vmem>>
        %dma_start3A_109 = arith.constant 0 : i32
        %dma_start3A_110 = tpu.memref_slice %arg19[%run_scoped3A_42, %dma_start3A_109] : memref<16x128xi32, #tpu.memory_space<vmem>> -> memref<1x128xi32, #tpu.memory_space<vmem>>
        %dma_start3A_111 = tpu.memref_squeeze %dma_start3A_110 : memref<1x128xi32, #tpu.memory_space<vmem>> -> memref<128xi32, #tpu.memory_space<vmem>>
        %dma_start3A_112 = arith.constant 0 : i32
        %dma_start3A_113 = tpu.memref_slice %arg11[%dma_start3A_112] : memref<100352xf32, #tpu.memory_space<vmem_shared>> -> memref<100352xf32, #tpu.memory_space<vmem_shared>>
        tpu.enqueue_indirect_dma source(%dma_start3A_113 : memref<100352xf32, #tpu.memory_space<vmem_shared>>) target(%dma_start3A_108 : memref<128xf32, #tpu.memory_space<vmem>>) offsets(%dma_start3A_111 : memref<128xi32, #tpu.memory_space<vmem>>) semaphore(%run_scoped3A_107 : memref<!tpu.dma_semaphore, #tpu.memory_space<semaphore_mem>>)
        %dma_wait3A = arith.constant 256 : i32
        %dma_wait3A_114 = tpu.memref_slice %arg22[%dma_wait3A] : memref<2048xf32, #tpu.memory_space<vmem>> -> memref<128xf32, #tpu.memory_space<vmem>>
        %dma_wait3A_115 = arith.constant 0 : i32
        %dma_wait3A_116 = tpu.memref_slice %arg19[%run_scoped3A_42, %dma_wait3A_115] : memref<16x128xi32, #tpu.memory_space<vmem>> -> memref<1x128xi32, #tpu.memory_space<vmem>>
        %dma_wait3A_117 = tpu.memref_squeeze %dma_wait3A_116 : memref<1x128xi32, #tpu.memory_space<vmem>> -> memref<128xi32, #tpu.memory_space<vmem>>
        %dma_wait3A_118 = arith.constant 0 : i32
        %dma_wait3A_119 = tpu.memref_slice %arg11[%dma_wait3A_118] : memref<100352xf32, #tpu.memory_space<vmem_shared>> -> memref<100352xf32, #tpu.memory_space<vmem_shared>>
        tpu.wait_indirect_dma semaphore(%run_scoped3A_107 : memref<!tpu.dma_semaphore, #tpu.memory_space<semaphore_mem>>) src(%dma_wait3A_119 : memref<100352xf32, #tpu.memory_space<vmem_shared>>) dst(%dma_wait3A_114 : memref<128xf32, #tpu.memory_space<vmem>>)
        tpu.yield
      }) : () -> ()
      %run_scoped3A_43 = arith.constant 2 : i32
      "tpu.region"() ({
        %run_scoped3A_107 = tpu.sem_alloc : memref<!tpu.dma_semaphore, #tpu.memory_space<semaphore_mem>>
        %dma_start3A = arith.constant 256 : i32
        %dma_start3A_108 = tpu.memref_slice %arg23[%dma_start3A] : memref<2048xf32, #tpu.memory_space<vmem>> -> memref<128xf32, #tpu.memory_space<vmem>>
        %dma_start3A_109 = arith.constant 0 : i32
        %dma_start3A_110 = tpu.memref_slice %arg18[%run_scoped3A_43, %dma_start3A_109] : memref<16x128xi32, #tpu.memory_space<vmem>> -> memref<1x128xi32, #tpu.memory_space<vmem>>
        %dma_start3A_111 = tpu.memref_squeeze %dma_start3A_110 : memref<1x128xi32, #tpu.memory_space<vmem>> -> memref<128xi32, #tpu.memory_space<vmem>>
        %dma_start3A_112 = arith.constant 0 : i32
        %dma_start3A_113 = tpu.memref_slice %arg12[%dma_start3A_112] : memref<100352xf32, #tpu.memory_space<vmem_shared>> -> memref<100352xf32, #tpu.memory_space<vmem_shared>>
        tpu.enqueue_indirect_dma source(%dma_start3A_113 : memref<100352xf32, #tpu.memory_space<vmem_shared>>) target(%dma_start3A_108 : memref<128xf32, #tpu.memory_space<vmem>>) offsets(%dma_start3A_111 : memref<128xi32, #tpu.memory_space<vmem>>) semaphore(%run_scoped3A_107 : memref<!tpu.dma_semaphore, #tpu.memory_space<semaphore_mem>>)
        %dma_wait3A = arith.constant 256 : i32
        %dma_wait3A_114 = tpu.memref_slice %arg23[%dma_wait3A] : memref<2048xf32, #tpu.memory_space<vmem>> -> memref<128xf32, #tpu.memory_space<vmem>>
        %dma_wait3A_115 = arith.constant 0 : i32
        %dma_wait3A_116 = tpu.memref_slice %arg18[%run_scoped3A_43, %dma_wait3A_115] : memref<16x128xi32, #tpu.memory_space<vmem>> -> memref<1x128xi32, #tpu.memory_space<vmem>>
        %dma_wait3A_117 = tpu.memref_squeeze %dma_wait3A_116 : memref<1x128xi32, #tpu.memory_space<vmem>> -> memref<128xi32, #tpu.memory_space<vmem>>
        %dma_wait3A_118 = arith.constant 0 : i32
        %dma_wait3A_119 = tpu.memref_slice %arg12[%dma_wait3A_118] : memref<100352xf32, #tpu.memory_space<vmem_shared>> -> memref<100352xf32, #tpu.memory_space<vmem_shared>>
        tpu.wait_indirect_dma semaphore(%run_scoped3A_107 : memref<!tpu.dma_semaphore, #tpu.memory_space<semaphore_mem>>) src(%dma_wait3A_119 : memref<100352xf32, #tpu.memory_space<vmem_shared>>) dst(%dma_wait3A_114 : memref<128xf32, #tpu.memory_space<vmem>>)
        tpu.yield
      }) : () -> ()
      %run_scoped3A_44 = arith.constant 3 : i32
      "tpu.region"() ({
        %run_scoped3A_107 = tpu.sem_alloc : memref<!tpu.dma_semaphore, #tpu.memory_space<semaphore_mem>>
        %dma_start3A = arith.constant 384 : i32
        %dma_start3A_108 = tpu.memref_slice %arg21[%dma_start3A] : memref<2048xf32, #tpu.memory_space<vmem>> -> memref<128xf32, #tpu.memory_space<vmem>>
        %dma_start3A_109 = arith.constant 0 : i32
        %dma_start3A_110 = tpu.memref_slice %arg18[%run_scoped3A_44, %dma_start3A_109] : memref<16x128xi32, #tpu.memory_space<vmem>> -> memref<1x128xi32, #tpu.memory_space<vmem>>
        %dma_start3A_111 = tpu.memref_squeeze %dma_start3A_110 : memref<1x128xi32, #tpu.memory_space<vmem>> -> memref<128xi32, #tpu.memory_space<vmem>>
        %dma_start3A_112 = arith.constant 0 : i32
        %dma_start3A_113 = tpu.memref_slice %arg11[%dma_start3A_112] : memref<100352xf32, #tpu.memory_space<vmem_shared>> -> memref<100352xf32, #tpu.memory_space<vmem_shared>>
        tpu.enqueue_indirect_dma source(%dma_start3A_113 : memref<100352xf32, #tpu.memory_space<vmem_shared>>) target(%dma_start3A_108 : memref<128xf32, #tpu.memory_space<vmem>>) offsets(%dma_start3A_111 : memref<128xi32, #tpu.memory_space<vmem>>) semaphore(%run_scoped3A_107 : memref<!tpu.dma_semaphore, #tpu.memory_space<semaphore_mem>>)
        %dma_wait3A = arith.constant 384 : i32
        %dma_wait3A_114 = tpu.memref_slice %arg21[%dma_wait3A] : memref<2048xf32, #tpu.memory_space<vmem>> -> memref<128xf32, #tpu.memory_space<vmem>>
        %dma_wait3A_115 = arith.constant 0 : i32
        %dma_wait3A_116 = tpu.memref_slice %arg18[%run_scoped3A_44, %dma_wait3A_115] : memref<16x128xi32, #tpu.memory_space<vmem>> -> memref<1x128xi32, #tpu.memory_space<vmem>>
        %dma_wait3A_117 = tpu.memref_squeeze %dma_wait3A_116 : memref<1x128xi32, #tpu.memory_space<vmem>> -> memref<128xi32, #tpu.memory_space<vmem>>
        %dma_wait3A_118 = arith.constant 0 : i32
        %dma_wait3A_119 = tpu.memref_slice %arg11[%dma_wait3A_118] : memref<100352xf32, #tpu.memory_space<vmem_shared>> -> memref<100352xf32, #tpu.memory_space<vmem_shared>>
        tpu.wait_indirect_dma semaphore(%run_scoped3A_107 : memref<!tpu.dma_semaphore, #tpu.memory_space<semaphore_mem>>) src(%dma_wait3A_119 : memref<100352xf32, #tpu.memory_space<vmem_shared>>) dst(%dma_wait3A_114 : memref<128xf32, #tpu.memory_space<vmem>>)
        tpu.yield
      }) : () -> ()
      %run_scoped3A_45 = arith.constant 3 : i32
      "tpu.region"() ({
        %run_scoped3A_107 = tpu.sem_alloc : memref<!tpu.dma_semaphore, #tpu.memory_space<semaphore_mem>>
        %dma_start3A = arith.constant 384 : i32
        %dma_start3A_108 = tpu.memref_slice %arg22[%dma_start3A] : memref<2048xf32, #tpu.memory_space<vmem>> -> memref<128xf32, #tpu.memory_space<vmem>>
        %dma_start3A_109 = arith.constant 0 : i32
        %dma_start3A_110 = tpu.memref_slice %arg19[%run_scoped3A_45, %dma_start3A_109] : memref<16x128xi32, #tpu.memory_space<vmem>> -> memref<1x128xi32, #tpu.memory_space<vmem>>
        %dma_start3A_111 = tpu.memref_squeeze %dma_start3A_110 : memref<1x128xi32, #tpu.memory_space<vmem>> -> memref<128xi32, #tpu.memory_space<vmem>>
        %dma_start3A_112 = arith.constant 0 : i32
        %dma_start3A_113 = tpu.memref_slice %arg11[%dma_start3A_112] : memref<100352xf32, #tpu.memory_space<vmem_shared>> -> memref<100352xf32, #tpu.memory_space<vmem_shared>>
        tpu.enqueue_indirect_dma source(%dma_start3A_113 : memref<100352xf32, #tpu.memory_space<vmem_shared>>) target(%dma_start3A_108 : memref<128xf32, #tpu.memory_space<vmem>>) offsets(%dma_start3A_111 : memref<128xi32, #tpu.memory_space<vmem>>) semaphore(%run_scoped3A_107 : memref<!tpu.dma_semaphore, #tpu.memory_space<semaphore_mem>>)
        %dma_wait3A = arith.constant 384 : i32
        %dma_wait3A_114 = tpu.memref_slice %arg22[%dma_wait3A] : memref<2048xf32, #tpu.memory_space<vmem>> -> memref<128xf32, #tpu.memory_space<vmem>>
        %dma_wait3A_115 = arith.constant 0 : i32
        %dma_wait3A_116 = tpu.memref_slice %arg19[%run_scoped3A_45, %dma_wait3A_115] : memref<16x128xi32, #tpu.memory_space<vmem>> -> memref<1x128xi32, #tpu.memory_space<vmem>>
        %dma_wait3A_117 = tpu.memref_squeeze %dma_wait3A_116 : memref<1x128xi32, #tpu.memory_space<vmem>> -> memref<128xi32, #tpu.memory_space<vmem>>
        %dma_wait3A_118 = arith.constant 0 : i32
        %dma_wait3A_119 = tpu.memref_slice %arg11[%dma_wait3A_118] : memref<100352xf32, #tpu.memory_space<vmem_shared>> -> memref<100352xf32, #tpu.memory_space<vmem_shared>>
        tpu.wait_indirect_dma semaphore(%run_scoped3A_107 : memref<!tpu.dma_semaphore, #tpu.memory_space<semaphore_mem>>) src(%dma_wait3A_119 : memref<100352xf32, #tpu.memory_space<vmem_shared>>) dst(%dma_wait3A_114 : memref<128xf32, #tpu.memory_space<vmem>>)
        tpu.yield
      }) : () -> ()
      %run_scoped3A_46 = arith.constant 3 : i32
      "tpu.region"() ({
        %run_scoped3A_107 = tpu.sem_alloc : memref<!tpu.dma_semaphore, #tpu.memory_space<semaphore_mem>>
        %dma_start3A = arith.constant 384 : i32
        %dma_start3A_108 = tpu.memref_slice %arg23[%dma_start3A] : memref<2048xf32, #tpu.memory_space<vmem>> -> memref<128xf32, #tpu.memory_space<vmem>>
        %dma_start3A_109 = arith.constant 0 : i32
        %dma_start3A_110 = tpu.memref_slice %arg18[%run_scoped3A_46, %dma_start3A_109] : memref<16x128xi32, #tpu.memory_space<vmem>> -> memref<1x128xi32, #tpu.memory_space<vmem>>
        %dma_start3A_111 = tpu.memref_squeeze %dma_start3A_110 : memref<1x128xi32, #tpu.memory_space<vmem>> -> memref<128xi32, #tpu.memory_space<vmem>>
        %dma_start3A_112 = arith.constant 0 : i32
        %dma_start3A_113 = tpu.memref_slice %arg12[%dma_start3A_112] : memref<100352xf32, #tpu.memory_space<vmem_shared>> -> memref<100352xf32, #tpu.memory_space<vmem_shared>>
        tpu.enqueue_indirect_dma source(%dma_start3A_113 : memref<100352xf32, #tpu.memory_space<vmem_shared>>) target(%dma_start3A_108 : memref<128xf32, #tpu.memory_space<vmem>>) offsets(%dma_start3A_111 : memref<128xi32, #tpu.memory_space<vmem>>) semaphore(%run_scoped3A_107 : memref<!tpu.dma_semaphore, #tpu.memory_space<semaphore_mem>>)
        %dma_wait3A = arith.constant 384 : i32
        %dma_wait3A_114 = tpu.memref_slice %arg23[%dma_wait3A] : memref<2048xf32, #tpu.memory_space<vmem>> -> memref<128xf32, #tpu.memory_space<vmem>>
        %dma_wait3A_115 = arith.constant 0 : i32
        %dma_wait3A_116 = tpu.memref_slice %arg18[%run_scoped3A_46, %dma_wait3A_115] : memref<16x128xi32, #tpu.memory_space<vmem>> -> memref<1x128xi32, #tpu.memory_space<vmem>>
        %dma_wait3A_117 = tpu.memref_squeeze %dma_wait3A_116 : memref<1x128xi32, #tpu.memory_space<vmem>> -> memref<128xi32, #tpu.memory_space<vmem>>
        %dma_wait3A_118 = arith.constant 0 : i32
        %dma_wait3A_119 = tpu.memref_slice %arg12[%dma_wait3A_118] : memref<100352xf32, #tpu.memory_space<vmem_shared>> -> memref<100352xf32, #tpu.memory_space<vmem_shared>>
        tpu.wait_indirect_dma semaphore(%run_scoped3A_107 : memref<!tpu.dma_semaphore, #tpu.memory_space<semaphore_mem>>) src(%dma_wait3A_119 : memref<100352xf32, #tpu.memory_space<vmem_shared>>) dst(%dma_wait3A_114 : memref<128xf32, #tpu.memory_space<vmem>>)
        tpu.yield
      }) : () -> ()
      %run_scoped3A_47 = arith.constant 4 : i32
      "tpu.region"() ({
        %run_scoped3A_107 = tpu.sem_alloc : memref<!tpu.dma_semaphore, #tpu.memory_space<semaphore_mem>>
        %dma_start3A = arith.constant 512 : i32
        %dma_start3A_108 = tpu.memref_slice %arg21[%dma_start3A] : memref<2048xf32, #tpu.memory_space<vmem>> -> memref<128xf32, #tpu.memory_space<vmem>>
        %dma_start3A_109 = arith.constant 0 : i32
        %dma_start3A_110 = tpu.memref_slice %arg18[%run_scoped3A_47, %dma_start3A_109] : memref<16x128xi32, #tpu.memory_space<vmem>> -> memref<1x128xi32, #tpu.memory_space<vmem>>
        %dma_start3A_111 = tpu.memref_squeeze %dma_start3A_110 : memref<1x128xi32, #tpu.memory_space<vmem>> -> memref<128xi32, #tpu.memory_space<vmem>>
        %dma_start3A_112 = arith.constant 0 : i32
        %dma_start3A_113 = tpu.memref_slice %arg11[%dma_start3A_112] : memref<100352xf32, #tpu.memory_space<vmem_shared>> -> memref<100352xf32, #tpu.memory_space<vmem_shared>>
        tpu.enqueue_indirect_dma source(%dma_start3A_113 : memref<100352xf32, #tpu.memory_space<vmem_shared>>) target(%dma_start3A_108 : memref<128xf32, #tpu.memory_space<vmem>>) offsets(%dma_start3A_111 : memref<128xi32, #tpu.memory_space<vmem>>) semaphore(%run_scoped3A_107 : memref<!tpu.dma_semaphore, #tpu.memory_space<semaphore_mem>>)
        %dma_wait3A = arith.constant 512 : i32
        %dma_wait3A_114 = tpu.memref_slice %arg21[%dma_wait3A] : memref<2048xf32, #tpu.memory_space<vmem>> -> memref<128xf32, #tpu.memory_space<vmem>>
        %dma_wait3A_115 = arith.constant 0 : i32
        %dma_wait3A_116 = tpu.memref_slice %arg18[%run_scoped3A_47, %dma_wait3A_115] : memref<16x128xi32, #tpu.memory_space<vmem>> -> memref<1x128xi32, #tpu.memory_space<vmem>>
        %dma_wait3A_117 = tpu.memref_squeeze %dma_wait3A_116 : memref<1x128xi32, #tpu.memory_space<vmem>> -> memref<128xi32, #tpu.memory_space<vmem>>
        %dma_wait3A_118 = arith.constant 0 : i32
        %dma_wait3A_119 = tpu.memref_slice %arg11[%dma_wait3A_118] : memref<100352xf32, #tpu.memory_space<vmem_shared>> -> memref<100352xf32, #tpu.memory_space<vmem_shared>>
        tpu.wait_indirect_dma semaphore(%run_scoped3A_107 : memref<!tpu.dma_semaphore, #tpu.memory_space<semaphore_mem>>) src(%dma_wait3A_119 : memref<100352xf32, #tpu.memory_space<vmem_shared>>) dst(%dma_wait3A_114 : memref<128xf32, #tpu.memory_space<vmem>>)
        tpu.yield
      }) : () -> ()
      %run_scoped3A_48 = arith.constant 4 : i32
      "tpu.region"() ({
        %run_scoped3A_107 = tpu.sem_alloc : memref<!tpu.dma_semaphore, #tpu.memory_space<semaphore_mem>>
        %dma_start3A = arith.constant 512 : i32
        %dma_start3A_108 = tpu.memref_slice %arg22[%dma_start3A] : memref<2048xf32, #tpu.memory_space<vmem>> -> memref<128xf32, #tpu.memory_space<vmem>>
        %dma_start3A_109 = arith.constant 0 : i32
        %dma_start3A_110 = tpu.memref_slice %arg19[%run_scoped3A_48, %dma_start3A_109] : memref<16x128xi32, #tpu.memory_space<vmem>> -> memref<1x128xi32, #tpu.memory_space<vmem>>
        %dma_start3A_111 = tpu.memref_squeeze %dma_start3A_110 : memref<1x128xi32, #tpu.memory_space<vmem>> -> memref<128xi32, #tpu.memory_space<vmem>>
        %dma_start3A_112 = arith.constant 0 : i32
        %dma_start3A_113 = tpu.memref_slice %arg11[%dma_start3A_112] : memref<100352xf32, #tpu.memory_space<vmem_shared>> -> memref<100352xf32, #tpu.memory_space<vmem_shared>>
        tpu.enqueue_indirect_dma source(%dma_start3A_113 : memref<100352xf32, #tpu.memory_space<vmem_shared>>) target(%dma_start3A_108 : memref<128xf32, #tpu.memory_space<vmem>>) offsets(%dma_start3A_111 : memref<128xi32, #tpu.memory_space<vmem>>) semaphore(%run_scoped3A_107 : memref<!tpu.dma_semaphore, #tpu.memory_space<semaphore_mem>>)
        %dma_wait3A = arith.constant 512 : i32
        %dma_wait3A_114 = tpu.memref_slice %arg22[%dma_wait3A] : memref<2048xf32, #tpu.memory_space<vmem>> -> memref<128xf32, #tpu.memory_space<vmem>>
        %dma_wait3A_115 = arith.constant 0 : i32
        %dma_wait3A_116 = tpu.memref_slice %arg19[%run_scoped3A_48, %dma_wait3A_115] : memref<16x128xi32, #tpu.memory_space<vmem>> -> memref<1x128xi32, #tpu.memory_space<vmem>>
        %dma_wait3A_117 = tpu.memref_squeeze %dma_wait3A_116 : memref<1x128xi32, #tpu.memory_space<vmem>> -> memref<128xi32, #tpu.memory_space<vmem>>
        %dma_wait3A_118 = arith.constant 0 : i32
        %dma_wait3A_119 = tpu.memref_slice %arg11[%dma_wait3A_118] : memref<100352xf32, #tpu.memory_space<vmem_shared>> -> memref<100352xf32, #tpu.memory_space<vmem_shared>>
        tpu.wait_indirect_dma semaphore(%run_scoped3A_107 : memref<!tpu.dma_semaphore, #tpu.memory_space<semaphore_mem>>) src(%dma_wait3A_119 : memref<100352xf32, #tpu.memory_space<vmem_shared>>) dst(%dma_wait3A_114 : memref<128xf32, #tpu.memory_space<vmem>>)
        tpu.yield
      }) : () -> ()
      %run_scoped3A_49 = arith.constant 4 : i32
      "tpu.region"() ({
        %run_scoped3A_107 = tpu.sem_alloc : memref<!tpu.dma_semaphore, #tpu.memory_space<semaphore_mem>>
        %dma_start3A = arith.constant 512 : i32
        %dma_start3A_108 = tpu.memref_slice %arg23[%dma_start3A] : memref<2048xf32, #tpu.memory_space<vmem>> -> memref<128xf32, #tpu.memory_space<vmem>>
        %dma_start3A_109 = arith.constant 0 : i32
        %dma_start3A_110 = tpu.memref_slice %arg18[%run_scoped3A_49, %dma_start3A_109] : memref<16x128xi32, #tpu.memory_space<vmem>> -> memref<1x128xi32, #tpu.memory_space<vmem>>
        %dma_start3A_111 = tpu.memref_squeeze %dma_start3A_110 : memref<1x128xi32, #tpu.memory_space<vmem>> -> memref<128xi32, #tpu.memory_space<vmem>>
        %dma_start3A_112 = arith.constant 0 : i32
        %dma_start3A_113 = tpu.memref_slice %arg12[%dma_start3A_112] : memref<100352xf32, #tpu.memory_space<vmem_shared>> -> memref<100352xf32, #tpu.memory_space<vmem_shared>>
        tpu.enqueue_indirect_dma source(%dma_start3A_113 : memref<100352xf32, #tpu.memory_space<vmem_shared>>) target(%dma_start3A_108 : memref<128xf32, #tpu.memory_space<vmem>>) offsets(%dma_start3A_111 : memref<128xi32, #tpu.memory_space<vmem>>) semaphore(%run_scoped3A_107 : memref<!tpu.dma_semaphore, #tpu.memory_space<semaphore_mem>>)
        %dma_wait3A = arith.constant 512 : i32
        %dma_wait3A_114 = tpu.memref_slice %arg23[%dma_wait3A] : memref<2048xf32, #tpu.memory_space<vmem>> -> memref<128xf32, #tpu.memory_space<vmem>>
        %dma_wait3A_115 = arith.constant 0 : i32
        %dma_wait3A_116 = tpu.memref_slice %arg18[%run_scoped3A_49, %dma_wait3A_115] : memref<16x128xi32, #tpu.memory_space<vmem>> -> memref<1x128xi32, #tpu.memory_space<vmem>>
        %dma_wait3A_117 = tpu.memref_squeeze %dma_wait3A_116 : memref<1x128xi32, #tpu.memory_space<vmem>> -> memref<128xi32, #tpu.memory_space<vmem>>
        %dma_wait3A_118 = arith.constant 0 : i32
        %dma_wait3A_119 = tpu.memref_slice %arg12[%dma_wait3A_118] : memref<100352xf32, #tpu.memory_space<vmem_shared>> -> memref<100352xf32, #tpu.memory_space<vmem_shared>>
        tpu.wait_indirect_dma semaphore(%run_scoped3A_107 : memref<!tpu.dma_semaphore, #tpu.memory_space<semaphore_mem>>) src(%dma_wait3A_119 : memref<100352xf32, #tpu.memory_space<vmem_shared>>) dst(%dma_wait3A_114 : memref<128xf32, #tpu.memory_space<vmem>>)
        tpu.yield
      }) : () -> ()
      %run_scoped3A_50 = arith.constant 5 : i32
      "tpu.region"() ({
        %run_scoped3A_107 = tpu.sem_alloc : memref<!tpu.dma_semaphore, #tpu.memory_space<semaphore_mem>>
        %dma_start3A = arith.constant 640 : i32
        %dma_start3A_108 = tpu.memref_slice %arg21[%dma_start3A] : memref<2048xf32, #tpu.memory_space<vmem>> -> memref<128xf32, #tpu.memory_space<vmem>>
        %dma_start3A_109 = arith.constant 0 : i32
        %dma_start3A_110 = tpu.memref_slice %arg18[%run_scoped3A_50, %dma_start3A_109] : memref<16x128xi32, #tpu.memory_space<vmem>> -> memref<1x128xi32, #tpu.memory_space<vmem>>
        %dma_start3A_111 = tpu.memref_squeeze %dma_start3A_110 : memref<1x128xi32, #tpu.memory_space<vmem>> -> memref<128xi32, #tpu.memory_space<vmem>>
        %dma_start3A_112 = arith.constant 0 : i32
        %dma_start3A_113 = tpu.memref_slice %arg11[%dma_start3A_112] : memref<100352xf32, #tpu.memory_space<vmem_shared>> -> memref<100352xf32, #tpu.memory_space<vmem_shared>>
        tpu.enqueue_indirect_dma source(%dma_start3A_113 : memref<100352xf32, #tpu.memory_space<vmem_shared>>) target(%dma_start3A_108 : memref<128xf32, #tpu.memory_space<vmem>>) offsets(%dma_start3A_111 : memref<128xi32, #tpu.memory_space<vmem>>) semaphore(%run_scoped3A_107 : memref<!tpu.dma_semaphore, #tpu.memory_space<semaphore_mem>>)
        %dma_wait3A = arith.constant 640 : i32
        %dma_wait3A_114 = tpu.memref_slice %arg21[%dma_wait3A] : memref<2048xf32, #tpu.memory_space<vmem>> -> memref<128xf32, #tpu.memory_space<vmem>>
        %dma_wait3A_115 = arith.constant 0 : i32
        %dma_wait3A_116 = tpu.memref_slice %arg18[%run_scoped3A_50, %dma_wait3A_115] : memref<16x128xi32, #tpu.memory_space<vmem>> -> memref<1x128xi32, #tpu.memory_space<vmem>>
        %dma_wait3A_117 = tpu.memref_squeeze %dma_wait3A_116 : memref<1x128xi32, #tpu.memory_space<vmem>> -> memref<128xi32, #tpu.memory_space<vmem>>
        %dma_wait3A_118 = arith.constant 0 : i32
        %dma_wait3A_119 = tpu.memref_slice %arg11[%dma_wait3A_118] : memref<100352xf32, #tpu.memory_space<vmem_shared>> -> memref<100352xf32, #tpu.memory_space<vmem_shared>>
        tpu.wait_indirect_dma semaphore(%run_scoped3A_107 : memref<!tpu.dma_semaphore, #tpu.memory_space<semaphore_mem>>) src(%dma_wait3A_119 : memref<100352xf32, #tpu.memory_space<vmem_shared>>) dst(%dma_wait3A_114 : memref<128xf32, #tpu.memory_space<vmem>>)
        tpu.yield
      }) : () -> ()
      %run_scoped3A_51 = arith.constant 5 : i32
      "tpu.region"() ({
        %run_scoped3A_107 = tpu.sem_alloc : memref<!tpu.dma_semaphore, #tpu.memory_space<semaphore_mem>>
        %dma_start3A = arith.constant 640 : i32
        %dma_start3A_108 = tpu.memref_slice %arg22[%dma_start3A] : memref<2048xf32, #tpu.memory_space<vmem>> -> memref<128xf32, #tpu.memory_space<vmem>>
        %dma_start3A_109 = arith.constant 0 : i32
        %dma_start3A_110 = tpu.memref_slice %arg19[%run_scoped3A_51, %dma_start3A_109] : memref<16x128xi32, #tpu.memory_space<vmem>> -> memref<1x128xi32, #tpu.memory_space<vmem>>
        %dma_start3A_111 = tpu.memref_squeeze %dma_start3A_110 : memref<1x128xi32, #tpu.memory_space<vmem>> -> memref<128xi32, #tpu.memory_space<vmem>>
        %dma_start3A_112 = arith.constant 0 : i32
        %dma_start3A_113 = tpu.memref_slice %arg11[%dma_start3A_112] : memref<100352xf32, #tpu.memory_space<vmem_shared>> -> memref<100352xf32, #tpu.memory_space<vmem_shared>>
        tpu.enqueue_indirect_dma source(%dma_start3A_113 : memref<100352xf32, #tpu.memory_space<vmem_shared>>) target(%dma_start3A_108 : memref<128xf32, #tpu.memory_space<vmem>>) offsets(%dma_start3A_111 : memref<128xi32, #tpu.memory_space<vmem>>) semaphore(%run_scoped3A_107 : memref<!tpu.dma_semaphore, #tpu.memory_space<semaphore_mem>>)
        %dma_wait3A = arith.constant 640 : i32
        %dma_wait3A_114 = tpu.memref_slice %arg22[%dma_wait3A] : memref<2048xf32, #tpu.memory_space<vmem>> -> memref<128xf32, #tpu.memory_space<vmem>>
        %dma_wait3A_115 = arith.constant 0 : i32
        %dma_wait3A_116 = tpu.memref_slice %arg19[%run_scoped3A_51, %dma_wait3A_115] : memref<16x128xi32, #tpu.memory_space<vmem>> -> memref<1x128xi32, #tpu.memory_space<vmem>>
        %dma_wait3A_117 = tpu.memref_squeeze %dma_wait3A_116 : memref<1x128xi32, #tpu.memory_space<vmem>> -> memref<128xi32, #tpu.memory_space<vmem>>
        %dma_wait3A_118 = arith.constant 0 : i32
        %dma_wait3A_119 = tpu.memref_slice %arg11[%dma_wait3A_118] : memref<100352xf32, #tpu.memory_space<vmem_shared>> -> memref<100352xf32, #tpu.memory_space<vmem_shared>>
        tpu.wait_indirect_dma semaphore(%run_scoped3A_107 : memref<!tpu.dma_semaphore, #tpu.memory_space<semaphore_mem>>) src(%dma_wait3A_119 : memref<100352xf32, #tpu.memory_space<vmem_shared>>) dst(%dma_wait3A_114 : memref<128xf32, #tpu.memory_space<vmem>>)
        tpu.yield
      }) : () -> ()
      %run_scoped3A_52 = arith.constant 5 : i32
      "tpu.region"() ({
        %run_scoped3A_107 = tpu.sem_alloc : memref<!tpu.dma_semaphore, #tpu.memory_space<semaphore_mem>>
        %dma_start3A = arith.constant 640 : i32
        %dma_start3A_108 = tpu.memref_slice %arg23[%dma_start3A] : memref<2048xf32, #tpu.memory_space<vmem>> -> memref<128xf32, #tpu.memory_space<vmem>>
        %dma_start3A_109 = arith.constant 0 : i32
        %dma_start3A_110 = tpu.memref_slice %arg18[%run_scoped3A_52, %dma_start3A_109] : memref<16x128xi32, #tpu.memory_space<vmem>> -> memref<1x128xi32, #tpu.memory_space<vmem>>
        %dma_start3A_111 = tpu.memref_squeeze %dma_start3A_110 : memref<1x128xi32, #tpu.memory_space<vmem>> -> memref<128xi32, #tpu.memory_space<vmem>>
        %dma_start3A_112 = arith.constant 0 : i32
        %dma_start3A_113 = tpu.memref_slice %arg12[%dma_start3A_112] : memref<100352xf32, #tpu.memory_space<vmem_shared>> -> memref<100352xf32, #tpu.memory_space<vmem_shared>>
        tpu.enqueue_indirect_dma source(%dma_start3A_113 : memref<100352xf32, #tpu.memory_space<vmem_shared>>) target(%dma_start3A_108 : memref<128xf32, #tpu.memory_space<vmem>>) offsets(%dma_start3A_111 : memref<128xi32, #tpu.memory_space<vmem>>) semaphore(%run_scoped3A_107 : memref<!tpu.dma_semaphore, #tpu.memory_space<semaphore_mem>>)
        %dma_wait3A = arith.constant 640 : i32
        %dma_wait3A_114 = tpu.memref_slice %arg23[%dma_wait3A] : memref<2048xf32, #tpu.memory_space<vmem>> -> memref<128xf32, #tpu.memory_space<vmem>>
        %dma_wait3A_115 = arith.constant 0 : i32
        %dma_wait3A_116 = tpu.memref_slice %arg18[%run_scoped3A_52, %dma_wait3A_115] : memref<16x128xi32, #tpu.memory_space<vmem>> -> memref<1x128xi32, #tpu.memory_space<vmem>>
        %dma_wait3A_117 = tpu.memref_squeeze %dma_wait3A_116 : memref<1x128xi32, #tpu.memory_space<vmem>> -> memref<128xi32, #tpu.memory_space<vmem>>
        %dma_wait3A_118 = arith.constant 0 : i32
        %dma_wait3A_119 = tpu.memref_slice %arg12[%dma_wait3A_118] : memref<100352xf32, #tpu.memory_space<vmem_shared>> -> memref<100352xf32, #tpu.memory_space<vmem_shared>>
        tpu.wait_indirect_dma semaphore(%run_scoped3A_107 : memref<!tpu.dma_semaphore, #tpu.memory_space<semaphore_mem>>) src(%dma_wait3A_119 : memref<100352xf32, #tpu.memory_space<vmem_shared>>) dst(%dma_wait3A_114 : memref<128xf32, #tpu.memory_space<vmem>>)
        tpu.yield
      }) : () -> ()
      %run_scoped3A_53 = arith.constant 6 : i32
      "tpu.region"() ({
        %run_scoped3A_107 = tpu.sem_alloc : memref<!tpu.dma_semaphore, #tpu.memory_space<semaphore_mem>>
        %dma_start3A = arith.constant 768 : i32
        %dma_start3A_108 = tpu.memref_slice %arg21[%dma_start3A] : memref<2048xf32, #tpu.memory_space<vmem>> -> memref<128xf32, #tpu.memory_space<vmem>>
        %dma_start3A_109 = arith.constant 0 : i32
        %dma_start3A_110 = tpu.memref_slice %arg18[%run_scoped3A_53, %dma_start3A_109] : memref<16x128xi32, #tpu.memory_space<vmem>> -> memref<1x128xi32, #tpu.memory_space<vmem>>
        %dma_start3A_111 = tpu.memref_squeeze %dma_start3A_110 : memref<1x128xi32, #tpu.memory_space<vmem>> -> memref<128xi32, #tpu.memory_space<vmem>>
        %dma_start3A_112 = arith.constant 0 : i32
        %dma_start3A_113 = tpu.memref_slice %arg11[%dma_start3A_112] : memref<100352xf32, #tpu.memory_space<vmem_shared>> -> memref<100352xf32, #tpu.memory_space<vmem_shared>>
        tpu.enqueue_indirect_dma source(%dma_start3A_113 : memref<100352xf32, #tpu.memory_space<vmem_shared>>) target(%dma_start3A_108 : memref<128xf32, #tpu.memory_space<vmem>>) offsets(%dma_start3A_111 : memref<128xi32, #tpu.memory_space<vmem>>) semaphore(%run_scoped3A_107 : memref<!tpu.dma_semaphore, #tpu.memory_space<semaphore_mem>>)
        %dma_wait3A = arith.constant 768 : i32
        %dma_wait3A_114 = tpu.memref_slice %arg21[%dma_wait3A] : memref<2048xf32, #tpu.memory_space<vmem>> -> memref<128xf32, #tpu.memory_space<vmem>>
        %dma_wait3A_115 = arith.constant 0 : i32
        %dma_wait3A_116 = tpu.memref_slice %arg18[%run_scoped3A_53, %dma_wait3A_115] : memref<16x128xi32, #tpu.memory_space<vmem>> -> memref<1x128xi32, #tpu.memory_space<vmem>>
        %dma_wait3A_117 = tpu.memref_squeeze %dma_wait3A_116 : memref<1x128xi32, #tpu.memory_space<vmem>> -> memref<128xi32, #tpu.memory_space<vmem>>
        %dma_wait3A_118 = arith.constant 0 : i32
        %dma_wait3A_119 = tpu.memref_slice %arg11[%dma_wait3A_118] : memref<100352xf32, #tpu.memory_space<vmem_shared>> -> memref<100352xf32, #tpu.memory_space<vmem_shared>>
        tpu.wait_indirect_dma semaphore(%run_scoped3A_107 : memref<!tpu.dma_semaphore, #tpu.memory_space<semaphore_mem>>) src(%dma_wait3A_119 : memref<100352xf32, #tpu.memory_space<vmem_shared>>) dst(%dma_wait3A_114 : memref<128xf32, #tpu.memory_space<vmem>>)
        tpu.yield
      }) : () -> ()
      %run_scoped3A_54 = arith.constant 6 : i32
      "tpu.region"() ({
        %run_scoped3A_107 = tpu.sem_alloc : memref<!tpu.dma_semaphore, #tpu.memory_space<semaphore_mem>>
        %dma_start3A = arith.constant 768 : i32
        %dma_start3A_108 = tpu.memref_slice %arg22[%dma_start3A] : memref<2048xf32, #tpu.memory_space<vmem>> -> memref<128xf32, #tpu.memory_space<vmem>>
        %dma_start3A_109 = arith.constant 0 : i32
        %dma_start3A_110 = tpu.memref_slice %arg19[%run_scoped3A_54, %dma_start3A_109] : memref<16x128xi32, #tpu.memory_space<vmem>> -> memref<1x128xi32, #tpu.memory_space<vmem>>
        %dma_start3A_111 = tpu.memref_squeeze %dma_start3A_110 : memref<1x128xi32, #tpu.memory_space<vmem>> -> memref<128xi32, #tpu.memory_space<vmem>>
        %dma_start3A_112 = arith.constant 0 : i32
        %dma_start3A_113 = tpu.memref_slice %arg11[%dma_start3A_112] : memref<100352xf32, #tpu.memory_space<vmem_shared>> -> memref<100352xf32, #tpu.memory_space<vmem_shared>>
        tpu.enqueue_indirect_dma source(%dma_start3A_113 : memref<100352xf32, #tpu.memory_space<vmem_shared>>) target(%dma_start3A_108 : memref<128xf32, #tpu.memory_space<vmem>>) offsets(%dma_start3A_111 : memref<128xi32, #tpu.memory_space<vmem>>) semaphore(%run_scoped3A_107 : memref<!tpu.dma_semaphore, #tpu.memory_space<semaphore_mem>>)
        %dma_wait3A = arith.constant 768 : i32
        %dma_wait3A_114 = tpu.memref_slice %arg22[%dma_wait3A] : memref<2048xf32, #tpu.memory_space<vmem>> -> memref<128xf32, #tpu.memory_space<vmem>>
        %dma_wait3A_115 = arith.constant 0 : i32
        %dma_wait3A_116 = tpu.memref_slice %arg19[%run_scoped3A_54, %dma_wait3A_115] : memref<16x128xi32, #tpu.memory_space<vmem>> -> memref<1x128xi32, #tpu.memory_space<vmem>>
        %dma_wait3A_117 = tpu.memref_squeeze %dma_wait3A_116 : memref<1x128xi32, #tpu.memory_space<vmem>> -> memref<128xi32, #tpu.memory_space<vmem>>
        %dma_wait3A_118 = arith.constant 0 : i32
        %dma_wait3A_119 = tpu.memref_slice %arg11[%dma_wait3A_118] : memref<100352xf32, #tpu.memory_space<vmem_shared>> -> memref<100352xf32, #tpu.memory_space<vmem_shared>>
        tpu.wait_indirect_dma semaphore(%run_scoped3A_107 : memref<!tpu.dma_semaphore, #tpu.memory_space<semaphore_mem>>) src(%dma_wait3A_119 : memref<100352xf32, #tpu.memory_space<vmem_shared>>) dst(%dma_wait3A_114 : memref<128xf32, #tpu.memory_space<vmem>>)
        tpu.yield
      }) : () -> ()
      %run_scoped3A_55 = arith.constant 6 : i32
      "tpu.region"() ({
        %run_scoped3A_107 = tpu.sem_alloc : memref<!tpu.dma_semaphore, #tpu.memory_space<semaphore_mem>>
        %dma_start3A = arith.constant 768 : i32
        %dma_start3A_108 = tpu.memref_slice %arg23[%dma_start3A] : memref<2048xf32, #tpu.memory_space<vmem>> -> memref<128xf32, #tpu.memory_space<vmem>>
        %dma_start3A_109 = arith.constant 0 : i32
        %dma_start3A_110 = tpu.memref_slice %arg18[%run_scoped3A_55, %dma_start3A_109] : memref<16x128xi32, #tpu.memory_space<vmem>> -> memref<1x128xi32, #tpu.memory_space<vmem>>
        %dma_start3A_111 = tpu.memref_squeeze %dma_start3A_110 : memref<1x128xi32, #tpu.memory_space<vmem>> -> memref<128xi32, #tpu.memory_space<vmem>>
        %dma_start3A_112 = arith.constant 0 : i32
        %dma_start3A_113 = tpu.memref_slice %arg12[%dma_start3A_112] : memref<100352xf32, #tpu.memory_space<vmem_shared>> -> memref<100352xf32, #tpu.memory_space<vmem_shared>>
        tpu.enqueue_indirect_dma source(%dma_start3A_113 : memref<100352xf32, #tpu.memory_space<vmem_shared>>) target(%dma_start3A_108 : memref<128xf32, #tpu.memory_space<vmem>>) offsets(%dma_start3A_111 : memref<128xi32, #tpu.memory_space<vmem>>) semaphore(%run_scoped3A_107 : memref<!tpu.dma_semaphore, #tpu.memory_space<semaphore_mem>>)
        %dma_wait3A = arith.constant 768 : i32
        %dma_wait3A_114 = tpu.memref_slice %arg23[%dma_wait3A] : memref<2048xf32, #tpu.memory_space<vmem>> -> memref<128xf32, #tpu.memory_space<vmem>>
        %dma_wait3A_115 = arith.constant 0 : i32
        %dma_wait3A_116 = tpu.memref_slice %arg18[%run_scoped3A_55, %dma_wait3A_115] : memref<16x128xi32, #tpu.memory_space<vmem>> -> memref<1x128xi32, #tpu.memory_space<vmem>>
        %dma_wait3A_117 = tpu.memref_squeeze %dma_wait3A_116 : memref<1x128xi32, #tpu.memory_space<vmem>> -> memref<128xi32, #tpu.memory_space<vmem>>
        %dma_wait3A_118 = arith.constant 0 : i32
        %dma_wait3A_119 = tpu.memref_slice %arg12[%dma_wait3A_118] : memref<100352xf32, #tpu.memory_space<vmem_shared>> -> memref<100352xf32, #tpu.memory_space<vmem_shared>>
        tpu.wait_indirect_dma semaphore(%run_scoped3A_107 : memref<!tpu.dma_semaphore, #tpu.memory_space<semaphore_mem>>) src(%dma_wait3A_119 : memref<100352xf32, #tpu.memory_space<vmem_shared>>) dst(%dma_wait3A_114 : memref<128xf32, #tpu.memory_space<vmem>>)
        tpu.yield
      }) : () -> ()
      %run_scoped3A_56 = arith.constant 7 : i32
      "tpu.region"() ({
        %run_scoped3A_107 = tpu.sem_alloc : memref<!tpu.dma_semaphore, #tpu.memory_space<semaphore_mem>>
        %dma_start3A = arith.constant 896 : i32
        %dma_start3A_108 = tpu.memref_slice %arg21[%dma_start3A] : memref<2048xf32, #tpu.memory_space<vmem>> -> memref<128xf32, #tpu.memory_space<vmem>>
        %dma_start3A_109 = arith.constant 0 : i32
        %dma_start3A_110 = tpu.memref_slice %arg18[%run_scoped3A_56, %dma_start3A_109] : memref<16x128xi32, #tpu.memory_space<vmem>> -> memref<1x128xi32, #tpu.memory_space<vmem>>
        %dma_start3A_111 = tpu.memref_squeeze %dma_start3A_110 : memref<1x128xi32, #tpu.memory_space<vmem>> -> memref<128xi32, #tpu.memory_space<vmem>>
        %dma_start3A_112 = arith.constant 0 : i32
        %dma_start3A_113 = tpu.memref_slice %arg11[%dma_start3A_112] : memref<100352xf32, #tpu.memory_space<vmem_shared>> -> memref<100352xf32, #tpu.memory_space<vmem_shared>>
        tpu.enqueue_indirect_dma source(%dma_start3A_113 : memref<100352xf32, #tpu.memory_space<vmem_shared>>) target(%dma_start3A_108 : memref<128xf32, #tpu.memory_space<vmem>>) offsets(%dma_start3A_111 : memref<128xi32, #tpu.memory_space<vmem>>) semaphore(%run_scoped3A_107 : memref<!tpu.dma_semaphore, #tpu.memory_space<semaphore_mem>>)
        %dma_wait3A = arith.constant 896 : i32
        %dma_wait3A_114 = tpu.memref_slice %arg21[%dma_wait3A] : memref<2048xf32, #tpu.memory_space<vmem>> -> memref<128xf32, #tpu.memory_space<vmem>>
        %dma_wait3A_115 = arith.constant 0 : i32
        %dma_wait3A_116 = tpu.memref_slice %arg18[%run_scoped3A_56, %dma_wait3A_115] : memref<16x128xi32, #tpu.memory_space<vmem>> -> memref<1x128xi32, #tpu.memory_space<vmem>>
        %dma_wait3A_117 = tpu.memref_squeeze %dma_wait3A_116 : memref<1x128xi32, #tpu.memory_space<vmem>> -> memref<128xi32, #tpu.memory_space<vmem>>
        %dma_wait3A_118 = arith.constant 0 : i32
        %dma_wait3A_119 = tpu.memref_slice %arg11[%dma_wait3A_118] : memref<100352xf32, #tpu.memory_space<vmem_shared>> -> memref<100352xf32, #tpu.memory_space<vmem_shared>>
        tpu.wait_indirect_dma semaphore(%run_scoped3A_107 : memref<!tpu.dma_semaphore, #tpu.memory_space<semaphore_mem>>) src(%dma_wait3A_119 : memref<100352xf32, #tpu.memory_space<vmem_shared>>) dst(%dma_wait3A_114 : memref<128xf32, #tpu.memory_space<vmem>>)
        tpu.yield
      }) : () -> ()
      %run_scoped3A_57 = arith.constant 7 : i32
      "tpu.region"() ({
        %run_scoped3A_107 = tpu.sem_alloc : memref<!tpu.dma_semaphore, #tpu.memory_space<semaphore_mem>>
        %dma_start3A = arith.constant 896 : i32
        %dma_start3A_108 = tpu.memref_slice %arg22[%dma_start3A] : memref<2048xf32, #tpu.memory_space<vmem>> -> memref<128xf32, #tpu.memory_space<vmem>>
        %dma_start3A_109 = arith.constant 0 : i32
        %dma_start3A_110 = tpu.memref_slice %arg19[%run_scoped3A_57, %dma_start3A_109] : memref<16x128xi32, #tpu.memory_space<vmem>> -> memref<1x128xi32, #tpu.memory_space<vmem>>
        %dma_start3A_111 = tpu.memref_squeeze %dma_start3A_110 : memref<1x128xi32, #tpu.memory_space<vmem>> -> memref<128xi32, #tpu.memory_space<vmem>>
        %dma_start3A_112 = arith.constant 0 : i32
        %dma_start3A_113 = tpu.memref_slice %arg11[%dma_start3A_112] : memref<100352xf32, #tpu.memory_space<vmem_shared>> -> memref<100352xf32, #tpu.memory_space<vmem_shared>>
        tpu.enqueue_indirect_dma source(%dma_start3A_113 : memref<100352xf32, #tpu.memory_space<vmem_shared>>) target(%dma_start3A_108 : memref<128xf32, #tpu.memory_space<vmem>>) offsets(%dma_start3A_111 : memref<128xi32, #tpu.memory_space<vmem>>) semaphore(%run_scoped3A_107 : memref<!tpu.dma_semaphore, #tpu.memory_space<semaphore_mem>>)
        %dma_wait3A = arith.constant 896 : i32
        %dma_wait3A_114 = tpu.memref_slice %arg22[%dma_wait3A] : memref<2048xf32, #tpu.memory_space<vmem>> -> memref<128xf32, #tpu.memory_space<vmem>>
        %dma_wait3A_115 = arith.constant 0 : i32
        %dma_wait3A_116 = tpu.memref_slice %arg19[%run_scoped3A_57, %dma_wait3A_115] : memref<16x128xi32, #tpu.memory_space<vmem>> -> memref<1x128xi32, #tpu.memory_space<vmem>>
        %dma_wait3A_117 = tpu.memref_squeeze %dma_wait3A_116 : memref<1x128xi32, #tpu.memory_space<vmem>> -> memref<128xi32, #tpu.memory_space<vmem>>
        %dma_wait3A_118 = arith.constant 0 : i32
        %dma_wait3A_119 = tpu.memref_slice %arg11[%dma_wait3A_118] : memref<100352xf32, #tpu.memory_space<vmem_shared>> -> memref<100352xf32, #tpu.memory_space<vmem_shared>>
        tpu.wait_indirect_dma semaphore(%run_scoped3A_107 : memref<!tpu.dma_semaphore, #tpu.memory_space<semaphore_mem>>) src(%dma_wait3A_119 : memref<100352xf32, #tpu.memory_space<vmem_shared>>) dst(%dma_wait3A_114 : memref<128xf32, #tpu.memory_space<vmem>>)
        tpu.yield
      }) : () -> ()
      %run_scoped3A_58 = arith.constant 7 : i32
      "tpu.region"() ({
        %run_scoped3A_107 = tpu.sem_alloc : memref<!tpu.dma_semaphore, #tpu.memory_space<semaphore_mem>>
        %dma_start3A = arith.constant 896 : i32
        %dma_start3A_108 = tpu.memref_slice %arg23[%dma_start3A] : memref<2048xf32, #tpu.memory_space<vmem>> -> memref<128xf32, #tpu.memory_space<vmem>>
        %dma_start3A_109 = arith.constant 0 : i32
        %dma_start3A_110 = tpu.memref_slice %arg18[%run_scoped3A_58, %dma_start3A_109] : memref<16x128xi32, #tpu.memory_space<vmem>> -> memref<1x128xi32, #tpu.memory_space<vmem>>
        %dma_start3A_111 = tpu.memref_squeeze %dma_start3A_110 : memref<1x128xi32, #tpu.memory_space<vmem>> -> memref<128xi32, #tpu.memory_space<vmem>>
        %dma_start3A_112 = arith.constant 0 : i32
        %dma_start3A_113 = tpu.memref_slice %arg12[%dma_start3A_112] : memref<100352xf32, #tpu.memory_space<vmem_shared>> -> memref<100352xf32, #tpu.memory_space<vmem_shared>>
        tpu.enqueue_indirect_dma source(%dma_start3A_113 : memref<100352xf32, #tpu.memory_space<vmem_shared>>) target(%dma_start3A_108 : memref<128xf32, #tpu.memory_space<vmem>>) offsets(%dma_start3A_111 : memref<128xi32, #tpu.memory_space<vmem>>) semaphore(%run_scoped3A_107 : memref<!tpu.dma_semaphore, #tpu.memory_space<semaphore_mem>>)
        %dma_wait3A = arith.constant 896 : i32
        %dma_wait3A_114 = tpu.memref_slice %arg23[%dma_wait3A] : memref<2048xf32, #tpu.memory_space<vmem>> -> memref<128xf32, #tpu.memory_space<vmem>>
        %dma_wait3A_115 = arith.constant 0 : i32
        %dma_wait3A_116 = tpu.memref_slice %arg18[%run_scoped3A_58, %dma_wait3A_115] : memref<16x128xi32, #tpu.memory_space<vmem>> -> memref<1x128xi32, #tpu.memory_space<vmem>>
        %dma_wait3A_117 = tpu.memref_squeeze %dma_wait3A_116 : memref<1x128xi32, #tpu.memory_space<vmem>> -> memref<128xi32, #tpu.memory_space<vmem>>
        %dma_wait3A_118 = arith.constant 0 : i32
        %dma_wait3A_119 = tpu.memref_slice %arg12[%dma_wait3A_118] : memref<100352xf32, #tpu.memory_space<vmem_shared>> -> memref<100352xf32, #tpu.memory_space<vmem_shared>>
        tpu.wait_indirect_dma semaphore(%run_scoped3A_107 : memref<!tpu.dma_semaphore, #tpu.memory_space<semaphore_mem>>) src(%dma_wait3A_119 : memref<100352xf32, #tpu.memory_space<vmem_shared>>) dst(%dma_wait3A_114 : memref<128xf32, #tpu.memory_space<vmem>>)
        tpu.yield
      }) : () -> ()
      %run_scoped3A_59 = arith.constant 8 : i32
      "tpu.region"() ({
        %run_scoped3A_107 = tpu.sem_alloc : memref<!tpu.dma_semaphore, #tpu.memory_space<semaphore_mem>>
        %dma_start3A = arith.constant 1024 : i32
        %dma_start3A_108 = tpu.memref_slice %arg21[%dma_start3A] : memref<2048xf32, #tpu.memory_space<vmem>> -> memref<128xf32, #tpu.memory_space<vmem>>
        %dma_start3A_109 = arith.constant 0 : i32
        %dma_start3A_110 = tpu.memref_slice %arg18[%run_scoped3A_59, %dma_start3A_109] : memref<16x128xi32, #tpu.memory_space<vmem>> -> memref<1x128xi32, #tpu.memory_space<vmem>>
        %dma_start3A_111 = tpu.memref_squeeze %dma_start3A_110 : memref<1x128xi32, #tpu.memory_space<vmem>> -> memref<128xi32, #tpu.memory_space<vmem>>
        %dma_start3A_112 = arith.constant 0 : i32
        %dma_start3A_113 = tpu.memref_slice %arg11[%dma_start3A_112] : memref<100352xf32, #tpu.memory_space<vmem_shared>> -> memref<100352xf32, #tpu.memory_space<vmem_shared>>
        tpu.enqueue_indirect_dma source(%dma_start3A_113 : memref<100352xf32, #tpu.memory_space<vmem_shared>>) target(%dma_start3A_108 : memref<128xf32, #tpu.memory_space<vmem>>) offsets(%dma_start3A_111 : memref<128xi32, #tpu.memory_space<vmem>>) semaphore(%run_scoped3A_107 : memref<!tpu.dma_semaphore, #tpu.memory_space<semaphore_mem>>)
        %dma_wait3A = arith.constant 1024 : i32
        %dma_wait3A_114 = tpu.memref_slice %arg21[%dma_wait3A] : memref<2048xf32, #tpu.memory_space<vmem>> -> memref<128xf32, #tpu.memory_space<vmem>>
        %dma_wait3A_115 = arith.constant 0 : i32
        %dma_wait3A_116 = tpu.memref_slice %arg18[%run_scoped3A_59, %dma_wait3A_115] : memref<16x128xi32, #tpu.memory_space<vmem>> -> memref<1x128xi32, #tpu.memory_space<vmem>>
        %dma_wait3A_117 = tpu.memref_squeeze %dma_wait3A_116 : memref<1x128xi32, #tpu.memory_space<vmem>> -> memref<128xi32, #tpu.memory_space<vmem>>
        %dma_wait3A_118 = arith.constant 0 : i32
        %dma_wait3A_119 = tpu.memref_slice %arg11[%dma_wait3A_118] : memref<100352xf32, #tpu.memory_space<vmem_shared>> -> memref<100352xf32, #tpu.memory_space<vmem_shared>>
        tpu.wait_indirect_dma semaphore(%run_scoped3A_107 : memref<!tpu.dma_semaphore, #tpu.memory_space<semaphore_mem>>) src(%dma_wait3A_119 : memref<100352xf32, #tpu.memory_space<vmem_shared>>) dst(%dma_wait3A_114 : memref<128xf32, #tpu.memory_space<vmem>>)
        tpu.yield
      }) : () -> ()
      %run_scoped3A_60 = arith.constant 8 : i32
      "tpu.region"() ({
        %run_scoped3A_107 = tpu.sem_alloc : memref<!tpu.dma_semaphore, #tpu.memory_space<semaphore_mem>>
        %dma_start3A = arith.constant 1024 : i32
        %dma_start3A_108 = tpu.memref_slice %arg22[%dma_start3A] : memref<2048xf32, #tpu.memory_space<vmem>> -> memref<128xf32, #tpu.memory_space<vmem>>
        %dma_start3A_109 = arith.constant 0 : i32
        %dma_start3A_110 = tpu.memref_slice %arg19[%run_scoped3A_60, %dma_start3A_109] : memref<16x128xi32, #tpu.memory_space<vmem>> -> memref<1x128xi32, #tpu.memory_space<vmem>>
        %dma_start3A_111 = tpu.memref_squeeze %dma_start3A_110 : memref<1x128xi32, #tpu.memory_space<vmem>> -> memref<128xi32, #tpu.memory_space<vmem>>
        %dma_start3A_112 = arith.constant 0 : i32
        %dma_start3A_113 = tpu.memref_slice %arg11[%dma_start3A_112] : memref<100352xf32, #tpu.memory_space<vmem_shared>> -> memref<100352xf32, #tpu.memory_space<vmem_shared>>
        tpu.enqueue_indirect_dma source(%dma_start3A_113 : memref<100352xf32, #tpu.memory_space<vmem_shared>>) target(%dma_start3A_108 : memref<128xf32, #tpu.memory_space<vmem>>) offsets(%dma_start3A_111 : memref<128xi32, #tpu.memory_space<vmem>>) semaphore(%run_scoped3A_107 : memref<!tpu.dma_semaphore, #tpu.memory_space<semaphore_mem>>)
        %dma_wait3A = arith.constant 1024 : i32
        %dma_wait3A_114 = tpu.memref_slice %arg22[%dma_wait3A] : memref<2048xf32, #tpu.memory_space<vmem>> -> memref<128xf32, #tpu.memory_space<vmem>>
        %dma_wait3A_115 = arith.constant 0 : i32
        %dma_wait3A_116 = tpu.memref_slice %arg19[%run_scoped3A_60, %dma_wait3A_115] : memref<16x128xi32, #tpu.memory_space<vmem>> -> memref<1x128xi32, #tpu.memory_space<vmem>>
        %dma_wait3A_117 = tpu.memref_squeeze %dma_wait3A_116 : memref<1x128xi32, #tpu.memory_space<vmem>> -> memref<128xi32, #tpu.memory_space<vmem>>
        %dma_wait3A_118 = arith.constant 0 : i32
        %dma_wait3A_119 = tpu.memref_slice %arg11[%dma_wait3A_118] : memref<100352xf32, #tpu.memory_space<vmem_shared>> -> memref<100352xf32, #tpu.memory_space<vmem_shared>>
        tpu.wait_indirect_dma semaphore(%run_scoped3A_107 : memref<!tpu.dma_semaphore, #tpu.memory_space<semaphore_mem>>) src(%dma_wait3A_119 : memref<100352xf32, #tpu.memory_space<vmem_shared>>) dst(%dma_wait3A_114 : memref<128xf32, #tpu.memory_space<vmem>>)
        tpu.yield
      }) : () -> ()
      %run_scoped3A_61 = arith.constant 8 : i32
      "tpu.region"() ({
        %run_scoped3A_107 = tpu.sem_alloc : memref<!tpu.dma_semaphore, #tpu.memory_space<semaphore_mem>>
        %dma_start3A = arith.constant 1024 : i32
        %dma_start3A_108 = tpu.memref_slice %arg23[%dma_start3A] : memref<2048xf32, #tpu.memory_space<vmem>> -> memref<128xf32, #tpu.memory_space<vmem>>
        %dma_start3A_109 = arith.constant 0 : i32
        %dma_start3A_110 = tpu.memref_slice %arg18[%run_scoped3A_61, %dma_start3A_109] : memref<16x128xi32, #tpu.memory_space<vmem>> -> memref<1x128xi32, #tpu.memory_space<vmem>>
        %dma_start3A_111 = tpu.memref_squeeze %dma_start3A_110 : memref<1x128xi32, #tpu.memory_space<vmem>> -> memref<128xi32, #tpu.memory_space<vmem>>
        %dma_start3A_112 = arith.constant 0 : i32
        %dma_start3A_113 = tpu.memref_slice %arg12[%dma_start3A_112] : memref<100352xf32, #tpu.memory_space<vmem_shared>> -> memref<100352xf32, #tpu.memory_space<vmem_shared>>
        tpu.enqueue_indirect_dma source(%dma_start3A_113 : memref<100352xf32, #tpu.memory_space<vmem_shared>>) target(%dma_start3A_108 : memref<128xf32, #tpu.memory_space<vmem>>) offsets(%dma_start3A_111 : memref<128xi32, #tpu.memory_space<vmem>>) semaphore(%run_scoped3A_107 : memref<!tpu.dma_semaphore, #tpu.memory_space<semaphore_mem>>)
        %dma_wait3A = arith.constant 1024 : i32
        %dma_wait3A_114 = tpu.memref_slice %arg23[%dma_wait3A] : memref<2048xf32, #tpu.memory_space<vmem>> -> memref<128xf32, #tpu.memory_space<vmem>>
        %dma_wait3A_115 = arith.constant 0 : i32
        %dma_wait3A_116 = tpu.memref_slice %arg18[%run_scoped3A_61, %dma_wait3A_115] : memref<16x128xi32, #tpu.memory_space<vmem>> -> memref<1x128xi32, #tpu.memory_space<vmem>>
        %dma_wait3A_117 = tpu.memref_squeeze %dma_wait3A_116 : memref<1x128xi32, #tpu.memory_space<vmem>> -> memref<128xi32, #tpu.memory_space<vmem>>
        %dma_wait3A_118 = arith.constant 0 : i32
        %dma_wait3A_119 = tpu.memref_slice %arg12[%dma_wait3A_118] : memref<100352xf32, #tpu.memory_space<vmem_shared>> -> memref<100352xf32, #tpu.memory_space<vmem_shared>>
        tpu.wait_indirect_dma semaphore(%run_scoped3A_107 : memref<!tpu.dma_semaphore, #tpu.memory_space<semaphore_mem>>) src(%dma_wait3A_119 : memref<100352xf32, #tpu.memory_space<vmem_shared>>) dst(%dma_wait3A_114 : memref<128xf32, #tpu.memory_space<vmem>>)
        tpu.yield
      }) : () -> ()
      %run_scoped3A_62 = arith.constant 9 : i32
      "tpu.region"() ({
        %run_scoped3A_107 = tpu.sem_alloc : memref<!tpu.dma_semaphore, #tpu.memory_space<semaphore_mem>>
        %dma_start3A = arith.constant 1152 : i32
        %dma_start3A_108 = tpu.memref_slice %arg21[%dma_start3A] : memref<2048xf32, #tpu.memory_space<vmem>> -> memref<128xf32, #tpu.memory_space<vmem>>
        %dma_start3A_109 = arith.constant 0 : i32
        %dma_start3A_110 = tpu.memref_slice %arg18[%run_scoped3A_62, %dma_start3A_109] : memref<16x128xi32, #tpu.memory_space<vmem>> -> memref<1x128xi32, #tpu.memory_space<vmem>>
        %dma_start3A_111 = tpu.memref_squeeze %dma_start3A_110 : memref<1x128xi32, #tpu.memory_space<vmem>> -> memref<128xi32, #tpu.memory_space<vmem>>
        %dma_start3A_112 = arith.constant 0 : i32
        %dma_start3A_113 = tpu.memref_slice %arg11[%dma_start3A_112] : memref<100352xf32, #tpu.memory_space<vmem_shared>> -> memref<100352xf32, #tpu.memory_space<vmem_shared>>
        tpu.enqueue_indirect_dma source(%dma_start3A_113 : memref<100352xf32, #tpu.memory_space<vmem_shared>>) target(%dma_start3A_108 : memref<128xf32, #tpu.memory_space<vmem>>) offsets(%dma_start3A_111 : memref<128xi32, #tpu.memory_space<vmem>>) semaphore(%run_scoped3A_107 : memref<!tpu.dma_semaphore, #tpu.memory_space<semaphore_mem>>)
        %dma_wait3A = arith.constant 1152 : i32
        %dma_wait3A_114 = tpu.memref_slice %arg21[%dma_wait3A] : memref<2048xf32, #tpu.memory_space<vmem>> -> memref<128xf32, #tpu.memory_space<vmem>>
        %dma_wait3A_115 = arith.constant 0 : i32
        %dma_wait3A_116 = tpu.memref_slice %arg18[%run_scoped3A_62, %dma_wait3A_115] : memref<16x128xi32, #tpu.memory_space<vmem>> -> memref<1x128xi32, #tpu.memory_space<vmem>>
        %dma_wait3A_117 = tpu.memref_squeeze %dma_wait3A_116 : memref<1x128xi32, #tpu.memory_space<vmem>> -> memref<128xi32, #tpu.memory_space<vmem>>
        %dma_wait3A_118 = arith.constant 0 : i32
        %dma_wait3A_119 = tpu.memref_slice %arg11[%dma_wait3A_118] : memref<100352xf32, #tpu.memory_space<vmem_shared>> -> memref<100352xf32, #tpu.memory_space<vmem_shared>>
        tpu.wait_indirect_dma semaphore(%run_scoped3A_107 : memref<!tpu.dma_semaphore, #tpu.memory_space<semaphore_mem>>) src(%dma_wait3A_119 : memref<100352xf32, #tpu.memory_space<vmem_shared>>) dst(%dma_wait3A_114 : memref<128xf32, #tpu.memory_space<vmem>>)
        tpu.yield
      }) : () -> ()
      %run_scoped3A_63 = arith.constant 9 : i32
      "tpu.region"() ({
        %run_scoped3A_107 = tpu.sem_alloc : memref<!tpu.dma_semaphore, #tpu.memory_space<semaphore_mem>>
        %dma_start3A = arith.constant 1152 : i32
        %dma_start3A_108 = tpu.memref_slice %arg22[%dma_start3A] : memref<2048xf32, #tpu.memory_space<vmem>> -> memref<128xf32, #tpu.memory_space<vmem>>
        %dma_start3A_109 = arith.constant 0 : i32
        %dma_start3A_110 = tpu.memref_slice %arg19[%run_scoped3A_63, %dma_start3A_109] : memref<16x128xi32, #tpu.memory_space<vmem>> -> memref<1x128xi32, #tpu.memory_space<vmem>>
        %dma_start3A_111 = tpu.memref_squeeze %dma_start3A_110 : memref<1x128xi32, #tpu.memory_space<vmem>> -> memref<128xi32, #tpu.memory_space<vmem>>
        %dma_start3A_112 = arith.constant 0 : i32
        %dma_start3A_113 = tpu.memref_slice %arg11[%dma_start3A_112] : memref<100352xf32, #tpu.memory_space<vmem_shared>> -> memref<100352xf32, #tpu.memory_space<vmem_shared>>
        tpu.enqueue_indirect_dma source(%dma_start3A_113 : memref<100352xf32, #tpu.memory_space<vmem_shared>>) target(%dma_start3A_108 : memref<128xf32, #tpu.memory_space<vmem>>) offsets(%dma_start3A_111 : memref<128xi32, #tpu.memory_space<vmem>>) semaphore(%run_scoped3A_107 : memref<!tpu.dma_semaphore, #tpu.memory_space<semaphore_mem>>)
        %dma_wait3A = arith.constant 1152 : i32
        %dma_wait3A_114 = tpu.memref_slice %arg22[%dma_wait3A] : memref<2048xf32, #tpu.memory_space<vmem>> -> memref<128xf32, #tpu.memory_space<vmem>>
        %dma_wait3A_115 = arith.constant 0 : i32
        %dma_wait3A_116 = tpu.memref_slice %arg19[%run_scoped3A_63, %dma_wait3A_115] : memref<16x128xi32, #tpu.memory_space<vmem>> -> memref<1x128xi32, #tpu.memory_space<vmem>>
        %dma_wait3A_117 = tpu.memref_squeeze %dma_wait3A_116 : memref<1x128xi32, #tpu.memory_space<vmem>> -> memref<128xi32, #tpu.memory_space<vmem>>
        %dma_wait3A_118 = arith.constant 0 : i32
        %dma_wait3A_119 = tpu.memref_slice %arg11[%dma_wait3A_118] : memref<100352xf32, #tpu.memory_space<vmem_shared>> -> memref<100352xf32, #tpu.memory_space<vmem_shared>>
        tpu.wait_indirect_dma semaphore(%run_scoped3A_107 : memref<!tpu.dma_semaphore, #tpu.memory_space<semaphore_mem>>) src(%dma_wait3A_119 : memref<100352xf32, #tpu.memory_space<vmem_shared>>) dst(%dma_wait3A_114 : memref<128xf32, #tpu.memory_space<vmem>>)
        tpu.yield
      }) : () -> ()
      %run_scoped3A_64 = arith.constant 9 : i32
      "tpu.region"() ({
        %run_scoped3A_107 = tpu.sem_alloc : memref<!tpu.dma_semaphore, #tpu.memory_space<semaphore_mem>>
        %dma_start3A = arith.constant 1152 : i32
        %dma_start3A_108 = tpu.memref_slice %arg23[%dma_start3A] : memref<2048xf32, #tpu.memory_space<vmem>> -> memref<128xf32, #tpu.memory_space<vmem>>
        %dma_start3A_109 = arith.constant 0 : i32
        %dma_start3A_110 = tpu.memref_slice %arg18[%run_scoped3A_64, %dma_start3A_109] : memref<16x128xi32, #tpu.memory_space<vmem>> -> memref<1x128xi32, #tpu.memory_space<vmem>>
        %dma_start3A_111 = tpu.memref_squeeze %dma_start3A_110 : memref<1x128xi32, #tpu.memory_space<vmem>> -> memref<128xi32, #tpu.memory_space<vmem>>
        %dma_start3A_112 = arith.constant 0 : i32
        %dma_start3A_113 = tpu.memref_slice %arg12[%dma_start3A_112] : memref<100352xf32, #tpu.memory_space<vmem_shared>> -> memref<100352xf32, #tpu.memory_space<vmem_shared>>
        tpu.enqueue_indirect_dma source(%dma_start3A_113 : memref<100352xf32, #tpu.memory_space<vmem_shared>>) target(%dma_start3A_108 : memref<128xf32, #tpu.memory_space<vmem>>) offsets(%dma_start3A_111 : memref<128xi32, #tpu.memory_space<vmem>>) semaphore(%run_scoped3A_107 : memref<!tpu.dma_semaphore, #tpu.memory_space<semaphore_mem>>)
        %dma_wait3A = arith.constant 1152 : i32
        %dma_wait3A_114 = tpu.memref_slice %arg23[%dma_wait3A] : memref<2048xf32, #tpu.memory_space<vmem>> -> memref<128xf32, #tpu.memory_space<vmem>>
        %dma_wait3A_115 = arith.constant 0 : i32
        %dma_wait3A_116 = tpu.memref_slice %arg18[%run_scoped3A_64, %dma_wait3A_115] : memref<16x128xi32, #tpu.memory_space<vmem>> -> memref<1x128xi32, #tpu.memory_space<vmem>>
        %dma_wait3A_117 = tpu.memref_squeeze %dma_wait3A_116 : memref<1x128xi32, #tpu.memory_space<vmem>> -> memref<128xi32, #tpu.memory_space<vmem>>
        %dma_wait3A_118 = arith.constant 0 : i32
        %dma_wait3A_119 = tpu.memref_slice %arg12[%dma_wait3A_118] : memref<100352xf32, #tpu.memory_space<vmem_shared>> -> memref<100352xf32, #tpu.memory_space<vmem_shared>>
        tpu.wait_indirect_dma semaphore(%run_scoped3A_107 : memref<!tpu.dma_semaphore, #tpu.memory_space<semaphore_mem>>) src(%dma_wait3A_119 : memref<100352xf32, #tpu.memory_space<vmem_shared>>) dst(%dma_wait3A_114 : memref<128xf32, #tpu.memory_space<vmem>>)
        tpu.yield
      }) : () -> ()
      %run_scoped3A_65 = arith.constant 10 : i32
      "tpu.region"() ({
        %run_scoped3A_107 = tpu.sem_alloc : memref<!tpu.dma_semaphore, #tpu.memory_space<semaphore_mem>>
        %dma_start3A = arith.constant 1280 : i32
        %dma_start3A_108 = tpu.memref_slice %arg21[%dma_start3A] : memref<2048xf32, #tpu.memory_space<vmem>> -> memref<128xf32, #tpu.memory_space<vmem>>
        %dma_start3A_109 = arith.constant 0 : i32
        %dma_start3A_110 = tpu.memref_slice %arg18[%run_scoped3A_65, %dma_start3A_109] : memref<16x128xi32, #tpu.memory_space<vmem>> -> memref<1x128xi32, #tpu.memory_space<vmem>>
        %dma_start3A_111 = tpu.memref_squeeze %dma_start3A_110 : memref<1x128xi32, #tpu.memory_space<vmem>> -> memref<128xi32, #tpu.memory_space<vmem>>
        %dma_start3A_112 = arith.constant 0 : i32
        %dma_start3A_113 = tpu.memref_slice %arg11[%dma_start3A_112] : memref<100352xf32, #tpu.memory_space<vmem_shared>> -> memref<100352xf32, #tpu.memory_space<vmem_shared>>
        tpu.enqueue_indirect_dma source(%dma_start3A_113 : memref<100352xf32, #tpu.memory_space<vmem_shared>>) target(%dma_start3A_108 : memref<128xf32, #tpu.memory_space<vmem>>) offsets(%dma_start3A_111 : memref<128xi32, #tpu.memory_space<vmem>>) semaphore(%run_scoped3A_107 : memref<!tpu.dma_semaphore, #tpu.memory_space<semaphore_mem>>)
        %dma_wait3A = arith.constant 1280 : i32
        %dma_wait3A_114 = tpu.memref_slice %arg21[%dma_wait3A] : memref<2048xf32, #tpu.memory_space<vmem>> -> memref<128xf32, #tpu.memory_space<vmem>>
        %dma_wait3A_115 = arith.constant 0 : i32
        %dma_wait3A_116 = tpu.memref_slice %arg18[%run_scoped3A_65, %dma_wait3A_115] : memref<16x128xi32, #tpu.memory_space<vmem>> -> memref<1x128xi32, #tpu.memory_space<vmem>>
        %dma_wait3A_117 = tpu.memref_squeeze %dma_wait3A_116 : memref<1x128xi32, #tpu.memory_space<vmem>> -> memref<128xi32, #tpu.memory_space<vmem>>
        %dma_wait3A_118 = arith.constant 0 : i32
        %dma_wait3A_119 = tpu.memref_slice %arg11[%dma_wait3A_118] : memref<100352xf32, #tpu.memory_space<vmem_shared>> -> memref<100352xf32, #tpu.memory_space<vmem_shared>>
        tpu.wait_indirect_dma semaphore(%run_scoped3A_107 : memref<!tpu.dma_semaphore, #tpu.memory_space<semaphore_mem>>) src(%dma_wait3A_119 : memref<100352xf32, #tpu.memory_space<vmem_shared>>) dst(%dma_wait3A_114 : memref<128xf32, #tpu.memory_space<vmem>>)
        tpu.yield
      }) : () -> ()
      %run_scoped3A_66 = arith.constant 10 : i32
      "tpu.region"() ({
        %run_scoped3A_107 = tpu.sem_alloc : memref<!tpu.dma_semaphore, #tpu.memory_space<semaphore_mem>>
        %dma_start3A = arith.constant 1280 : i32
        %dma_start3A_108 = tpu.memref_slice %arg22[%dma_start3A] : memref<2048xf32, #tpu.memory_space<vmem>> -> memref<128xf32, #tpu.memory_space<vmem>>
        %dma_start3A_109 = arith.constant 0 : i32
        %dma_start3A_110 = tpu.memref_slice %arg19[%run_scoped3A_66, %dma_start3A_109] : memref<16x128xi32, #tpu.memory_space<vmem>> -> memref<1x128xi32, #tpu.memory_space<vmem>>
        %dma_start3A_111 = tpu.memref_squeeze %dma_start3A_110 : memref<1x128xi32, #tpu.memory_space<vmem>> -> memref<128xi32, #tpu.memory_space<vmem>>
        %dma_start3A_112 = arith.constant 0 : i32
        %dma_start3A_113 = tpu.memref_slice %arg11[%dma_start3A_112] : memref<100352xf32, #tpu.memory_space<vmem_shared>> -> memref<100352xf32, #tpu.memory_space<vmem_shared>>
        tpu.enqueue_indirect_dma source(%dma_start3A_113 : memref<100352xf32, #tpu.memory_space<vmem_shared>>) target(%dma_start3A_108 : memref<128xf32, #tpu.memory_space<vmem>>) offsets(%dma_start3A_111 : memref<128xi32, #tpu.memory_space<vmem>>) semaphore(%run_scoped3A_107 : memref<!tpu.dma_semaphore, #tpu.memory_space<semaphore_mem>>)
        %dma_wait3A = arith.constant 1280 : i32
        %dma_wait3A_114 = tpu.memref_slice %arg22[%dma_wait3A] : memref<2048xf32, #tpu.memory_space<vmem>> -> memref<128xf32, #tpu.memory_space<vmem>>
        %dma_wait3A_115 = arith.constant 0 : i32
        %dma_wait3A_116 = tpu.memref_slice %arg19[%run_scoped3A_66, %dma_wait3A_115] : memref<16x128xi32, #tpu.memory_space<vmem>> -> memref<1x128xi32, #tpu.memory_space<vmem>>
        %dma_wait3A_117 = tpu.memref_squeeze %dma_wait3A_116 : memref<1x128xi32, #tpu.memory_space<vmem>> -> memref<128xi32, #tpu.memory_space<vmem>>
        %dma_wait3A_118 = arith.constant 0 : i32
        %dma_wait3A_119 = tpu.memref_slice %arg11[%dma_wait3A_118] : memref<100352xf32, #tpu.memory_space<vmem_shared>> -> memref<100352xf32, #tpu.memory_space<vmem_shared>>
        tpu.wait_indirect_dma semaphore(%run_scoped3A_107 : memref<!tpu.dma_semaphore, #tpu.memory_space<semaphore_mem>>) src(%dma_wait3A_119 : memref<100352xf32, #tpu.memory_space<vmem_shared>>) dst(%dma_wait3A_114 : memref<128xf32, #tpu.memory_space<vmem>>)
        tpu.yield
      }) : () -> ()
      %run_scoped3A_67 = arith.constant 10 : i32
      "tpu.region"() ({
        %run_scoped3A_107 = tpu.sem_alloc : memref<!tpu.dma_semaphore, #tpu.memory_space<semaphore_mem>>
        %dma_start3A = arith.constant 1280 : i32
        %dma_start3A_108 = tpu.memref_slice %arg23[%dma_start3A] : memref<2048xf32, #tpu.memory_space<vmem>> -> memref<128xf32, #tpu.memory_space<vmem>>
        %dma_start3A_109 = arith.constant 0 : i32
        %dma_start3A_110 = tpu.memref_slice %arg18[%run_scoped3A_67, %dma_start3A_109] : memref<16x128xi32, #tpu.memory_space<vmem>> -> memref<1x128xi32, #tpu.memory_space<vmem>>
        %dma_start3A_111 = tpu.memref_squeeze %dma_start3A_110 : memref<1x128xi32, #tpu.memory_space<vmem>> -> memref<128xi32, #tpu.memory_space<vmem>>
        %dma_start3A_112 = arith.constant 0 : i32
        %dma_start3A_113 = tpu.memref_slice %arg12[%dma_start3A_112] : memref<100352xf32, #tpu.memory_space<vmem_shared>> -> memref<100352xf32, #tpu.memory_space<vmem_shared>>
        tpu.enqueue_indirect_dma source(%dma_start3A_113 : memref<100352xf32, #tpu.memory_space<vmem_shared>>) target(%dma_start3A_108 : memref<128xf32, #tpu.memory_space<vmem>>) offsets(%dma_start3A_111 : memref<128xi32, #tpu.memory_space<vmem>>) semaphore(%run_scoped3A_107 : memref<!tpu.dma_semaphore, #tpu.memory_space<semaphore_mem>>)
        %dma_wait3A = arith.constant 1280 : i32
        %dma_wait3A_114 = tpu.memref_slice %arg23[%dma_wait3A] : memref<2048xf32, #tpu.memory_space<vmem>> -> memref<128xf32, #tpu.memory_space<vmem>>
        %dma_wait3A_115 = arith.constant 0 : i32
        %dma_wait3A_116 = tpu.memref_slice %arg18[%run_scoped3A_67, %dma_wait3A_115] : memref<16x128xi32, #tpu.memory_space<vmem>> -> memref<1x128xi32, #tpu.memory_space<vmem>>
        %dma_wait3A_117 = tpu.memref_squeeze %dma_wait3A_116 : memref<1x128xi32, #tpu.memory_space<vmem>> -> memref<128xi32, #tpu.memory_space<vmem>>
        %dma_wait3A_118 = arith.constant 0 : i32
        %dma_wait3A_119 = tpu.memref_slice %arg12[%dma_wait3A_118] : memref<100352xf32, #tpu.memory_space<vmem_shared>> -> memref<100352xf32, #tpu.memory_space<vmem_shared>>
        tpu.wait_indirect_dma semaphore(%run_scoped3A_107 : memref<!tpu.dma_semaphore, #tpu.memory_space<semaphore_mem>>) src(%dma_wait3A_119 : memref<100352xf32, #tpu.memory_space<vmem_shared>>) dst(%dma_wait3A_114 : memref<128xf32, #tpu.memory_space<vmem>>)
        tpu.yield
      }) : () -> ()
      %run_scoped3A_68 = arith.constant 11 : i32
      "tpu.region"() ({
        %run_scoped3A_107 = tpu.sem_alloc : memref<!tpu.dma_semaphore, #tpu.memory_space<semaphore_mem>>
        %dma_start3A = arith.constant 1408 : i32
        %dma_start3A_108 = tpu.memref_slice %arg21[%dma_start3A] : memref<2048xf32, #tpu.memory_space<vmem>> -> memref<128xf32, #tpu.memory_space<vmem>>
        %dma_start3A_109 = arith.constant 0 : i32
        %dma_start3A_110 = tpu.memref_slice %arg18[%run_scoped3A_68, %dma_start3A_109] : memref<16x128xi32, #tpu.memory_space<vmem>> -> memref<1x128xi32, #tpu.memory_space<vmem>>
        %dma_start3A_111 = tpu.memref_squeeze %dma_start3A_110 : memref<1x128xi32, #tpu.memory_space<vmem>> -> memref<128xi32, #tpu.memory_space<vmem>>
        %dma_start3A_112 = arith.constant 0 : i32
        %dma_start3A_113 = tpu.memref_slice %arg11[%dma_start3A_112] : memref<100352xf32, #tpu.memory_space<vmem_shared>> -> memref<100352xf32, #tpu.memory_space<vmem_shared>>
        tpu.enqueue_indirect_dma source(%dma_start3A_113 : memref<100352xf32, #tpu.memory_space<vmem_shared>>) target(%dma_start3A_108 : memref<128xf32, #tpu.memory_space<vmem>>) offsets(%dma_start3A_111 : memref<128xi32, #tpu.memory_space<vmem>>) semaphore(%run_scoped3A_107 : memref<!tpu.dma_semaphore, #tpu.memory_space<semaphore_mem>>)
        %dma_wait3A = arith.constant 1408 : i32
        %dma_wait3A_114 = tpu.memref_slice %arg21[%dma_wait3A] : memref<2048xf32, #tpu.memory_space<vmem>> -> memref<128xf32, #tpu.memory_space<vmem>>
        %dma_wait3A_115 = arith.constant 0 : i32
        %dma_wait3A_116 = tpu.memref_slice %arg18[%run_scoped3A_68, %dma_wait3A_115] : memref<16x128xi32, #tpu.memory_space<vmem>> -> memref<1x128xi32, #tpu.memory_space<vmem>>
        %dma_wait3A_117 = tpu.memref_squeeze %dma_wait3A_116 : memref<1x128xi32, #tpu.memory_space<vmem>> -> memref<128xi32, #tpu.memory_space<vmem>>
        %dma_wait3A_118 = arith.constant 0 : i32
        %dma_wait3A_119 = tpu.memref_slice %arg11[%dma_wait3A_118] : memref<100352xf32, #tpu.memory_space<vmem_shared>> -> memref<100352xf32, #tpu.memory_space<vmem_shared>>
        tpu.wait_indirect_dma semaphore(%run_scoped3A_107 : memref<!tpu.dma_semaphore, #tpu.memory_space<semaphore_mem>>) src(%dma_wait3A_119 : memref<100352xf32, #tpu.memory_space<vmem_shared>>) dst(%dma_wait3A_114 : memref<128xf32, #tpu.memory_space<vmem>>)
        tpu.yield
      }) : () -> ()
      %run_scoped3A_69 = arith.constant 11 : i32
      "tpu.region"() ({
        %run_scoped3A_107 = tpu.sem_alloc : memref<!tpu.dma_semaphore, #tpu.memory_space<semaphore_mem>>
        %dma_start3A = arith.constant 1408 : i32
        %dma_start3A_108 = tpu.memref_slice %arg22[%dma_start3A] : memref<2048xf32, #tpu.memory_space<vmem>> -> memref<128xf32, #tpu.memory_space<vmem>>
        %dma_start3A_109 = arith.constant 0 : i32
        %dma_start3A_110 = tpu.memref_slice %arg19[%run_scoped3A_69, %dma_start3A_109] : memref<16x128xi32, #tpu.memory_space<vmem>> -> memref<1x128xi32, #tpu.memory_space<vmem>>
        %dma_start3A_111 = tpu.memref_squeeze %dma_start3A_110 : memref<1x128xi32, #tpu.memory_space<vmem>> -> memref<128xi32, #tpu.memory_space<vmem>>
        %dma_start3A_112 = arith.constant 0 : i32
        %dma_start3A_113 = tpu.memref_slice %arg11[%dma_start3A_112] : memref<100352xf32, #tpu.memory_space<vmem_shared>> -> memref<100352xf32, #tpu.memory_space<vmem_shared>>
        tpu.enqueue_indirect_dma source(%dma_start3A_113 : memref<100352xf32, #tpu.memory_space<vmem_shared>>) target(%dma_start3A_108 : memref<128xf32, #tpu.memory_space<vmem>>) offsets(%dma_start3A_111 : memref<128xi32, #tpu.memory_space<vmem>>) semaphore(%run_scoped3A_107 : memref<!tpu.dma_semaphore, #tpu.memory_space<semaphore_mem>>)
        %dma_wait3A = arith.constant 1408 : i32
        %dma_wait3A_114 = tpu.memref_slice %arg22[%dma_wait3A] : memref<2048xf32, #tpu.memory_space<vmem>> -> memref<128xf32, #tpu.memory_space<vmem>>
        %dma_wait3A_115 = arith.constant 0 : i32
        %dma_wait3A_116 = tpu.memref_slice %arg19[%run_scoped3A_69, %dma_wait3A_115] : memref<16x128xi32, #tpu.memory_space<vmem>> -> memref<1x128xi32, #tpu.memory_space<vmem>>
        %dma_wait3A_117 = tpu.memref_squeeze %dma_wait3A_116 : memref<1x128xi32, #tpu.memory_space<vmem>> -> memref<128xi32, #tpu.memory_space<vmem>>
        %dma_wait3A_118 = arith.constant 0 : i32
        %dma_wait3A_119 = tpu.memref_slice %arg11[%dma_wait3A_118] : memref<100352xf32, #tpu.memory_space<vmem_shared>> -> memref<100352xf32, #tpu.memory_space<vmem_shared>>
        tpu.wait_indirect_dma semaphore(%run_scoped3A_107 : memref<!tpu.dma_semaphore, #tpu.memory_space<semaphore_mem>>) src(%dma_wait3A_119 : memref<100352xf32, #tpu.memory_space<vmem_shared>>) dst(%dma_wait3A_114 : memref<128xf32, #tpu.memory_space<vmem>>)
        tpu.yield
      }) : () -> ()
      %run_scoped3A_70 = arith.constant 11 : i32
      "tpu.region"() ({
        %run_scoped3A_107 = tpu.sem_alloc : memref<!tpu.dma_semaphore, #tpu.memory_space<semaphore_mem>>
        %dma_start3A = arith.constant 1408 : i32
        %dma_start3A_108 = tpu.memref_slice %arg23[%dma_start3A] : memref<2048xf32, #tpu.memory_space<vmem>> -> memref<128xf32, #tpu.memory_space<vmem>>
        %dma_start3A_109 = arith.constant 0 : i32
        %dma_start3A_110 = tpu.memref_slice %arg18[%run_scoped3A_70, %dma_start3A_109] : memref<16x128xi32, #tpu.memory_space<vmem>> -> memref<1x128xi32, #tpu.memory_space<vmem>>
        %dma_start3A_111 = tpu.memref_squeeze %dma_start3A_110 : memref<1x128xi32, #tpu.memory_space<vmem>> -> memref<128xi32, #tpu.memory_space<vmem>>
        %dma_start3A_112 = arith.constant 0 : i32
        %dma_start3A_113 = tpu.memref_slice %arg12[%dma_start3A_112] : memref<100352xf32, #tpu.memory_space<vmem_shared>> -> memref<100352xf32, #tpu.memory_space<vmem_shared>>
        tpu.enqueue_indirect_dma source(%dma_start3A_113 : memref<100352xf32, #tpu.memory_space<vmem_shared>>) target(%dma_start3A_108 : memref<128xf32, #tpu.memory_space<vmem>>) offsets(%dma_start3A_111 : memref<128xi32, #tpu.memory_space<vmem>>) semaphore(%run_scoped3A_107 : memref<!tpu.dma_semaphore, #tpu.memory_space<semaphore_mem>>)
        %dma_wait3A = arith.constant 1408 : i32
        %dma_wait3A_114 = tpu.memref_slice %arg23[%dma_wait3A] : memref<2048xf32, #tpu.memory_space<vmem>> -> memref<128xf32, #tpu.memory_space<vmem>>
        %dma_wait3A_115 = arith.constant 0 : i32
        %dma_wait3A_116 = tpu.memref_slice %arg18[%run_scoped3A_70, %dma_wait3A_115] : memref<16x128xi32, #tpu.memory_space<vmem>> -> memref<1x128xi32, #tpu.memory_space<vmem>>
        %dma_wait3A_117 = tpu.memref_squeeze %dma_wait3A_116 : memref<1x128xi32, #tpu.memory_space<vmem>> -> memref<128xi32, #tpu.memory_space<vmem>>
        %dma_wait3A_118 = arith.constant 0 : i32
        %dma_wait3A_119 = tpu.memref_slice %arg12[%dma_wait3A_118] : memref<100352xf32, #tpu.memory_space<vmem_shared>> -> memref<100352xf32, #tpu.memory_space<vmem_shared>>
        tpu.wait_indirect_dma semaphore(%run_scoped3A_107 : memref<!tpu.dma_semaphore, #tpu.memory_space<semaphore_mem>>) src(%dma_wait3A_119 : memref<100352xf32, #tpu.memory_space<vmem_shared>>) dst(%dma_wait3A_114 : memref<128xf32, #tpu.memory_space<vmem>>)
        tpu.yield
      }) : () -> ()
      %run_scoped3A_71 = arith.constant 12 : i32
      "tpu.region"() ({
        %run_scoped3A_107 = tpu.sem_alloc : memref<!tpu.dma_semaphore, #tpu.memory_space<semaphore_mem>>
        %dma_start3A = arith.constant 1536 : i32
        %dma_start3A_108 = tpu.memref_slice %arg21[%dma_start3A] : memref<2048xf32, #tpu.memory_space<vmem>> -> memref<128xf32, #tpu.memory_space<vmem>>
        %dma_start3A_109 = arith.constant 0 : i32
        %dma_start3A_110 = tpu.memref_slice %arg18[%run_scoped3A_71, %dma_start3A_109] : memref<16x128xi32, #tpu.memory_space<vmem>> -> memref<1x128xi32, #tpu.memory_space<vmem>>
        %dma_start3A_111 = tpu.memref_squeeze %dma_start3A_110 : memref<1x128xi32, #tpu.memory_space<vmem>> -> memref<128xi32, #tpu.memory_space<vmem>>
        %dma_start3A_112 = arith.constant 0 : i32
        %dma_start3A_113 = tpu.memref_slice %arg11[%dma_start3A_112] : memref<100352xf32, #tpu.memory_space<vmem_shared>> -> memref<100352xf32, #tpu.memory_space<vmem_shared>>
        tpu.enqueue_indirect_dma source(%dma_start3A_113 : memref<100352xf32, #tpu.memory_space<vmem_shared>>) target(%dma_start3A_108 : memref<128xf32, #tpu.memory_space<vmem>>) offsets(%dma_start3A_111 : memref<128xi32, #tpu.memory_space<vmem>>) semaphore(%run_scoped3A_107 : memref<!tpu.dma_semaphore, #tpu.memory_space<semaphore_mem>>)
        %dma_wait3A = arith.constant 1536 : i32
        %dma_wait3A_114 = tpu.memref_slice %arg21[%dma_wait3A] : memref<2048xf32, #tpu.memory_space<vmem>> -> memref<128xf32, #tpu.memory_space<vmem>>
        %dma_wait3A_115 = arith.constant 0 : i32
        %dma_wait3A_116 = tpu.memref_slice %arg18[%run_scoped3A_71, %dma_wait3A_115] : memref<16x128xi32, #tpu.memory_space<vmem>> -> memref<1x128xi32, #tpu.memory_space<vmem>>
        %dma_wait3A_117 = tpu.memref_squeeze %dma_wait3A_116 : memref<1x128xi32, #tpu.memory_space<vmem>> -> memref<128xi32, #tpu.memory_space<vmem>>
        %dma_wait3A_118 = arith.constant 0 : i32
        %dma_wait3A_119 = tpu.memref_slice %arg11[%dma_wait3A_118] : memref<100352xf32, #tpu.memory_space<vmem_shared>> -> memref<100352xf32, #tpu.memory_space<vmem_shared>>
        tpu.wait_indirect_dma semaphore(%run_scoped3A_107 : memref<!tpu.dma_semaphore, #tpu.memory_space<semaphore_mem>>) src(%dma_wait3A_119 : memref<100352xf32, #tpu.memory_space<vmem_shared>>) dst(%dma_wait3A_114 : memref<128xf32, #tpu.memory_space<vmem>>)
        tpu.yield
      }) : () -> ()
      %run_scoped3A_72 = arith.constant 12 : i32
      "tpu.region"() ({
        %run_scoped3A_107 = tpu.sem_alloc : memref<!tpu.dma_semaphore, #tpu.memory_space<semaphore_mem>>
        %dma_start3A = arith.constant 1536 : i32
        %dma_start3A_108 = tpu.memref_slice %arg22[%dma_start3A] : memref<2048xf32, #tpu.memory_space<vmem>> -> memref<128xf32, #tpu.memory_space<vmem>>
        %dma_start3A_109 = arith.constant 0 : i32
        %dma_start3A_110 = tpu.memref_slice %arg19[%run_scoped3A_72, %dma_start3A_109] : memref<16x128xi32, #tpu.memory_space<vmem>> -> memref<1x128xi32, #tpu.memory_space<vmem>>
        %dma_start3A_111 = tpu.memref_squeeze %dma_start3A_110 : memref<1x128xi32, #tpu.memory_space<vmem>> -> memref<128xi32, #tpu.memory_space<vmem>>
        %dma_start3A_112 = arith.constant 0 : i32
        %dma_start3A_113 = tpu.memref_slice %arg11[%dma_start3A_112] : memref<100352xf32, #tpu.memory_space<vmem_shared>> -> memref<100352xf32, #tpu.memory_space<vmem_shared>>
        tpu.enqueue_indirect_dma source(%dma_start3A_113 : memref<100352xf32, #tpu.memory_space<vmem_shared>>) target(%dma_start3A_108 : memref<128xf32, #tpu.memory_space<vmem>>) offsets(%dma_start3A_111 : memref<128xi32, #tpu.memory_space<vmem>>) semaphore(%run_scoped3A_107 : memref<!tpu.dma_semaphore, #tpu.memory_space<semaphore_mem>>)
        %dma_wait3A = arith.constant 1536 : i32
        %dma_wait3A_114 = tpu.memref_slice %arg22[%dma_wait3A] : memref<2048xf32, #tpu.memory_space<vmem>> -> memref<128xf32, #tpu.memory_space<vmem>>
        %dma_wait3A_115 = arith.constant 0 : i32
        %dma_wait3A_116 = tpu.memref_slice %arg19[%run_scoped3A_72, %dma_wait3A_115] : memref<16x128xi32, #tpu.memory_space<vmem>> -> memref<1x128xi32, #tpu.memory_space<vmem>>
        %dma_wait3A_117 = tpu.memref_squeeze %dma_wait3A_116 : memref<1x128xi32, #tpu.memory_space<vmem>> -> memref<128xi32, #tpu.memory_space<vmem>>
        %dma_wait3A_118 = arith.constant 0 : i32
        %dma_wait3A_119 = tpu.memref_slice %arg11[%dma_wait3A_118] : memref<100352xf32, #tpu.memory_space<vmem_shared>> -> memref<100352xf32, #tpu.memory_space<vmem_shared>>
        tpu.wait_indirect_dma semaphore(%run_scoped3A_107 : memref<!tpu.dma_semaphore, #tpu.memory_space<semaphore_mem>>) src(%dma_wait3A_119 : memref<100352xf32, #tpu.memory_space<vmem_shared>>) dst(%dma_wait3A_114 : memref<128xf32, #tpu.memory_space<vmem>>)
        tpu.yield
      }) : () -> ()
      %run_scoped3A_73 = arith.constant 12 : i32
      "tpu.region"() ({
        %run_scoped3A_107 = tpu.sem_alloc : memref<!tpu.dma_semaphore, #tpu.memory_space<semaphore_mem>>
        %dma_start3A = arith.constant 1536 : i32
        %dma_start3A_108 = tpu.memref_slice %arg23[%dma_start3A] : memref<2048xf32, #tpu.memory_space<vmem>> -> memref<128xf32, #tpu.memory_space<vmem>>
        %dma_start3A_109 = arith.constant 0 : i32
        %dma_start3A_110 = tpu.memref_slice %arg18[%run_scoped3A_73, %dma_start3A_109] : memref<16x128xi32, #tpu.memory_space<vmem>> -> memref<1x128xi32, #tpu.memory_space<vmem>>
        %dma_start3A_111 = tpu.memref_squeeze %dma_start3A_110 : memref<1x128xi32, #tpu.memory_space<vmem>> -> memref<128xi32, #tpu.memory_space<vmem>>
        %dma_start3A_112 = arith.constant 0 : i32
        %dma_start3A_113 = tpu.memref_slice %arg12[%dma_start3A_112] : memref<100352xf32, #tpu.memory_space<vmem_shared>> -> memref<100352xf32, #tpu.memory_space<vmem_shared>>
        tpu.enqueue_indirect_dma source(%dma_start3A_113 : memref<100352xf32, #tpu.memory_space<vmem_shared>>) target(%dma_start3A_108 : memref<128xf32, #tpu.memory_space<vmem>>) offsets(%dma_start3A_111 : memref<128xi32, #tpu.memory_space<vmem>>) semaphore(%run_scoped3A_107 : memref<!tpu.dma_semaphore, #tpu.memory_space<semaphore_mem>>)
        %dma_wait3A = arith.constant 1536 : i32
        %dma_wait3A_114 = tpu.memref_slice %arg23[%dma_wait3A] : memref<2048xf32, #tpu.memory_space<vmem>> -> memref<128xf32, #tpu.memory_space<vmem>>
        %dma_wait3A_115 = arith.constant 0 : i32
        %dma_wait3A_116 = tpu.memref_slice %arg18[%run_scoped3A_73, %dma_wait3A_115] : memref<16x128xi32, #tpu.memory_space<vmem>> -> memref<1x128xi32, #tpu.memory_space<vmem>>
        %dma_wait3A_117 = tpu.memref_squeeze %dma_wait3A_116 : memref<1x128xi32, #tpu.memory_space<vmem>> -> memref<128xi32, #tpu.memory_space<vmem>>
        %dma_wait3A_118 = arith.constant 0 : i32
        %dma_wait3A_119 = tpu.memref_slice %arg12[%dma_wait3A_118] : memref<100352xf32, #tpu.memory_space<vmem_shared>> -> memref<100352xf32, #tpu.memory_space<vmem_shared>>
        tpu.wait_indirect_dma semaphore(%run_scoped3A_107 : memref<!tpu.dma_semaphore, #tpu.memory_space<semaphore_mem>>) src(%dma_wait3A_119 : memref<100352xf32, #tpu.memory_space<vmem_shared>>) dst(%dma_wait3A_114 : memref<128xf32, #tpu.memory_space<vmem>>)
        tpu.yield
      }) : () -> ()
      %run_scoped3A_74 = arith.constant 13 : i32
      "tpu.region"() ({
        %run_scoped3A_107 = tpu.sem_alloc : memref<!tpu.dma_semaphore, #tpu.memory_space<semaphore_mem>>
        %dma_start3A = arith.constant 1664 : i32
        %dma_start3A_108 = tpu.memref_slice %arg21[%dma_start3A] : memref<2048xf32, #tpu.memory_space<vmem>> -> memref<128xf32, #tpu.memory_space<vmem>>
        %dma_start3A_109 = arith.constant 0 : i32
        %dma_start3A_110 = tpu.memref_slice %arg18[%run_scoped3A_74, %dma_start3A_109] : memref<16x128xi32, #tpu.memory_space<vmem>> -> memref<1x128xi32, #tpu.memory_space<vmem>>
        %dma_start3A_111 = tpu.memref_squeeze %dma_start3A_110 : memref<1x128xi32, #tpu.memory_space<vmem>> -> memref<128xi32, #tpu.memory_space<vmem>>
        %dma_start3A_112 = arith.constant 0 : i32
        %dma_start3A_113 = tpu.memref_slice %arg11[%dma_start3A_112] : memref<100352xf32, #tpu.memory_space<vmem_shared>> -> memref<100352xf32, #tpu.memory_space<vmem_shared>>
        tpu.enqueue_indirect_dma source(%dma_start3A_113 : memref<100352xf32, #tpu.memory_space<vmem_shared>>) target(%dma_start3A_108 : memref<128xf32, #tpu.memory_space<vmem>>) offsets(%dma_start3A_111 : memref<128xi32, #tpu.memory_space<vmem>>) semaphore(%run_scoped3A_107 : memref<!tpu.dma_semaphore, #tpu.memory_space<semaphore_mem>>)
        %dma_wait3A = arith.constant 1664 : i32
        %dma_wait3A_114 = tpu.memref_slice %arg21[%dma_wait3A] : memref<2048xf32, #tpu.memory_space<vmem>> -> memref<128xf32, #tpu.memory_space<vmem>>
        %dma_wait3A_115 = arith.constant 0 : i32
        %dma_wait3A_116 = tpu.memref_slice %arg18[%run_scoped3A_74, %dma_wait3A_115] : memref<16x128xi32, #tpu.memory_space<vmem>> -> memref<1x128xi32, #tpu.memory_space<vmem>>
        %dma_wait3A_117 = tpu.memref_squeeze %dma_wait3A_116 : memref<1x128xi32, #tpu.memory_space<vmem>> -> memref<128xi32, #tpu.memory_space<vmem>>
        %dma_wait3A_118 = arith.constant 0 : i32
        %dma_wait3A_119 = tpu.memref_slice %arg11[%dma_wait3A_118] : memref<100352xf32, #tpu.memory_space<vmem_shared>> -> memref<100352xf32, #tpu.memory_space<vmem_shared>>
        tpu.wait_indirect_dma semaphore(%run_scoped3A_107 : memref<!tpu.dma_semaphore, #tpu.memory_space<semaphore_mem>>) src(%dma_wait3A_119 : memref<100352xf32, #tpu.memory_space<vmem_shared>>) dst(%dma_wait3A_114 : memref<128xf32, #tpu.memory_space<vmem>>)
        tpu.yield
      }) : () -> ()
      %run_scoped3A_75 = arith.constant 13 : i32
      "tpu.region"() ({
        %run_scoped3A_107 = tpu.sem_alloc : memref<!tpu.dma_semaphore, #tpu.memory_space<semaphore_mem>>
        %dma_start3A = arith.constant 1664 : i32
        %dma_start3A_108 = tpu.memref_slice %arg22[%dma_start3A] : memref<2048xf32, #tpu.memory_space<vmem>> -> memref<128xf32, #tpu.memory_space<vmem>>
        %dma_start3A_109 = arith.constant 0 : i32
        %dma_start3A_110 = tpu.memref_slice %arg19[%run_scoped3A_75, %dma_start3A_109] : memref<16x128xi32, #tpu.memory_space<vmem>> -> memref<1x128xi32, #tpu.memory_space<vmem>>
        %dma_start3A_111 = tpu.memref_squeeze %dma_start3A_110 : memref<1x128xi32, #tpu.memory_space<vmem>> -> memref<128xi32, #tpu.memory_space<vmem>>
        %dma_start3A_112 = arith.constant 0 : i32
        %dma_start3A_113 = tpu.memref_slice %arg11[%dma_start3A_112] : memref<100352xf32, #tpu.memory_space<vmem_shared>> -> memref<100352xf32, #tpu.memory_space<vmem_shared>>
        tpu.enqueue_indirect_dma source(%dma_start3A_113 : memref<100352xf32, #tpu.memory_space<vmem_shared>>) target(%dma_start3A_108 : memref<128xf32, #tpu.memory_space<vmem>>) offsets(%dma_start3A_111 : memref<128xi32, #tpu.memory_space<vmem>>) semaphore(%run_scoped3A_107 : memref<!tpu.dma_semaphore, #tpu.memory_space<semaphore_mem>>)
        %dma_wait3A = arith.constant 1664 : i32
        %dma_wait3A_114 = tpu.memref_slice %arg22[%dma_wait3A] : memref<2048xf32, #tpu.memory_space<vmem>> -> memref<128xf32, #tpu.memory_space<vmem>>
        %dma_wait3A_115 = arith.constant 0 : i32
        %dma_wait3A_116 = tpu.memref_slice %arg19[%run_scoped3A_75, %dma_wait3A_115] : memref<16x128xi32, #tpu.memory_space<vmem>> -> memref<1x128xi32, #tpu.memory_space<vmem>>
        %dma_wait3A_117 = tpu.memref_squeeze %dma_wait3A_116 : memref<1x128xi32, #tpu.memory_space<vmem>> -> memref<128xi32, #tpu.memory_space<vmem>>
        %dma_wait3A_118 = arith.constant 0 : i32
        %dma_wait3A_119 = tpu.memref_slice %arg11[%dma_wait3A_118] : memref<100352xf32, #tpu.memory_space<vmem_shared>> -> memref<100352xf32, #tpu.memory_space<vmem_shared>>
        tpu.wait_indirect_dma semaphore(%run_scoped3A_107 : memref<!tpu.dma_semaphore, #tpu.memory_space<semaphore_mem>>) src(%dma_wait3A_119 : memref<100352xf32, #tpu.memory_space<vmem_shared>>) dst(%dma_wait3A_114 : memref<128xf32, #tpu.memory_space<vmem>>)
        tpu.yield
      }) : () -> ()
      %run_scoped3A_76 = arith.constant 13 : i32
      "tpu.region"() ({
        %run_scoped3A_107 = tpu.sem_alloc : memref<!tpu.dma_semaphore, #tpu.memory_space<semaphore_mem>>
        %dma_start3A = arith.constant 1664 : i32
        %dma_start3A_108 = tpu.memref_slice %arg23[%dma_start3A] : memref<2048xf32, #tpu.memory_space<vmem>> -> memref<128xf32, #tpu.memory_space<vmem>>
        %dma_start3A_109 = arith.constant 0 : i32
        %dma_start3A_110 = tpu.memref_slice %arg18[%run_scoped3A_76, %dma_start3A_109] : memref<16x128xi32, #tpu.memory_space<vmem>> -> memref<1x128xi32, #tpu.memory_space<vmem>>
        %dma_start3A_111 = tpu.memref_squeeze %dma_start3A_110 : memref<1x128xi32, #tpu.memory_space<vmem>> -> memref<128xi32, #tpu.memory_space<vmem>>
        %dma_start3A_112 = arith.constant 0 : i32
        %dma_start3A_113 = tpu.memref_slice %arg12[%dma_start3A_112] : memref<100352xf32, #tpu.memory_space<vmem_shared>> -> memref<100352xf32, #tpu.memory_space<vmem_shared>>
        tpu.enqueue_indirect_dma source(%dma_start3A_113 : memref<100352xf32, #tpu.memory_space<vmem_shared>>) target(%dma_start3A_108 : memref<128xf32, #tpu.memory_space<vmem>>) offsets(%dma_start3A_111 : memref<128xi32, #tpu.memory_space<vmem>>) semaphore(%run_scoped3A_107 : memref<!tpu.dma_semaphore, #tpu.memory_space<semaphore_mem>>)
        %dma_wait3A = arith.constant 1664 : i32
        %dma_wait3A_114 = tpu.memref_slice %arg23[%dma_wait3A] : memref<2048xf32, #tpu.memory_space<vmem>> -> memref<128xf32, #tpu.memory_space<vmem>>
        %dma_wait3A_115 = arith.constant 0 : i32
        %dma_wait3A_116 = tpu.memref_slice %arg18[%run_scoped3A_76, %dma_wait3A_115] : memref<16x128xi32, #tpu.memory_space<vmem>> -> memref<1x128xi32, #tpu.memory_space<vmem>>
        %dma_wait3A_117 = tpu.memref_squeeze %dma_wait3A_116 : memref<1x128xi32, #tpu.memory_space<vmem>> -> memref<128xi32, #tpu.memory_space<vmem>>
        %dma_wait3A_118 = arith.constant 0 : i32
        %dma_wait3A_119 = tpu.memref_slice %arg12[%dma_wait3A_118] : memref<100352xf32, #tpu.memory_space<vmem_shared>> -> memref<100352xf32, #tpu.memory_space<vmem_shared>>
        tpu.wait_indirect_dma semaphore(%run_scoped3A_107 : memref<!tpu.dma_semaphore, #tpu.memory_space<semaphore_mem>>) src(%dma_wait3A_119 : memref<100352xf32, #tpu.memory_space<vmem_shared>>) dst(%dma_wait3A_114 : memref<128xf32, #tpu.memory_space<vmem>>)
        tpu.yield
      }) : () -> ()
      %run_scoped3A_77 = arith.constant 14 : i32
      "tpu.region"() ({
        %run_scoped3A_107 = tpu.sem_alloc : memref<!tpu.dma_semaphore, #tpu.memory_space<semaphore_mem>>
        %dma_start3A = arith.constant 1792 : i32
        %dma_start3A_108 = tpu.memref_slice %arg21[%dma_start3A] : memref<2048xf32, #tpu.memory_space<vmem>> -> memref<128xf32, #tpu.memory_space<vmem>>
        %dma_start3A_109 = arith.constant 0 : i32
        %dma_start3A_110 = tpu.memref_slice %arg18[%run_scoped3A_77, %dma_start3A_109] : memref<16x128xi32, #tpu.memory_space<vmem>> -> memref<1x128xi32, #tpu.memory_space<vmem>>
        %dma_start3A_111 = tpu.memref_squeeze %dma_start3A_110 : memref<1x128xi32, #tpu.memory_space<vmem>> -> memref<128xi32, #tpu.memory_space<vmem>>
        %dma_start3A_112 = arith.constant 0 : i32
        %dma_start3A_113 = tpu.memref_slice %arg11[%dma_start3A_112] : memref<100352xf32, #tpu.memory_space<vmem_shared>> -> memref<100352xf32, #tpu.memory_space<vmem_shared>>
        tpu.enqueue_indirect_dma source(%dma_start3A_113 : memref<100352xf32, #tpu.memory_space<vmem_shared>>) target(%dma_start3A_108 : memref<128xf32, #tpu.memory_space<vmem>>) offsets(%dma_start3A_111 : memref<128xi32, #tpu.memory_space<vmem>>) semaphore(%run_scoped3A_107 : memref<!tpu.dma_semaphore, #tpu.memory_space<semaphore_mem>>)
        %dma_wait3A = arith.constant 1792 : i32
        %dma_wait3A_114 = tpu.memref_slice %arg21[%dma_wait3A] : memref<2048xf32, #tpu.memory_space<vmem>> -> memref<128xf32, #tpu.memory_space<vmem>>
        %dma_wait3A_115 = arith.constant 0 : i32
        %dma_wait3A_116 = tpu.memref_slice %arg18[%run_scoped3A_77, %dma_wait3A_115] : memref<16x128xi32, #tpu.memory_space<vmem>> -> memref<1x128xi32, #tpu.memory_space<vmem>>
        %dma_wait3A_117 = tpu.memref_squeeze %dma_wait3A_116 : memref<1x128xi32, #tpu.memory_space<vmem>> -> memref<128xi32, #tpu.memory_space<vmem>>
        %dma_wait3A_118 = arith.constant 0 : i32
        %dma_wait3A_119 = tpu.memref_slice %arg11[%dma_wait3A_118] : memref<100352xf32, #tpu.memory_space<vmem_shared>> -> memref<100352xf32, #tpu.memory_space<vmem_shared>>
        tpu.wait_indirect_dma semaphore(%run_scoped3A_107 : memref<!tpu.dma_semaphore, #tpu.memory_space<semaphore_mem>>) src(%dma_wait3A_119 : memref<100352xf32, #tpu.memory_space<vmem_shared>>) dst(%dma_wait3A_114 : memref<128xf32, #tpu.memory_space<vmem>>)
        tpu.yield
      }) : () -> ()
      %run_scoped3A_78 = arith.constant 14 : i32
      "tpu.region"() ({
        %run_scoped3A_107 = tpu.sem_alloc : memref<!tpu.dma_semaphore, #tpu.memory_space<semaphore_mem>>
        %dma_start3A = arith.constant 1792 : i32
        %dma_start3A_108 = tpu.memref_slice %arg22[%dma_start3A] : memref<2048xf32, #tpu.memory_space<vmem>> -> memref<128xf32, #tpu.memory_space<vmem>>
        %dma_start3A_109 = arith.constant 0 : i32
        %dma_start3A_110 = tpu.memref_slice %arg19[%run_scoped3A_78, %dma_start3A_109] : memref<16x128xi32, #tpu.memory_space<vmem>> -> memref<1x128xi32, #tpu.memory_space<vmem>>
        %dma_start3A_111 = tpu.memref_squeeze %dma_start3A_110 : memref<1x128xi32, #tpu.memory_space<vmem>> -> memref<128xi32, #tpu.memory_space<vmem>>
        %dma_start3A_112 = arith.constant 0 : i32
        %dma_start3A_113 = tpu.memref_slice %arg11[%dma_start3A_112] : memref<100352xf32, #tpu.memory_space<vmem_shared>> -> memref<100352xf32, #tpu.memory_space<vmem_shared>>
        tpu.enqueue_indirect_dma source(%dma_start3A_113 : memref<100352xf32, #tpu.memory_space<vmem_shared>>) target(%dma_start3A_108 : memref<128xf32, #tpu.memory_space<vmem>>) offsets(%dma_start3A_111 : memref<128xi32, #tpu.memory_space<vmem>>) semaphore(%run_scoped3A_107 : memref<!tpu.dma_semaphore, #tpu.memory_space<semaphore_mem>>)
        %dma_wait3A = arith.constant 1792 : i32
        %dma_wait3A_114 = tpu.memref_slice %arg22[%dma_wait3A] : memref<2048xf32, #tpu.memory_space<vmem>> -> memref<128xf32, #tpu.memory_space<vmem>>
        %dma_wait3A_115 = arith.constant 0 : i32
        %dma_wait3A_116 = tpu.memref_slice %arg19[%run_scoped3A_78, %dma_wait3A_115] : memref<16x128xi32, #tpu.memory_space<vmem>> -> memref<1x128xi32, #tpu.memory_space<vmem>>
        %dma_wait3A_117 = tpu.memref_squeeze %dma_wait3A_116 : memref<1x128xi32, #tpu.memory_space<vmem>> -> memref<128xi32, #tpu.memory_space<vmem>>
        %dma_wait3A_118 = arith.constant 0 : i32
        %dma_wait3A_119 = tpu.memref_slice %arg11[%dma_wait3A_118] : memref<100352xf32, #tpu.memory_space<vmem_shared>> -> memref<100352xf32, #tpu.memory_space<vmem_shared>>
        tpu.wait_indirect_dma semaphore(%run_scoped3A_107 : memref<!tpu.dma_semaphore, #tpu.memory_space<semaphore_mem>>) src(%dma_wait3A_119 : memref<100352xf32, #tpu.memory_space<vmem_shared>>) dst(%dma_wait3A_114 : memref<128xf32, #tpu.memory_space<vmem>>)
        tpu.yield
      }) : () -> ()
      %run_scoped3A_79 = arith.constant 14 : i32
      "tpu.region"() ({
        %run_scoped3A_107 = tpu.sem_alloc : memref<!tpu.dma_semaphore, #tpu.memory_space<semaphore_mem>>
        %dma_start3A = arith.constant 1792 : i32
        %dma_start3A_108 = tpu.memref_slice %arg23[%dma_start3A] : memref<2048xf32, #tpu.memory_space<vmem>> -> memref<128xf32, #tpu.memory_space<vmem>>
        %dma_start3A_109 = arith.constant 0 : i32
        %dma_start3A_110 = tpu.memref_slice %arg18[%run_scoped3A_79, %dma_start3A_109] : memref<16x128xi32, #tpu.memory_space<vmem>> -> memref<1x128xi32, #tpu.memory_space<vmem>>
        %dma_start3A_111 = tpu.memref_squeeze %dma_start3A_110 : memref<1x128xi32, #tpu.memory_space<vmem>> -> memref<128xi32, #tpu.memory_space<vmem>>
        %dma_start3A_112 = arith.constant 0 : i32
        %dma_start3A_113 = tpu.memref_slice %arg12[%dma_start3A_112] : memref<100352xf32, #tpu.memory_space<vmem_shared>> -> memref<100352xf32, #tpu.memory_space<vmem_shared>>
        tpu.enqueue_indirect_dma source(%dma_start3A_113 : memref<100352xf32, #tpu.memory_space<vmem_shared>>) target(%dma_start3A_108 : memref<128xf32, #tpu.memory_space<vmem>>) offsets(%dma_start3A_111 : memref<128xi32, #tpu.memory_space<vmem>>) semaphore(%run_scoped3A_107 : memref<!tpu.dma_semaphore, #tpu.memory_space<semaphore_mem>>)
        %dma_wait3A = arith.constant 1792 : i32
        %dma_wait3A_114 = tpu.memref_slice %arg23[%dma_wait3A] : memref<2048xf32, #tpu.memory_space<vmem>> -> memref<128xf32, #tpu.memory_space<vmem>>
        %dma_wait3A_115 = arith.constant 0 : i32
        %dma_wait3A_116 = tpu.memref_slice %arg18[%run_scoped3A_79, %dma_wait3A_115] : memref<16x128xi32, #tpu.memory_space<vmem>> -> memref<1x128xi32, #tpu.memory_space<vmem>>
        %dma_wait3A_117 = tpu.memref_squeeze %dma_wait3A_116 : memref<1x128xi32, #tpu.memory_space<vmem>> -> memref<128xi32, #tpu.memory_space<vmem>>
        %dma_wait3A_118 = arith.constant 0 : i32
        %dma_wait3A_119 = tpu.memref_slice %arg12[%dma_wait3A_118] : memref<100352xf32, #tpu.memory_space<vmem_shared>> -> memref<100352xf32, #tpu.memory_space<vmem_shared>>
        tpu.wait_indirect_dma semaphore(%run_scoped3A_107 : memref<!tpu.dma_semaphore, #tpu.memory_space<semaphore_mem>>) src(%dma_wait3A_119 : memref<100352xf32, #tpu.memory_space<vmem_shared>>) dst(%dma_wait3A_114 : memref<128xf32, #tpu.memory_space<vmem>>)
        tpu.yield
      }) : () -> ()
      %run_scoped3A_80 = arith.constant 15 : i32
      "tpu.region"() ({
        %run_scoped3A_107 = tpu.sem_alloc : memref<!tpu.dma_semaphore, #tpu.memory_space<semaphore_mem>>
        %dma_start3A = arith.constant 1920 : i32
        %dma_start3A_108 = tpu.memref_slice %arg21[%dma_start3A] : memref<2048xf32, #tpu.memory_space<vmem>> -> memref<128xf32, #tpu.memory_space<vmem>>
        %dma_start3A_109 = arith.constant 0 : i32
        %dma_start3A_110 = tpu.memref_slice %arg18[%run_scoped3A_80, %dma_start3A_109] : memref<16x128xi32, #tpu.memory_space<vmem>> -> memref<1x128xi32, #tpu.memory_space<vmem>>
        %dma_start3A_111 = tpu.memref_squeeze %dma_start3A_110 : memref<1x128xi32, #tpu.memory_space<vmem>> -> memref<128xi32, #tpu.memory_space<vmem>>
        %dma_start3A_112 = arith.constant 0 : i32
        %dma_start3A_113 = tpu.memref_slice %arg11[%dma_start3A_112] : memref<100352xf32, #tpu.memory_space<vmem_shared>> -> memref<100352xf32, #tpu.memory_space<vmem_shared>>
        tpu.enqueue_indirect_dma source(%dma_start3A_113 : memref<100352xf32, #tpu.memory_space<vmem_shared>>) target(%dma_start3A_108 : memref<128xf32, #tpu.memory_space<vmem>>) offsets(%dma_start3A_111 : memref<128xi32, #tpu.memory_space<vmem>>) semaphore(%run_scoped3A_107 : memref<!tpu.dma_semaphore, #tpu.memory_space<semaphore_mem>>)
        %dma_wait3A = arith.constant 1920 : i32
        %dma_wait3A_114 = tpu.memref_slice %arg21[%dma_wait3A] : memref<2048xf32, #tpu.memory_space<vmem>> -> memref<128xf32, #tpu.memory_space<vmem>>
        %dma_wait3A_115 = arith.constant 0 : i32
        %dma_wait3A_116 = tpu.memref_slice %arg18[%run_scoped3A_80, %dma_wait3A_115] : memref<16x128xi32, #tpu.memory_space<vmem>> -> memref<1x128xi32, #tpu.memory_space<vmem>>
        %dma_wait3A_117 = tpu.memref_squeeze %dma_wait3A_116 : memref<1x128xi32, #tpu.memory_space<vmem>> -> memref<128xi32, #tpu.memory_space<vmem>>
        %dma_wait3A_118 = arith.constant 0 : i32
        %dma_wait3A_119 = tpu.memref_slice %arg11[%dma_wait3A_118] : memref<100352xf32, #tpu.memory_space<vmem_shared>> -> memref<100352xf32, #tpu.memory_space<vmem_shared>>
        tpu.wait_indirect_dma semaphore(%run_scoped3A_107 : memref<!tpu.dma_semaphore, #tpu.memory_space<semaphore_mem>>) src(%dma_wait3A_119 : memref<100352xf32, #tpu.memory_space<vmem_shared>>) dst(%dma_wait3A_114 : memref<128xf32, #tpu.memory_space<vmem>>)
        tpu.yield
      }) : () -> ()
      %run_scoped3A_81 = arith.constant 15 : i32
      "tpu.region"() ({
        %run_scoped3A_107 = tpu.sem_alloc : memref<!tpu.dma_semaphore, #tpu.memory_space<semaphore_mem>>
        %dma_start3A = arith.constant 1920 : i32
        %dma_start3A_108 = tpu.memref_slice %arg22[%dma_start3A] : memref<2048xf32, #tpu.memory_space<vmem>> -> memref<128xf32, #tpu.memory_space<vmem>>
        %dma_start3A_109 = arith.constant 0 : i32
        %dma_start3A_110 = tpu.memref_slice %arg19[%run_scoped3A_81, %dma_start3A_109] : memref<16x128xi32, #tpu.memory_space<vmem>> -> memref<1x128xi32, #tpu.memory_space<vmem>>
        %dma_start3A_111 = tpu.memref_squeeze %dma_start3A_110 : memref<1x128xi32, #tpu.memory_space<vmem>> -> memref<128xi32, #tpu.memory_space<vmem>>
        %dma_start3A_112 = arith.constant 0 : i32
        %dma_start3A_113 = tpu.memref_slice %arg11[%dma_start3A_112] : memref<100352xf32, #tpu.memory_space<vmem_shared>> -> memref<100352xf32, #tpu.memory_space<vmem_shared>>
        tpu.enqueue_indirect_dma source(%dma_start3A_113 : memref<100352xf32, #tpu.memory_space<vmem_shared>>) target(%dma_start3A_108 : memref<128xf32, #tpu.memory_space<vmem>>) offsets(%dma_start3A_111 : memref<128xi32, #tpu.memory_space<vmem>>) semaphore(%run_scoped3A_107 : memref<!tpu.dma_semaphore, #tpu.memory_space<semaphore_mem>>)
        %dma_wait3A = arith.constant 1920 : i32
        %dma_wait3A_114 = tpu.memref_slice %arg22[%dma_wait3A] : memref<2048xf32, #tpu.memory_space<vmem>> -> memref<128xf32, #tpu.memory_space<vmem>>
        %dma_wait3A_115 = arith.constant 0 : i32
        %dma_wait3A_116 = tpu.memref_slice %arg19[%run_scoped3A_81, %dma_wait3A_115] : memref<16x128xi32, #tpu.memory_space<vmem>> -> memref<1x128xi32, #tpu.memory_space<vmem>>
        %dma_wait3A_117 = tpu.memref_squeeze %dma_wait3A_116 : memref<1x128xi32, #tpu.memory_space<vmem>> -> memref<128xi32, #tpu.memory_space<vmem>>
        %dma_wait3A_118 = arith.constant 0 : i32
        %dma_wait3A_119 = tpu.memref_slice %arg11[%dma_wait3A_118] : memref<100352xf32, #tpu.memory_space<vmem_shared>> -> memref<100352xf32, #tpu.memory_space<vmem_shared>>
        tpu.wait_indirect_dma semaphore(%run_scoped3A_107 : memref<!tpu.dma_semaphore, #tpu.memory_space<semaphore_mem>>) src(%dma_wait3A_119 : memref<100352xf32, #tpu.memory_space<vmem_shared>>) dst(%dma_wait3A_114 : memref<128xf32, #tpu.memory_space<vmem>>)
        tpu.yield
      }) : () -> ()
      %run_scoped3A_82 = arith.constant 15 : i32
      "tpu.region"() ({
        %run_scoped3A_107 = tpu.sem_alloc : memref<!tpu.dma_semaphore, #tpu.memory_space<semaphore_mem>>
        %dma_start3A = arith.constant 1920 : i32
        %dma_start3A_108 = tpu.memref_slice %arg23[%dma_start3A] : memref<2048xf32, #tpu.memory_space<vmem>> -> memref<128xf32, #tpu.memory_space<vmem>>
        %dma_start3A_109 = arith.constant 0 : i32
        %dma_start3A_110 = tpu.memref_slice %arg18[%run_scoped3A_82, %dma_start3A_109] : memref<16x128xi32, #tpu.memory_space<vmem>> -> memref<1x128xi32, #tpu.memory_space<vmem>>
        %dma_start3A_111 = tpu.memref_squeeze %dma_start3A_110 : memref<1x128xi32, #tpu.memory_space<vmem>> -> memref<128xi32, #tpu.memory_space<vmem>>
        %dma_start3A_112 = arith.constant 0 : i32
        %dma_start3A_113 = tpu.memref_slice %arg12[%dma_start3A_112] : memref<100352xf32, #tpu.memory_space<vmem_shared>> -> memref<100352xf32, #tpu.memory_space<vmem_shared>>
        tpu.enqueue_indirect_dma source(%dma_start3A_113 : memref<100352xf32, #tpu.memory_space<vmem_shared>>) target(%dma_start3A_108 : memref<128xf32, #tpu.memory_space<vmem>>) offsets(%dma_start3A_111 : memref<128xi32, #tpu.memory_space<vmem>>) semaphore(%run_scoped3A_107 : memref<!tpu.dma_semaphore, #tpu.memory_space<semaphore_mem>>)
        %dma_wait3A = arith.constant 1920 : i32
        %dma_wait3A_114 = tpu.memref_slice %arg23[%dma_wait3A] : memref<2048xf32, #tpu.memory_space<vmem>> -> memref<128xf32, #tpu.memory_space<vmem>>
        %dma_wait3A_115 = arith.constant 0 : i32
        %dma_wait3A_116 = tpu.memref_slice %arg18[%run_scoped3A_82, %dma_wait3A_115] : memref<16x128xi32, #tpu.memory_space<vmem>> -> memref<1x128xi32, #tpu.memory_space<vmem>>
        %dma_wait3A_117 = tpu.memref_squeeze %dma_wait3A_116 : memref<1x128xi32, #tpu.memory_space<vmem>> -> memref<128xi32, #tpu.memory_space<vmem>>
        %dma_wait3A_118 = arith.constant 0 : i32
        %dma_wait3A_119 = tpu.memref_slice %arg12[%dma_wait3A_118] : memref<100352xf32, #tpu.memory_space<vmem_shared>> -> memref<100352xf32, #tpu.memory_space<vmem_shared>>
        tpu.wait_indirect_dma semaphore(%run_scoped3A_107 : memref<!tpu.dma_semaphore, #tpu.memory_space<semaphore_mem>>) src(%dma_wait3A_119 : memref<100352xf32, #tpu.memory_space<vmem_shared>>) dst(%dma_wait3A_114 : memref<128xf32, #tpu.memory_space<vmem>>)
        tpu.yield
      }) : () -> ()
      %get3A_83 = arith.constant 0 : index
      %get3A_84 = tpu.vector_load %arg25[%get3A_83] {strides = array<i32>} : memref<16xf32, #tpu.memory_space<vmem>>, vector<16xf32>,
      %get3A_85 = vector.shape_cast %get3A_84 : vector<16xf32> to vector<16xf32>
      %scan3A_86 = arith.constant 0 : i32
      %scan3A_87 = arith.constant 128 : i32
      %scan3A_88 = arith.addi %scan3A_86, %scan3A_87 : i32
      %scan3A_89 = arith.constant 1 : i32
      scf.for %scan3A_107 = %scan3A_86 to %scan3A_88 step %scan3A_89  : i32 {
        %mul3A_108 = arith.constant 1 : i32
        %mul3A_109 = arith.muli %scan3A_107, %mul3A_108 : i32
        %add3A_110 = arith.constant 0 : i32
        %add3A_111 = arith.addi %add3A_110, %mul3A_109 : i32
        %mul3A_112 = arith.constant 16 : i32
        %mul3A_113 = arith.muli %add3A_111, %mul3A_112 : i32
        %get3A_114 = arith.index_cast %mul3A_113 : i32 to index
        %get3A_115 = tpu.vector_load %arg21[%get3A_114] {strides = array<i32>} : memref<2048xf32, #tpu.memory_space<vmem>>, vector<16xf32>,
        %get3A_116 = vector.shape_cast %get3A_115 : vector<16xf32> to vector<16xf32>
        %get3A_117 = arith.index_cast %mul3A_113 : i32 to index
        %get3A_118 = tpu.vector_load %arg22[%get3A_117] {strides = array<i32>} : memref<2048xf32, #tpu.memory_space<vmem>>, vector<16xf32>,
        %get3A_119 = vector.shape_cast %get3A_118 : vector<16xf32> to vector<16xf32>
        %sub3A = arith.subf %get3A_116, %get3A_119 : vector<16xf32>
        %max3A = arith.constant 0.000000e+00 : f32
        %max3A_120 = vector.broadcast %max3A : f32 to vector<16xf32>
        %max3A_121 = arith.maximumf %sub3A, %max3A_120 : vector<16xf32>
        %get3A_122 = arith.index_cast %mul3A_113 : i32 to index
        %get3A_123 = tpu.vector_load %arg20[%get3A_122] {strides = array<i32>} : memref<2048xf32, #tpu.memory_space<vmem>>, vector<16xf32>,
        %get3A_124 = vector.shape_cast %get3A_123 : vector<16xf32> to vector<16xf32>
        %mul3A_125 = arith.mulf %max3A_121, %get3A_124 : vector<16xf32>
        %get3A_126 = arith.index_cast %mul3A_113 : i32 to index
        %get3A_127 = tpu.vector_load %arg23[%get3A_126] {strides = array<i32>} : memref<2048xf32, #tpu.memory_space<vmem>>, vector<16xf32>,
        %get3A_128 = vector.shape_cast %get3A_127 : vector<16xf32> to vector<16xf32>
        %mul3A_129 = arith.mulf %get3A_119, %get3A_119 : vector<16xf32>
        %mul3A_130 = arith.mulf %mul3A_129, %get3A_119 : vector<16xf32>
        %mul3A_131 = arith.mulf %get3A_128, %mul3A_130 : vector<16xf32>
        %mul3A_132 = arith.mulf %mul3A_125, %mul3A_131 : vector<16xf32>
        %mul3A_133 = arith.mulf %mul3A_132, %get3A_85 : vector<16xf32>
        %swap3A_134 = arith.index_cast %mul3A_113 : i32 to index
        %swap3A_135 = tpu.vector_load %arg24[%swap3A_134] {strides = array<i32>} : memref<2048xf32, #tpu.memory_space<vmem>>, vector<16xf32>,
        %swap3A_136 = vector.shape_cast %swap3A_135 : vector<16xf32> to vector<16xf32>
        %swap3A_137 = vector.shape_cast %mul3A_133 : vector<16xf32> to vector<16xf32>
        tpu.vector_store %arg24[%swap3A_134], %swap3A_137 {strides = array<i32>} : memref<2048xf32, #tpu.memory_space<vmem>>, vector<16xf32>,
      }
      %scan3A_90 = arith.constant 128 : i32
      %run_scoped3A_91 = arith.constant 0 : i32
      "tpu.region"() ({
        %run_scoped3A_107 = tpu.sem_alloc : memref<!tpu.dma_semaphore, #tpu.memory_space<semaphore_mem>>
        %dma_start3A = arith.constant 0 : i32
        %dma_start3A_108 = tpu.memref_slice %arg24[%dma_start3A] : memref<2048xf32, #tpu.memory_space<vmem>> -> memref<128xf32, #tpu.memory_space<vmem>>
        %dma_start3A_109 = arith.constant 0 : i32
        %dma_start3A_110 = tpu.memref_slice %arg19[%run_scoped3A_91, %dma_start3A_109] : memref<16x128xi32, #tpu.memory_space<vmem>> -> memref<1x128xi32, #tpu.memory_space<vmem>>
        %dma_start3A_111 = tpu.memref_squeeze %dma_start3A_110 : memref<1x128xi32, #tpu.memory_space<vmem>> -> memref<128xi32, #tpu.memory_space<vmem>>
        %dma_start3A_112 = arith.constant 0 : i32
        %dma_start3A_113 = tpu.memref_slice %arg13[%dma_start3A_112] : memref<100352xf32, #tpu.memory_space<vmem_shared>> -> memref<100352xf32, #tpu.memory_space<vmem_shared>>
        tpu.enqueue_indirect_dma source(%dma_start3A_108 : memref<128xf32, #tpu.memory_space<vmem>>) target(%dma_start3A_113 : memref<100352xf32, #tpu.memory_space<vmem_shared>>) offsets(%dma_start3A_111 : memref<128xi32, #tpu.memory_space<vmem>>) semaphore(%run_scoped3A_107 : memref<!tpu.dma_semaphore, #tpu.memory_space<semaphore_mem>>) {add = true}
        %dma_wait3A = arith.constant 0 : i32
        %dma_wait3A_114 = tpu.memref_slice %arg24[%dma_wait3A] : memref<2048xf32, #tpu.memory_space<vmem>> -> memref<128xf32, #tpu.memory_space<vmem>>
        %dma_wait3A_115 = arith.constant 0 : i32
        %dma_wait3A_116 = tpu.memref_slice %arg19[%run_scoped3A_91, %dma_wait3A_115] : memref<16x128xi32, #tpu.memory_space<vmem>> -> memref<1x128xi32, #tpu.memory_space<vmem>>
        %dma_wait3A_117 = tpu.memref_squeeze %dma_wait3A_116 : memref<1x128xi32, #tpu.memory_space<vmem>> -> memref<128xi32, #tpu.memory_space<vmem>>
        %dma_wait3A_118 = arith.constant 0 : i32
        %dma_wait3A_119 = tpu.memref_slice %arg13[%dma_wait3A_118] : memref<100352xf32, #tpu.memory_space<vmem_shared>> -> memref<100352xf32, #tpu.memory_space<vmem_shared>>
        tpu.wait_indirect_dma semaphore(%run_scoped3A_107 : memref<!tpu.dma_semaphore, #tpu.memory_space<semaphore_mem>>) src(%dma_wait3A_114 : memref<128xf32, #tpu.memory_space<vmem>>) dst(%dma_wait3A_119 : memref<100352xf32, #tpu.memory_space<vmem_shared>>)
        tpu.yield
      }) : () -> ()
      %run_scoped3A_92 = arith.constant 1 : i32
      "tpu.region"() ({
        %run_scoped3A_107 = tpu.sem_alloc : memref<!tpu.dma_semaphore, #tpu.memory_space<semaphore_mem>>
        %dma_start3A = arith.constant 128 : i32
        %dma_start3A_108 = tpu.memref_slice %arg24[%dma_start3A] : memref<2048xf32, #tpu.memory_space<vmem>> -> memref<128xf32, #tpu.memory_space<vmem>>
        %dma_start3A_109 = arith.constant 0 : i32
        %dma_start3A_110 = tpu.memref_slice %arg19[%run_scoped3A_92, %dma_start3A_109] : memref<16x128xi32, #tpu.memory_space<vmem>> -> memref<1x128xi32, #tpu.memory_space<vmem>>
        %dma_start3A_111 = tpu.memref_squeeze %dma_start3A_110 : memref<1x128xi32, #tpu.memory_space<vmem>> -> memref<128xi32, #tpu.memory_space<vmem>>
        %dma_start3A_112 = arith.constant 0 : i32
        %dma_start3A_113 = tpu.memref_slice %arg13[%dma_start3A_112] : memref<100352xf32, #tpu.memory_space<vmem_shared>> -> memref<100352xf32, #tpu.memory_space<vmem_shared>>
        tpu.enqueue_indirect_dma source(%dma_start3A_108 : memref<128xf32, #tpu.memory_space<vmem>>) target(%dma_start3A_113 : memref<100352xf32, #tpu.memory_space<vmem_shared>>) offsets(%dma_start3A_111 : memref<128xi32, #tpu.memory_space<vmem>>) semaphore(%run_scoped3A_107 : memref<!tpu.dma_semaphore, #tpu.memory_space<semaphore_mem>>) {add = true}
        %dma_wait3A = arith.constant 128 : i32
        %dma_wait3A_114 = tpu.memref_slice %arg24[%dma_wait3A] : memref<2048xf32, #tpu.memory_space<vmem>> -> memref<128xf32, #tpu.memory_space<vmem>>
        %dma_wait3A_115 = arith.constant 0 : i32
        %dma_wait3A_116 = tpu.memref_slice %arg19[%run_scoped3A_92, %dma_wait3A_115] : memref<16x128xi32, #tpu.memory_space<vmem>> -> memref<1x128xi32, #tpu.memory_space<vmem>>
        %dma_wait3A_117 = tpu.memref_squeeze %dma_wait3A_116 : memref<1x128xi32, #tpu.memory_space<vmem>> -> memref<128xi32, #tpu.memory_space<vmem>>
        %dma_wait3A_118 = arith.constant 0 : i32
        %dma_wait3A_119 = tpu.memref_slice %arg13[%dma_wait3A_118] : memref<100352xf32, #tpu.memory_space<vmem_shared>> -> memref<100352xf32, #tpu.memory_space<vmem_shared>>
        tpu.wait_indirect_dma semaphore(%run_scoped3A_107 : memref<!tpu.dma_semaphore, #tpu.memory_space<semaphore_mem>>) src(%dma_wait3A_114 : memref<128xf32, #tpu.memory_space<vmem>>) dst(%dma_wait3A_119 : memref<100352xf32, #tpu.memory_space<vmem_shared>>)
        tpu.yield
      }) : () -> ()
      %run_scoped3A_93 = arith.constant 2 : i32
      "tpu.region"() ({
        %run_scoped3A_107 = tpu.sem_alloc : memref<!tpu.dma_semaphore, #tpu.memory_space<semaphore_mem>>
        %dma_start3A = arith.constant 256 : i32
        %dma_start3A_108 = tpu.memref_slice %arg24[%dma_start3A] : memref<2048xf32, #tpu.memory_space<vmem>> -> memref<128xf32, #tpu.memory_space<vmem>>
        %dma_start3A_109 = arith.constant 0 : i32
        %dma_start3A_110 = tpu.memref_slice %arg19[%run_scoped3A_93, %dma_start3A_109] : memref<16x128xi32, #tpu.memory_space<vmem>> -> memref<1x128xi32, #tpu.memory_space<vmem>>
        %dma_start3A_111 = tpu.memref_squeeze %dma_start3A_110 : memref<1x128xi32, #tpu.memory_space<vmem>> -> memref<128xi32, #tpu.memory_space<vmem>>
        %dma_start3A_112 = arith.constant 0 : i32
        %dma_start3A_113 = tpu.memref_slice %arg13[%dma_start3A_112] : memref<100352xf32, #tpu.memory_space<vmem_shared>> -> memref<100352xf32, #tpu.memory_space<vmem_shared>>
        tpu.enqueue_indirect_dma source(%dma_start3A_108 : memref<128xf32, #tpu.memory_space<vmem>>) target(%dma_start3A_113 : memref<100352xf32, #tpu.memory_space<vmem_shared>>) offsets(%dma_start3A_111 : memref<128xi32, #tpu.memory_space<vmem>>) semaphore(%run_scoped3A_107 : memref<!tpu.dma_semaphore, #tpu.memory_space<semaphore_mem>>) {add = true}
        %dma_wait3A = arith.constant 256 : i32
        %dma_wait3A_114 = tpu.memref_slice %arg24[%dma_wait3A] : memref<2048xf32, #tpu.memory_space<vmem>> -> memref<128xf32, #tpu.memory_space<vmem>>
        %dma_wait3A_115 = arith.constant 0 : i32
        %dma_wait3A_116 = tpu.memref_slice %arg19[%run_scoped3A_93, %dma_wait3A_115] : memref<16x128xi32, #tpu.memory_space<vmem>> -> memref<1x128xi32, #tpu.memory_space<vmem>>
        %dma_wait3A_117 = tpu.memref_squeeze %dma_wait3A_116 : memref<1x128xi32, #tpu.memory_space<vmem>> -> memref<128xi32, #tpu.memory_space<vmem>>
        %dma_wait3A_118 = arith.constant 0 : i32
        %dma_wait3A_119 = tpu.memref_slice %arg13[%dma_wait3A_118] : memref<100352xf32, #tpu.memory_space<vmem_shared>> -> memref<100352xf32, #tpu.memory_space<vmem_shared>>
        tpu.wait_indirect_dma semaphore(%run_scoped3A_107 : memref<!tpu.dma_semaphore, #tpu.memory_space<semaphore_mem>>) src(%dma_wait3A_114 : memref<128xf32, #tpu.memory_space<vmem>>) dst(%dma_wait3A_119 : memref<100352xf32, #tpu.memory_space<vmem_shared>>)
        tpu.yield
      }) : () -> ()
      %run_scoped3A_94 = arith.constant 3 : i32
      "tpu.region"() ({
        %run_scoped3A_107 = tpu.sem_alloc : memref<!tpu.dma_semaphore, #tpu.memory_space<semaphore_mem>>
        %dma_start3A = arith.constant 384 : i32
        %dma_start3A_108 = tpu.memref_slice %arg24[%dma_start3A] : memref<2048xf32, #tpu.memory_space<vmem>> -> memref<128xf32, #tpu.memory_space<vmem>>
        %dma_start3A_109 = arith.constant 0 : i32
        %dma_start3A_110 = tpu.memref_slice %arg19[%run_scoped3A_94, %dma_start3A_109] : memref<16x128xi32, #tpu.memory_space<vmem>> -> memref<1x128xi32, #tpu.memory_space<vmem>>
        %dma_start3A_111 = tpu.memref_squeeze %dma_start3A_110 : memref<1x128xi32, #tpu.memory_space<vmem>> -> memref<128xi32, #tpu.memory_space<vmem>>
        %dma_start3A_112 = arith.constant 0 : i32
        %dma_start3A_113 = tpu.memref_slice %arg13[%dma_start3A_112] : memref<100352xf32, #tpu.memory_space<vmem_shared>> -> memref<100352xf32, #tpu.memory_space<vmem_shared>>
        tpu.enqueue_indirect_dma source(%dma_start3A_108 : memref<128xf32, #tpu.memory_space<vmem>>) target(%dma_start3A_113 : memref<100352xf32, #tpu.memory_space<vmem_shared>>) offsets(%dma_start3A_111 : memref<128xi32, #tpu.memory_space<vmem>>) semaphore(%run_scoped3A_107 : memref<!tpu.dma_semaphore, #tpu.memory_space<semaphore_mem>>) {add = true}
        %dma_wait3A = arith.constant 384 : i32
        %dma_wait3A_114 = tpu.memref_slice %arg24[%dma_wait3A] : memref<2048xf32, #tpu.memory_space<vmem>> -> memref<128xf32, #tpu.memory_space<vmem>>
        %dma_wait3A_115 = arith.constant 0 : i32
        %dma_wait3A_116 = tpu.memref_slice %arg19[%run_scoped3A_94, %dma_wait3A_115] : memref<16x128xi32, #tpu.memory_space<vmem>> -> memref<1x128xi32, #tpu.memory_space<vmem>>
        %dma_wait3A_117 = tpu.memref_squeeze %dma_wait3A_116 : memref<1x128xi32, #tpu.memory_space<vmem>> -> memref<128xi32, #tpu.memory_space<vmem>>
        %dma_wait3A_118 = arith.constant 0 : i32
        %dma_wait3A_119 = tpu.memref_slice %arg13[%dma_wait3A_118] : memref<100352xf32, #tpu.memory_space<vmem_shared>> -> memref<100352xf32, #tpu.memory_space<vmem_shared>>
        tpu.wait_indirect_dma semaphore(%run_scoped3A_107 : memref<!tpu.dma_semaphore, #tpu.memory_space<semaphore_mem>>) src(%dma_wait3A_114 : memref<128xf32, #tpu.memory_space<vmem>>) dst(%dma_wait3A_119 : memref<100352xf32, #tpu.memory_space<vmem_shared>>)
        tpu.yield
      }) : () -> ()
      %run_scoped3A_95 = arith.constant 4 : i32
      "tpu.region"() ({
        %run_scoped3A_107 = tpu.sem_alloc : memref<!tpu.dma_semaphore, #tpu.memory_space<semaphore_mem>>
        %dma_start3A = arith.constant 512 : i32
        %dma_start3A_108 = tpu.memref_slice %arg24[%dma_start3A] : memref<2048xf32, #tpu.memory_space<vmem>> -> memref<128xf32, #tpu.memory_space<vmem>>
        %dma_start3A_109 = arith.constant 0 : i32
        %dma_start3A_110 = tpu.memref_slice %arg19[%run_scoped3A_95, %dma_start3A_109] : memref<16x128xi32, #tpu.memory_space<vmem>> -> memref<1x128xi32, #tpu.memory_space<vmem>>
        %dma_start3A_111 = tpu.memref_squeeze %dma_start3A_110 : memref<1x128xi32, #tpu.memory_space<vmem>> -> memref<128xi32, #tpu.memory_space<vmem>>
        %dma_start3A_112 = arith.constant 0 : i32
        %dma_start3A_113 = tpu.memref_slice %arg13[%dma_start3A_112] : memref<100352xf32, #tpu.memory_space<vmem_shared>> -> memref<100352xf32, #tpu.memory_space<vmem_shared>>
        tpu.enqueue_indirect_dma source(%dma_start3A_108 : memref<128xf32, #tpu.memory_space<vmem>>) target(%dma_start3A_113 : memref<100352xf32, #tpu.memory_space<vmem_shared>>) offsets(%dma_start3A_111 : memref<128xi32, #tpu.memory_space<vmem>>) semaphore(%run_scoped3A_107 : memref<!tpu.dma_semaphore, #tpu.memory_space<semaphore_mem>>) {add = true}
        %dma_wait3A = arith.constant 512 : i32
        %dma_wait3A_114 = tpu.memref_slice %arg24[%dma_wait3A] : memref<2048xf32, #tpu.memory_space<vmem>> -> memref<128xf32, #tpu.memory_space<vmem>>
        %dma_wait3A_115 = arith.constant 0 : i32
        %dma_wait3A_116 = tpu.memref_slice %arg19[%run_scoped3A_95, %dma_wait3A_115] : memref<16x128xi32, #tpu.memory_space<vmem>> -> memref<1x128xi32, #tpu.memory_space<vmem>>
        %dma_wait3A_117 = tpu.memref_squeeze %dma_wait3A_116 : memref<1x128xi32, #tpu.memory_space<vmem>> -> memref<128xi32, #tpu.memory_space<vmem>>
        %dma_wait3A_118 = arith.constant 0 : i32
        %dma_wait3A_119 = tpu.memref_slice %arg13[%dma_wait3A_118] : memref<100352xf32, #tpu.memory_space<vmem_shared>> -> memref<100352xf32, #tpu.memory_space<vmem_shared>>
        tpu.wait_indirect_dma semaphore(%run_scoped3A_107 : memref<!tpu.dma_semaphore, #tpu.memory_space<semaphore_mem>>) src(%dma_wait3A_114 : memref<128xf32, #tpu.memory_space<vmem>>) dst(%dma_wait3A_119 : memref<100352xf32, #tpu.memory_space<vmem_shared>>)
        tpu.yield
      }) : () -> ()
      %run_scoped3A_96 = arith.constant 5 : i32
      "tpu.region"() ({
        %run_scoped3A_107 = tpu.sem_alloc : memref<!tpu.dma_semaphore, #tpu.memory_space<semaphore_mem>>
        %dma_start3A = arith.constant 640 : i32
        %dma_start3A_108 = tpu.memref_slice %arg24[%dma_start3A] : memref<2048xf32, #tpu.memory_space<vmem>> -> memref<128xf32, #tpu.memory_space<vmem>>
        %dma_start3A_109 = arith.constant 0 : i32
        %dma_start3A_110 = tpu.memref_slice %arg19[%run_scoped3A_96, %dma_start3A_109] : memref<16x128xi32, #tpu.memory_space<vmem>> -> memref<1x128xi32, #tpu.memory_space<vmem>>
        %dma_start3A_111 = tpu.memref_squeeze %dma_start3A_110 : memref<1x128xi32, #tpu.memory_space<vmem>> -> memref<128xi32, #tpu.memory_space<vmem>>
        %dma_start3A_112 = arith.constant 0 : i32
        %dma_start3A_113 = tpu.memref_slice %arg13[%dma_start3A_112] : memref<100352xf32, #tpu.memory_space<vmem_shared>> -> memref<100352xf32, #tpu.memory_space<vmem_shared>>
        tpu.enqueue_indirect_dma source(%dma_start3A_108 : memref<128xf32, #tpu.memory_space<vmem>>) target(%dma_start3A_113 : memref<100352xf32, #tpu.memory_space<vmem_shared>>) offsets(%dma_start3A_111 : memref<128xi32, #tpu.memory_space<vmem>>) semaphore(%run_scoped3A_107 : memref<!tpu.dma_semaphore, #tpu.memory_space<semaphore_mem>>) {add = true}
        %dma_wait3A = arith.constant 640 : i32
        %dma_wait3A_114 = tpu.memref_slice %arg24[%dma_wait3A] : memref<2048xf32, #tpu.memory_space<vmem>> -> memref<128xf32, #tpu.memory_space<vmem>>
        %dma_wait3A_115 = arith.constant 0 : i32
        %dma_wait3A_116 = tpu.memref_slice %arg19[%run_scoped3A_96, %dma_wait3A_115] : memref<16x128xi32, #tpu.memory_space<vmem>> -> memref<1x128xi32, #tpu.memory_space<vmem>>
        %dma_wait3A_117 = tpu.memref_squeeze %dma_wait3A_116 : memref<1x128xi32, #tpu.memory_space<vmem>> -> memref<128xi32, #tpu.memory_space<vmem>>
        %dma_wait3A_118 = arith.constant 0 : i32
        %dma_wait3A_119 = tpu.memref_slice %arg13[%dma_wait3A_118] : memref<100352xf32, #tpu.memory_space<vmem_shared>> -> memref<100352xf32, #tpu.memory_space<vmem_shared>>
        tpu.wait_indirect_dma semaphore(%run_scoped3A_107 : memref<!tpu.dma_semaphore, #tpu.memory_space<semaphore_mem>>) src(%dma_wait3A_114 : memref<128xf32, #tpu.memory_space<vmem>>) dst(%dma_wait3A_119 : memref<100352xf32, #tpu.memory_space<vmem_shared>>)
        tpu.yield
      }) : () -> ()
      %run_scoped3A_97 = arith.constant 6 : i32
      "tpu.region"() ({
        %run_scoped3A_107 = tpu.sem_alloc : memref<!tpu.dma_semaphore, #tpu.memory_space<semaphore_mem>>
        %dma_start3A = arith.constant 768 : i32
        %dma_start3A_108 = tpu.memref_slice %arg24[%dma_start3A] : memref<2048xf32, #tpu.memory_space<vmem>> -> memref<128xf32, #tpu.memory_space<vmem>>
        %dma_start3A_109 = arith.constant 0 : i32
        %dma_start3A_110 = tpu.memref_slice %arg19[%run_scoped3A_97, %dma_start3A_109] : memref<16x128xi32, #tpu.memory_space<vmem>> -> memref<1x128xi32, #tpu.memory_space<vmem>>
        %dma_start3A_111 = tpu.memref_squeeze %dma_start3A_110 : memref<1x128xi32, #tpu.memory_space<vmem>> -> memref<128xi32, #tpu.memory_space<vmem>>
        %dma_start3A_112 = arith.constant 0 : i32
        %dma_start3A_113 = tpu.memref_slice %arg13[%dma_start3A_112] : memref<100352xf32, #tpu.memory_space<vmem_shared>> -> memref<100352xf32, #tpu.memory_space<vmem_shared>>
        tpu.enqueue_indirect_dma source(%dma_start3A_108 : memref<128xf32, #tpu.memory_space<vmem>>) target(%dma_start3A_113 : memref<100352xf32, #tpu.memory_space<vmem_shared>>) offsets(%dma_start3A_111 : memref<128xi32, #tpu.memory_space<vmem>>) semaphore(%run_scoped3A_107 : memref<!tpu.dma_semaphore, #tpu.memory_space<semaphore_mem>>) {add = true}
        %dma_wait3A = arith.constant 768 : i32
        %dma_wait3A_114 = tpu.memref_slice %arg24[%dma_wait3A] : memref<2048xf32, #tpu.memory_space<vmem>> -> memref<128xf32, #tpu.memory_space<vmem>>
        %dma_wait3A_115 = arith.constant 0 : i32
        %dma_wait3A_116 = tpu.memref_slice %arg19[%run_scoped3A_97, %dma_wait3A_115] : memref<16x128xi32, #tpu.memory_space<vmem>> -> memref<1x128xi32, #tpu.memory_space<vmem>>
        %dma_wait3A_117 = tpu.memref_squeeze %dma_wait3A_116 : memref<1x128xi32, #tpu.memory_space<vmem>> -> memref<128xi32, #tpu.memory_space<vmem>>
        %dma_wait3A_118 = arith.constant 0 : i32
        %dma_wait3A_119 = tpu.memref_slice %arg13[%dma_wait3A_118] : memref<100352xf32, #tpu.memory_space<vmem_shared>> -> memref<100352xf32, #tpu.memory_space<vmem_shared>>
        tpu.wait_indirect_dma semaphore(%run_scoped3A_107 : memref<!tpu.dma_semaphore, #tpu.memory_space<semaphore_mem>>) src(%dma_wait3A_114 : memref<128xf32, #tpu.memory_space<vmem>>) dst(%dma_wait3A_119 : memref<100352xf32, #tpu.memory_space<vmem_shared>>)
        tpu.yield
      }) : () -> ()
      %run_scoped3A_98 = arith.constant 7 : i32
      "tpu.region"() ({
        %run_scoped3A_107 = tpu.sem_alloc : memref<!tpu.dma_semaphore, #tpu.memory_space<semaphore_mem>>
        %dma_start3A = arith.constant 896 : i32
        %dma_start3A_108 = tpu.memref_slice %arg24[%dma_start3A] : memref<2048xf32, #tpu.memory_space<vmem>> -> memref<128xf32, #tpu.memory_space<vmem>>
        %dma_start3A_109 = arith.constant 0 : i32
        %dma_start3A_110 = tpu.memref_slice %arg19[%run_scoped3A_98, %dma_start3A_109] : memref<16x128xi32, #tpu.memory_space<vmem>> -> memref<1x128xi32, #tpu.memory_space<vmem>>
        %dma_start3A_111 = tpu.memref_squeeze %dma_start3A_110 : memref<1x128xi32, #tpu.memory_space<vmem>> -> memref<128xi32, #tpu.memory_space<vmem>>
        %dma_start3A_112 = arith.constant 0 : i32
        %dma_start3A_113 = tpu.memref_slice %arg13[%dma_start3A_112] : memref<100352xf32, #tpu.memory_space<vmem_shared>> -> memref<100352xf32, #tpu.memory_space<vmem_shared>>
        tpu.enqueue_indirect_dma source(%dma_start3A_108 : memref<128xf32, #tpu.memory_space<vmem>>) target(%dma_start3A_113 : memref<100352xf32, #tpu.memory_space<vmem_shared>>) offsets(%dma_start3A_111 : memref<128xi32, #tpu.memory_space<vmem>>) semaphore(%run_scoped3A_107 : memref<!tpu.dma_semaphore, #tpu.memory_space<semaphore_mem>>) {add = true}
        %dma_wait3A = arith.constant 896 : i32
        %dma_wait3A_114 = tpu.memref_slice %arg24[%dma_wait3A] : memref<2048xf32, #tpu.memory_space<vmem>> -> memref<128xf32, #tpu.memory_space<vmem>>
        %dma_wait3A_115 = arith.constant 0 : i32
        %dma_wait3A_116 = tpu.memref_slice %arg19[%run_scoped3A_98, %dma_wait3A_115] : memref<16x128xi32, #tpu.memory_space<vmem>> -> memref<1x128xi32, #tpu.memory_space<vmem>>
        %dma_wait3A_117 = tpu.memref_squeeze %dma_wait3A_116 : memref<1x128xi32, #tpu.memory_space<vmem>> -> memref<128xi32, #tpu.memory_space<vmem>>
        %dma_wait3A_118 = arith.constant 0 : i32
        %dma_wait3A_119 = tpu.memref_slice %arg13[%dma_wait3A_118] : memref<100352xf32, #tpu.memory_space<vmem_shared>> -> memref<100352xf32, #tpu.memory_space<vmem_shared>>
        tpu.wait_indirect_dma semaphore(%run_scoped3A_107 : memref<!tpu.dma_semaphore, #tpu.memory_space<semaphore_mem>>) src(%dma_wait3A_114 : memref<128xf32, #tpu.memory_space<vmem>>) dst(%dma_wait3A_119 : memref<100352xf32, #tpu.memory_space<vmem_shared>>)
        tpu.yield
      }) : () -> ()
      %run_scoped3A_99 = arith.constant 8 : i32
      "tpu.region"() ({
        %run_scoped3A_107 = tpu.sem_alloc : memref<!tpu.dma_semaphore, #tpu.memory_space<semaphore_mem>>
        %dma_start3A = arith.constant 1024 : i32
        %dma_start3A_108 = tpu.memref_slice %arg24[%dma_start3A] : memref<2048xf32, #tpu.memory_space<vmem>> -> memref<128xf32, #tpu.memory_space<vmem>>
        %dma_start3A_109 = arith.constant 0 : i32
        %dma_start3A_110 = tpu.memref_slice %arg19[%run_scoped3A_99, %dma_start3A_109] : memref<16x128xi32, #tpu.memory_space<vmem>> -> memref<1x128xi32, #tpu.memory_space<vmem>>
        %dma_start3A_111 = tpu.memref_squeeze %dma_start3A_110 : memref<1x128xi32, #tpu.memory_space<vmem>> -> memref<128xi32, #tpu.memory_space<vmem>>
        %dma_start3A_112 = arith.constant 0 : i32
        %dma_start3A_113 = tpu.memref_slice %arg13[%dma_start3A_112] : memref<100352xf32, #tpu.memory_space<vmem_shared>> -> memref<100352xf32, #tpu.memory_space<vmem_shared>>
        tpu.enqueue_indirect_dma source(%dma_start3A_108 : memref<128xf32, #tpu.memory_space<vmem>>) target(%dma_start3A_113 : memref<100352xf32, #tpu.memory_space<vmem_shared>>) offsets(%dma_start3A_111 : memref<128xi32, #tpu.memory_space<vmem>>) semaphore(%run_scoped3A_107 : memref<!tpu.dma_semaphore, #tpu.memory_space<semaphore_mem>>) {add = true}
        %dma_wait3A = arith.constant 1024 : i32
        %dma_wait3A_114 = tpu.memref_slice %arg24[%dma_wait3A] : memref<2048xf32, #tpu.memory_space<vmem>> -> memref<128xf32, #tpu.memory_space<vmem>>
        %dma_wait3A_115 = arith.constant 0 : i32
        %dma_wait3A_116 = tpu.memref_slice %arg19[%run_scoped3A_99, %dma_wait3A_115] : memref<16x128xi32, #tpu.memory_space<vmem>> -> memref<1x128xi32, #tpu.memory_space<vmem>>
        %dma_wait3A_117 = tpu.memref_squeeze %dma_wait3A_116 : memref<1x128xi32, #tpu.memory_space<vmem>> -> memref<128xi32, #tpu.memory_space<vmem>>
        %dma_wait3A_118 = arith.constant 0 : i32
        %dma_wait3A_119 = tpu.memref_slice %arg13[%dma_wait3A_118] : memref<100352xf32, #tpu.memory_space<vmem_shared>> -> memref<100352xf32, #tpu.memory_space<vmem_shared>>
        tpu.wait_indirect_dma semaphore(%run_scoped3A_107 : memref<!tpu.dma_semaphore, #tpu.memory_space<semaphore_mem>>) src(%dma_wait3A_114 : memref<128xf32, #tpu.memory_space<vmem>>) dst(%dma_wait3A_119 : memref<100352xf32, #tpu.memory_space<vmem_shared>>)
        tpu.yield
      }) : () -> ()
      %run_scoped3A_100 = arith.constant 9 : i32
      "tpu.region"() ({
        %run_scoped3A_107 = tpu.sem_alloc : memref<!tpu.dma_semaphore, #tpu.memory_space<semaphore_mem>>
        %dma_start3A = arith.constant 1152 : i32
        %dma_start3A_108 = tpu.memref_slice %arg24[%dma_start3A] : memref<2048xf32, #tpu.memory_space<vmem>> -> memref<128xf32, #tpu.memory_space<vmem>>
        %dma_start3A_109 = arith.constant 0 : i32
        %dma_start3A_110 = tpu.memref_slice %arg19[%run_scoped3A_100, %dma_start3A_109] : memref<16x128xi32, #tpu.memory_space<vmem>> -> memref<1x128xi32, #tpu.memory_space<vmem>>
        %dma_start3A_111 = tpu.memref_squeeze %dma_start3A_110 : memref<1x128xi32, #tpu.memory_space<vmem>> -> memref<128xi32, #tpu.memory_space<vmem>>
        %dma_start3A_112 = arith.constant 0 : i32
        %dma_start3A_113 = tpu.memref_slice %arg13[%dma_start3A_112] : memref<100352xf32, #tpu.memory_space<vmem_shared>> -> memref<100352xf32, #tpu.memory_space<vmem_shared>>
        tpu.enqueue_indirect_dma source(%dma_start3A_108 : memref<128xf32, #tpu.memory_space<vmem>>) target(%dma_start3A_113 : memref<100352xf32, #tpu.memory_space<vmem_shared>>) offsets(%dma_start3A_111 : memref<128xi32, #tpu.memory_space<vmem>>) semaphore(%run_scoped3A_107 : memref<!tpu.dma_semaphore, #tpu.memory_space<semaphore_mem>>) {add = true}
        %dma_wait3A = arith.constant 1152 : i32
        %dma_wait3A_114 = tpu.memref_slice %arg24[%dma_wait3A] : memref<2048xf32, #tpu.memory_space<vmem>> -> memref<128xf32, #tpu.memory_space<vmem>>
        %dma_wait3A_115 = arith.constant 0 : i32
        %dma_wait3A_116 = tpu.memref_slice %arg19[%run_scoped3A_100, %dma_wait3A_115] : memref<16x128xi32, #tpu.memory_space<vmem>> -> memref<1x128xi32, #tpu.memory_space<vmem>>
        %dma_wait3A_117 = tpu.memref_squeeze %dma_wait3A_116 : memref<1x128xi32, #tpu.memory_space<vmem>> -> memref<128xi32, #tpu.memory_space<vmem>>
        %dma_wait3A_118 = arith.constant 0 : i32
        %dma_wait3A_119 = tpu.memref_slice %arg13[%dma_wait3A_118] : memref<100352xf32, #tpu.memory_space<vmem_shared>> -> memref<100352xf32, #tpu.memory_space<vmem_shared>>
        tpu.wait_indirect_dma semaphore(%run_scoped3A_107 : memref<!tpu.dma_semaphore, #tpu.memory_space<semaphore_mem>>) src(%dma_wait3A_114 : memref<128xf32, #tpu.memory_space<vmem>>) dst(%dma_wait3A_119 : memref<100352xf32, #tpu.memory_space<vmem_shared>>)
        tpu.yield
      }) : () -> ()
      %run_scoped3A_101 = arith.constant 10 : i32
      "tpu.region"() ({
        %run_scoped3A_107 = tpu.sem_alloc : memref<!tpu.dma_semaphore, #tpu.memory_space<semaphore_mem>>
        %dma_start3A = arith.constant 1280 : i32
        %dma_start3A_108 = tpu.memref_slice %arg24[%dma_start3A] : memref<2048xf32, #tpu.memory_space<vmem>> -> memref<128xf32, #tpu.memory_space<vmem>>
        %dma_start3A_109 = arith.constant 0 : i32
        %dma_start3A_110 = tpu.memref_slice %arg19[%run_scoped3A_101, %dma_start3A_109] : memref<16x128xi32, #tpu.memory_space<vmem>> -> memref<1x128xi32, #tpu.memory_space<vmem>>
        %dma_start3A_111 = tpu.memref_squeeze %dma_start3A_110 : memref<1x128xi32, #tpu.memory_space<vmem>> -> memref<128xi32, #tpu.memory_space<vmem>>
        %dma_start3A_112 = arith.constant 0 : i32
        %dma_start3A_113 = tpu.memref_slice %arg13[%dma_start3A_112] : memref<100352xf32, #tpu.memory_space<vmem_shared>> -> memref<100352xf32, #tpu.memory_space<vmem_shared>>
        tpu.enqueue_indirect_dma source(%dma_start3A_108 : memref<128xf32, #tpu.memory_space<vmem>>) target(%dma_start3A_113 : memref<100352xf32, #tpu.memory_space<vmem_shared>>) offsets(%dma_start3A_111 : memref<128xi32, #tpu.memory_space<vmem>>) semaphore(%run_scoped3A_107 : memref<!tpu.dma_semaphore, #tpu.memory_space<semaphore_mem>>) {add = true}
        %dma_wait3A = arith.constant 1280 : i32
        %dma_wait3A_114 = tpu.memref_slice %arg24[%dma_wait3A] : memref<2048xf32, #tpu.memory_space<vmem>> -> memref<128xf32, #tpu.memory_space<vmem>>
        %dma_wait3A_115 = arith.constant 0 : i32
        %dma_wait3A_116 = tpu.memref_slice %arg19[%run_scoped3A_101, %dma_wait3A_115] : memref<16x128xi32, #tpu.memory_space<vmem>> -> memref<1x128xi32, #tpu.memory_space<vmem>>
        %dma_wait3A_117 = tpu.memref_squeeze %dma_wait3A_116 : memref<1x128xi32, #tpu.memory_space<vmem>> -> memref<128xi32, #tpu.memory_space<vmem>>
        %dma_wait3A_118 = arith.constant 0 : i32
        %dma_wait3A_119 = tpu.memref_slice %arg13[%dma_wait3A_118] : memref<100352xf32, #tpu.memory_space<vmem_shared>> -> memref<100352xf32, #tpu.memory_space<vmem_shared>>
        tpu.wait_indirect_dma semaphore(%run_scoped3A_107 : memref<!tpu.dma_semaphore, #tpu.memory_space<semaphore_mem>>) src(%dma_wait3A_114 : memref<128xf32, #tpu.memory_space<vmem>>) dst(%dma_wait3A_119 : memref<100352xf32, #tpu.memory_space<vmem_shared>>)
        tpu.yield
      }) : () -> ()
      %run_scoped3A_102 = arith.constant 11 : i32
      "tpu.region"() ({
        %run_scoped3A_107 = tpu.sem_alloc : memref<!tpu.dma_semaphore, #tpu.memory_space<semaphore_mem>>
        %dma_start3A = arith.constant 1408 : i32
        %dma_start3A_108 = tpu.memref_slice %arg24[%dma_start3A] : memref<2048xf32, #tpu.memory_space<vmem>> -> memref<128xf32, #tpu.memory_space<vmem>>
        %dma_start3A_109 = arith.constant 0 : i32
        %dma_start3A_110 = tpu.memref_slice %arg19[%run_scoped3A_102, %dma_start3A_109] : memref<16x128xi32, #tpu.memory_space<vmem>> -> memref<1x128xi32, #tpu.memory_space<vmem>>
        %dma_start3A_111 = tpu.memref_squeeze %dma_start3A_110 : memref<1x128xi32, #tpu.memory_space<vmem>> -> memref<128xi32, #tpu.memory_space<vmem>>
        %dma_start3A_112 = arith.constant 0 : i32
        %dma_start3A_113 = tpu.memref_slice %arg13[%dma_start3A_112] : memref<100352xf32, #tpu.memory_space<vmem_shared>> -> memref<100352xf32, #tpu.memory_space<vmem_shared>>
        tpu.enqueue_indirect_dma source(%dma_start3A_108 : memref<128xf32, #tpu.memory_space<vmem>>) target(%dma_start3A_113 : memref<100352xf32, #tpu.memory_space<vmem_shared>>) offsets(%dma_start3A_111 : memref<128xi32, #tpu.memory_space<vmem>>) semaphore(%run_scoped3A_107 : memref<!tpu.dma_semaphore, #tpu.memory_space<semaphore_mem>>) {add = true}
        %dma_wait3A = arith.constant 1408 : i32
        %dma_wait3A_114 = tpu.memref_slice %arg24[%dma_wait3A] : memref<2048xf32, #tpu.memory_space<vmem>> -> memref<128xf32, #tpu.memory_space<vmem>>
        %dma_wait3A_115 = arith.constant 0 : i32
        %dma_wait3A_116 = tpu.memref_slice %arg19[%run_scoped3A_102, %dma_wait3A_115] : memref<16x128xi32, #tpu.memory_space<vmem>> -> memref<1x128xi32, #tpu.memory_space<vmem>>
        %dma_wait3A_117 = tpu.memref_squeeze %dma_wait3A_116 : memref<1x128xi32, #tpu.memory_space<vmem>> -> memref<128xi32, #tpu.memory_space<vmem>>
        %dma_wait3A_118 = arith.constant 0 : i32
        %dma_wait3A_119 = tpu.memref_slice %arg13[%dma_wait3A_118] : memref<100352xf32, #tpu.memory_space<vmem_shared>> -> memref<100352xf32, #tpu.memory_space<vmem_shared>>
        tpu.wait_indirect_dma semaphore(%run_scoped3A_107 : memref<!tpu.dma_semaphore, #tpu.memory_space<semaphore_mem>>) src(%dma_wait3A_114 : memref<128xf32, #tpu.memory_space<vmem>>) dst(%dma_wait3A_119 : memref<100352xf32, #tpu.memory_space<vmem_shared>>)
        tpu.yield
      }) : () -> ()
      %run_scoped3A_103 = arith.constant 12 : i32
      "tpu.region"() ({
        %run_scoped3A_107 = tpu.sem_alloc : memref<!tpu.dma_semaphore, #tpu.memory_space<semaphore_mem>>
        %dma_start3A = arith.constant 1536 : i32
        %dma_start3A_108 = tpu.memref_slice %arg24[%dma_start3A] : memref<2048xf32, #tpu.memory_space<vmem>> -> memref<128xf32, #tpu.memory_space<vmem>>
        %dma_start3A_109 = arith.constant 0 : i32
        %dma_start3A_110 = tpu.memref_slice %arg19[%run_scoped3A_103, %dma_start3A_109] : memref<16x128xi32, #tpu.memory_space<vmem>> -> memref<1x128xi32, #tpu.memory_space<vmem>>
        %dma_start3A_111 = tpu.memref_squeeze %dma_start3A_110 : memref<1x128xi32, #tpu.memory_space<vmem>> -> memref<128xi32, #tpu.memory_space<vmem>>
        %dma_start3A_112 = arith.constant 0 : i32
        %dma_start3A_113 = tpu.memref_slice %arg13[%dma_start3A_112] : memref<100352xf32, #tpu.memory_space<vmem_shared>> -> memref<100352xf32, #tpu.memory_space<vmem_shared>>
        tpu.enqueue_indirect_dma source(%dma_start3A_108 : memref<128xf32, #tpu.memory_space<vmem>>) target(%dma_start3A_113 : memref<100352xf32, #tpu.memory_space<vmem_shared>>) offsets(%dma_start3A_111 : memref<128xi32, #tpu.memory_space<vmem>>) semaphore(%run_scoped3A_107 : memref<!tpu.dma_semaphore, #tpu.memory_space<semaphore_mem>>) {add = true}
        %dma_wait3A = arith.constant 1536 : i32
        %dma_wait3A_114 = tpu.memref_slice %arg24[%dma_wait3A] : memref<2048xf32, #tpu.memory_space<vmem>> -> memref<128xf32, #tpu.memory_space<vmem>>
        %dma_wait3A_115 = arith.constant 0 : i32
        %dma_wait3A_116 = tpu.memref_slice %arg19[%run_scoped3A_103, %dma_wait3A_115] : memref<16x128xi32, #tpu.memory_space<vmem>> -> memref<1x128xi32, #tpu.memory_space<vmem>>
        %dma_wait3A_117 = tpu.memref_squeeze %dma_wait3A_116 : memref<1x128xi32, #tpu.memory_space<vmem>> -> memref<128xi32, #tpu.memory_space<vmem>>
        %dma_wait3A_118 = arith.constant 0 : i32
        %dma_wait3A_119 = tpu.memref_slice %arg13[%dma_wait3A_118] : memref<100352xf32, #tpu.memory_space<vmem_shared>> -> memref<100352xf32, #tpu.memory_space<vmem_shared>>
        tpu.wait_indirect_dma semaphore(%run_scoped3A_107 : memref<!tpu.dma_semaphore, #tpu.memory_space<semaphore_mem>>) src(%dma_wait3A_114 : memref<128xf32, #tpu.memory_space<vmem>>) dst(%dma_wait3A_119 : memref<100352xf32, #tpu.memory_space<vmem_shared>>)
        tpu.yield
      }) : () -> ()
      %run_scoped3A_104 = arith.constant 13 : i32
      "tpu.region"() ({
        %run_scoped3A_107 = tpu.sem_alloc : memref<!tpu.dma_semaphore, #tpu.memory_space<semaphore_mem>>
        %dma_start3A = arith.constant 1664 : i32
        %dma_start3A_108 = tpu.memref_slice %arg24[%dma_start3A] : memref<2048xf32, #tpu.memory_space<vmem>> -> memref<128xf32, #tpu.memory_space<vmem>>
        %dma_start3A_109 = arith.constant 0 : i32
        %dma_start3A_110 = tpu.memref_slice %arg19[%run_scoped3A_104, %dma_start3A_109] : memref<16x128xi32, #tpu.memory_space<vmem>> -> memref<1x128xi32, #tpu.memory_space<vmem>>
        %dma_start3A_111 = tpu.memref_squeeze %dma_start3A_110 : memref<1x128xi32, #tpu.memory_space<vmem>> -> memref<128xi32, #tpu.memory_space<vmem>>
        %dma_start3A_112 = arith.constant 0 : i32
        %dma_start3A_113 = tpu.memref_slice %arg13[%dma_start3A_112] : memref<100352xf32, #tpu.memory_space<vmem_shared>> -> memref<100352xf32, #tpu.memory_space<vmem_shared>>
        tpu.enqueue_indirect_dma source(%dma_start3A_108 : memref<128xf32, #tpu.memory_space<vmem>>) target(%dma_start3A_113 : memref<100352xf32, #tpu.memory_space<vmem_shared>>) offsets(%dma_start3A_111 : memref<128xi32, #tpu.memory_space<vmem>>) semaphore(%run_scoped3A_107 : memref<!tpu.dma_semaphore, #tpu.memory_space<semaphore_mem>>) {add = true}
        %dma_wait3A = arith.constant 1664 : i32
        %dma_wait3A_114 = tpu.memref_slice %arg24[%dma_wait3A] : memref<2048xf32, #tpu.memory_space<vmem>> -> memref<128xf32, #tpu.memory_space<vmem>>
        %dma_wait3A_115 = arith.constant 0 : i32
        %dma_wait3A_116 = tpu.memref_slice %arg19[%run_scoped3A_104, %dma_wait3A_115] : memref<16x128xi32, #tpu.memory_space<vmem>> -> memref<1x128xi32, #tpu.memory_space<vmem>>
        %dma_wait3A_117 = tpu.memref_squeeze %dma_wait3A_116 : memref<1x128xi32, #tpu.memory_space<vmem>> -> memref<128xi32, #tpu.memory_space<vmem>>
        %dma_wait3A_118 = arith.constant 0 : i32
        %dma_wait3A_119 = tpu.memref_slice %arg13[%dma_wait3A_118] : memref<100352xf32, #tpu.memory_space<vmem_shared>> -> memref<100352xf32, #tpu.memory_space<vmem_shared>>
        tpu.wait_indirect_dma semaphore(%run_scoped3A_107 : memref<!tpu.dma_semaphore, #tpu.memory_space<semaphore_mem>>) src(%dma_wait3A_114 : memref<128xf32, #tpu.memory_space<vmem>>) dst(%dma_wait3A_119 : memref<100352xf32, #tpu.memory_space<vmem_shared>>)
        tpu.yield
      }) : () -> ()
      %run_scoped3A_105 = arith.constant 14 : i32
      "tpu.region"() ({
        %run_scoped3A_107 = tpu.sem_alloc : memref<!tpu.dma_semaphore, #tpu.memory_space<semaphore_mem>>
        %dma_start3A = arith.constant 1792 : i32
        %dma_start3A_108 = tpu.memref_slice %arg24[%dma_start3A] : memref<2048xf32, #tpu.memory_space<vmem>> -> memref<128xf32, #tpu.memory_space<vmem>>
        %dma_start3A_109 = arith.constant 0 : i32
        %dma_start3A_110 = tpu.memref_slice %arg19[%run_scoped3A_105, %dma_start3A_109] : memref<16x128xi32, #tpu.memory_space<vmem>> -> memref<1x128xi32, #tpu.memory_space<vmem>>
        %dma_start3A_111 = tpu.memref_squeeze %dma_start3A_110 : memref<1x128xi32, #tpu.memory_space<vmem>> -> memref<128xi32, #tpu.memory_space<vmem>>
        %dma_start3A_112 = arith.constant 0 : i32
        %dma_start3A_113 = tpu.memref_slice %arg13[%dma_start3A_112] : memref<100352xf32, #tpu.memory_space<vmem_shared>> -> memref<100352xf32, #tpu.memory_space<vmem_shared>>
        tpu.enqueue_indirect_dma source(%dma_start3A_108 : memref<128xf32, #tpu.memory_space<vmem>>) target(%dma_start3A_113 : memref<100352xf32, #tpu.memory_space<vmem_shared>>) offsets(%dma_start3A_111 : memref<128xi32, #tpu.memory_space<vmem>>) semaphore(%run_scoped3A_107 : memref<!tpu.dma_semaphore, #tpu.memory_space<semaphore_mem>>) {add = true}
        %dma_wait3A = arith.constant 1792 : i32
        %dma_wait3A_114 = tpu.memref_slice %arg24[%dma_wait3A] : memref<2048xf32, #tpu.memory_space<vmem>> -> memref<128xf32, #tpu.memory_space<vmem>>
        %dma_wait3A_115 = arith.constant 0 : i32
        %dma_wait3A_116 = tpu.memref_slice %arg19[%run_scoped3A_105, %dma_wait3A_115] : memref<16x128xi32, #tpu.memory_space<vmem>> -> memref<1x128xi32, #tpu.memory_space<vmem>>
        %dma_wait3A_117 = tpu.memref_squeeze %dma_wait3A_116 : memref<1x128xi32, #tpu.memory_space<vmem>> -> memref<128xi32, #tpu.memory_space<vmem>>
        %dma_wait3A_118 = arith.constant 0 : i32
        %dma_wait3A_119 = tpu.memref_slice %arg13[%dma_wait3A_118] : memref<100352xf32, #tpu.memory_space<vmem_shared>> -> memref<100352xf32, #tpu.memory_space<vmem_shared>>
        tpu.wait_indirect_dma semaphore(%run_scoped3A_107 : memref<!tpu.dma_semaphore, #tpu.memory_space<semaphore_mem>>) src(%dma_wait3A_114 : memref<128xf32, #tpu.memory_space<vmem>>) dst(%dma_wait3A_119 : memref<100352xf32, #tpu.memory_space<vmem_shared>>)
        tpu.yield
      }) : () -> ()
      %run_scoped3A_106 = arith.constant 15 : i32
      "tpu.region"() ({
        %run_scoped3A_107 = tpu.sem_alloc : memref<!tpu.dma_semaphore, #tpu.memory_space<semaphore_mem>>
        %dma_start3A = arith.constant 1920 : i32
        %dma_start3A_108 = tpu.memref_slice %arg24[%dma_start3A] : memref<2048xf32, #tpu.memory_space<vmem>> -> memref<128xf32, #tpu.memory_space<vmem>>
        %dma_start3A_109 = arith.constant 0 : i32
        %dma_start3A_110 = tpu.memref_slice %arg19[%run_scoped3A_106, %dma_start3A_109] : memref<16x128xi32, #tpu.memory_space<vmem>> -> memref<1x128xi32, #tpu.memory_space<vmem>>
        %dma_start3A_111 = tpu.memref_squeeze %dma_start3A_110 : memref<1x128xi32, #tpu.memory_space<vmem>> -> memref<128xi32, #tpu.memory_space<vmem>>
        %dma_start3A_112 = arith.constant 0 : i32
        %dma_start3A_113 = tpu.memref_slice %arg13[%dma_start3A_112] : memref<100352xf32, #tpu.memory_space<vmem_shared>> -> memref<100352xf32, #tpu.memory_space<vmem_shared>>
        tpu.enqueue_indirect_dma source(%dma_start3A_108 : memref<128xf32, #tpu.memory_space<vmem>>) target(%dma_start3A_113 : memref<100352xf32, #tpu.memory_space<vmem_shared>>) offsets(%dma_start3A_111 : memref<128xi32, #tpu.memory_space<vmem>>) semaphore(%run_scoped3A_107 : memref<!tpu.dma_semaphore, #tpu.memory_space<semaphore_mem>>) {add = true}
        %dma_wait3A = arith.constant 1920 : i32
        %dma_wait3A_114 = tpu.memref_slice %arg24[%dma_wait3A] : memref<2048xf32, #tpu.memory_space<vmem>> -> memref<128xf32, #tpu.memory_space<vmem>>
        %dma_wait3A_115 = arith.constant 0 : i32
        %dma_wait3A_116 = tpu.memref_slice %arg19[%run_scoped3A_106, %dma_wait3A_115] : memref<16x128xi32, #tpu.memory_space<vmem>> -> memref<1x128xi32, #tpu.memory_space<vmem>>
        %dma_wait3A_117 = tpu.memref_squeeze %dma_wait3A_116 : memref<1x128xi32, #tpu.memory_space<vmem>> -> memref<128xi32, #tpu.memory_space<vmem>>
        %dma_wait3A_118 = arith.constant 0 : i32
        %dma_wait3A_119 = tpu.memref_slice %arg13[%dma_wait3A_118] : memref<100352xf32, #tpu.memory_space<vmem_shared>> -> memref<100352xf32, #tpu.memory_space<vmem_shared>>
        tpu.wait_indirect_dma semaphore(%run_scoped3A_107 : memref<!tpu.dma_semaphore, #tpu.memory_space<semaphore_mem>>) src(%dma_wait3A_114 : memref<128xf32, #tpu.memory_space<vmem>>) dst(%dma_wait3A_119 : memref<100352xf32, #tpu.memory_space<vmem_shared>>)
        tpu.yield
      }) : () -> ()
    }
    %scan3A_23 = arith.constant 100 : i32
    %barrier3A_24 = arith.constant 0 : index
    tpu.barrier barrier_id(%barrier3A_24)
    "tpu.region"() ({
      %run_scoped3A = tpu.sem_alloc : memref<!tpu.dma_semaphore, #tpu.memory_space<semaphore_mem>>
      %dma_start3A = tpu.memref_slice %arg13[%mul3A_2] : memref<100352xf32, #tpu.memory_space<vmem_shared>> -> memref<6272xf32, #tpu.memory_space<vmem_shared>>
      %dma_start3A_25 = tpu.memref_slice %arg13[%mul3A_2] : memref<100352xf32, #tpu.memory_space<vmem_shared>> -> memref<6272xf32, #tpu.memory_space<vmem_shared>>
      tpu.enqueue_dma source(%dma_start3A_25 : memref<6272xf32, #tpu.memory_space<vmem_shared>>) target(%arg14 : memref<6272xf32, #tpu.memory_space<vmem>>) target_semaphore(%run_scoped3A : memref<!tpu.dma_semaphore, #tpu.memory_space<semaphore_mem>>)
      %dma_wait3A = tpu.memref_slice %arg13[%mul3A_2] : memref<100352xf32, #tpu.memory_space<vmem_shared>> -> memref<6272xf32, #tpu.memory_space<vmem_shared>>
      %dma_wait3A_26 = tpu.memref_slice %arg13[%mul3A_2] : memref<100352xf32, #tpu.memory_space<vmem_shared>> -> memref<6272xf32, #tpu.memory_space<vmem_shared>>
      tpu.wait_dma2 semaphore(%run_scoped3A : memref<!tpu.dma_semaphore, #tpu.memory_space<semaphore_mem>>) src(%dma_wait3A_26 : memref<6272xf32, #tpu.memory_space<vmem_shared>>) dst(%arg14 : memref<6272xf32, #tpu.memory_space<vmem>>)
      tpu.yield
    }) : () -> ()
    "tpu.region"() ({
      %run_scoped3A = tpu.sem_alloc : memref<!tpu.dma_semaphore, #tpu.memory_space<semaphore_mem>>
      %dma_start3A = arith.constant 0 : i32
      %dma_start3A_25 = tpu.memref_slice %arg10[%arg0, %arg1, %dma_start3A] : memref<2x16x6272xf32, #tpu.memory_space<hbm>> -> memref<1x1x6272xf32, #tpu.memory_space<hbm>>
      %dma_start3A_26 = tpu.memref_squeeze %dma_start3A_25 : memref<1x1x6272xf32, #tpu.memory_space<hbm>> -> memref<6272xf32, #tpu.memory_space<hbm>>
      %dma_start3A_27 = arith.constant 0 : i32
      %dma_start3A_28 = tpu.memref_slice %arg10[%arg0, %arg1, %dma_start3A_27] : memref<2x16x6272xf32, #tpu.memory_space<hbm>> -> memref<1x1x6272xf32, #tpu.memory_space<hbm>>
      %dma_start3A_29 = tpu.memref_squeeze %dma_start3A_28 : memref<1x1x6272xf32, #tpu.memory_space<hbm>> -> memref<6272xf32, #tpu.memory_space<hbm>>
      tpu.enqueue_dma source(%arg14 : memref<6272xf32, #tpu.memory_space<vmem>>) target(%dma_start3A_29 : memref<6272xf32, #tpu.memory_space<hbm>>) target_semaphore(%run_scoped3A : memref<!tpu.dma_semaphore, #tpu.memory_space<semaphore_mem>>)
      %dma_wait3A = arith.constant 0 : i32
      %dma_wait3A_30 = tpu.memref_slice %arg10[%arg0, %arg1, %dma_wait3A] : memref<2x16x6272xf32, #tpu.memory_space<hbm>> -> memref<1x1x6272xf32, #tpu.memory_space<hbm>>
      %dma_wait3A_31 = tpu.memref_squeeze %dma_wait3A_30 : memref<1x1x6272xf32, #tpu.memory_space<hbm>> -> memref<6272xf32, #tpu.memory_space<hbm>>
      %dma_wait3A_32 = arith.constant 0 : i32
      %dma_wait3A_33 = tpu.memref_slice %arg10[%arg0, %arg1, %dma_wait3A_32] : memref<2x16x6272xf32, #tpu.memory_space<hbm>> -> memref<1x1x6272xf32, #tpu.memory_space<hbm>>
      %dma_wait3A_34 = tpu.memref_squeeze %dma_wait3A_33 : memref<1x1x6272xf32, #tpu.memory_space<hbm>> -> memref<6272xf32, #tpu.memory_space<hbm>>
      tpu.wait_dma2 semaphore(%run_scoped3A : memref<!tpu.dma_semaphore, #tpu.memory_space<semaphore_mem>>) src(%arg14 : memref<6272xf32, #tpu.memory_space<vmem>>) dst(%dma_wait3A_34 : memref<6272xf32, #tpu.memory_space<hbm>>)
      tpu.yield
    }) : () -> ()
    return
  }
}

</mosaic_0001>

<sc_bundles>
// kernel: _run_sc.3.cloned.1.call-start
scs
__scs_entry_jumppad:
0x0: {  	(pc) =	sbr.rel $0x88, $3  }
0x1: {  	(tag) =	ssettag $0x0;
	lr =	simm.s32 $0x1  }
0x2: {  	[smem:$0x3F99] =	sst lr;
	_ =	strace $0xD0000000  }
0x3: {  	_ = 	snop  }
0x4: {  	_ = 	snop  }
0x5: {  	_ = 	snop  }
0x6: {  	_ = 	snop  }
0x7: {  	_ = 	snop  }
__scs_overlays_trampoline_lowered:
0x8: {  	[smem:$0x3FA8] =	sst s0  }
0x9: {  	[smem:$0x3FA9] =	sst s1  }
0xa: {  	[smem:$0x3FAA] =	sst s2  }
0xb: {  	[smem:$0x3FAB] =	sst s3  }
0xc: {  	[smem:$0x3FAC] =	sst s4  }
0xd: {  	[smem:$0x3FAD] =	sst s5  }
0xe: {  	[smem:$0x3FAE] =	sst s6  }
0xf: {  	[smem:$0x3FAF] =	sst s7  }
0x10: {  	[smem:$0x3FB0] =	sst s8  }
0x11: {  	[smem:$0x3FB1] =	sst s9;
	s0 =	simm.s32 @!p0 $0x0  }
0x12: {  	s1 =	sld [smem:$0x3F97];
	s0 =	simm.s32 @p0 $0x1  }
0x13: {  	[smem:$0x3FB2] =	sst s0;
	s0 =	simm.s32 @!p1 $0x0  }
0x14: {  	s2 =	sld [smem:$0x3F96];
	s0 =	simm.s32 @p1 $0x1  }
0x15: {  	[smem:$0x3FB3] =	sst s0;
	s0 =	simm.s32 @!p2 $0x0  }
0x16: {  	s3 =	sld [smem:$0x3FDB];
	s0 =	simm.s32 @p2 $0x1  }
0x17: {  	s4 =	simm.s32 $0x1BF5;
	[smem:$0x3FB5] =	sst s0  }
0x18: {  	s0 =	sld [smem:$0x3F98];
	_ =	swait.ge [sflag:s4], $0x0  }
0x19: {  	s7 =	sld [smem:$0x3F99]  }
0x1a: {  	s8 =	sadd.s32 $0xFFFFE003, lr  }
0x1b: {  	s9 =	sadd.s32 $0xFFFFFEF7, lr;
	s5 =	simm.s32 $0xFFFFFFFF;
	p2 =	slt.u32 s8, $0xFFFFF086  }
0x1c: {  	p1 =	slt.u32 s9, $0xF7A;
	s5 =	simm.s32 @!p2 $0x0  }
0x1d: {  	s5 =	simm.s32 @p1 $0x1;
	p0 =	seq.s32 s7, s2  }
0x1e: {  	s7 =	smul.u32 @!p0 $0xF7A, s2;
	p2 =	seq.s32 @!p0 s5, $0x0  }
0x1f: {  	s9 =	smul.u32 $0xF7A, s1;
	s8 =	simm.s32 @!p0 $0x1BF5;
	p2 =	por !p2, p0  }
0x20: {  	[sflag:s8] =	ssyncset.s32 @!p0 $0xFFFFF086;
	s6 =	sadd.s32 @!p0 s3, s7;
	s7 =	simm.s32 @!p0 $0x108  }
0x21: {  	s3 =	sadd.s32 s3, s9;
	s6 =	sadd.s32 @!p0 $0x88, s6;
	s7 =	simm.s32 @p2 $0x1082  }
0x22: {  	[simem:s7], [sflag:s8] =	dma.local @!p0 [hbm:s6], $0xF7A  }
0x23: {  	s9 =	sor.u32 $0xD0000000, s2;
	s6 =	simm.s32 $0x108;
	_ =	swait.ge @!p0 [sflag:s8], $0x0  }
0x24: {  	s3 =	sadd.s32 $0x88, s3;
	s6 =	simm.s32 @!p1 $0x1082;
	[sflag:s4] =	ssyncset.s32 $0xFFFFF086  }
0x25: {  	[simem:s6], [sflag:s4] =	dma.local [hbm:s3], $0xF7A  }
0x26: {  	[smem:$0x3F99] =	sst s1;
	(tag) =	ssettag s2;
	_ =	strace s9  }
0x27: {  	s1 =	sld [smem:$0x3FA9]  }
0x28: {  	s2 =	sld [smem:$0x3FAA]  }
0x29: {  	s4 =	sld [smem:$0x3FAC]  }
0x2a: {  	p0 =	seq.s32 s5, $0x0;
	s5 =	sld [smem:$0x3FAD]  }
0x2b: {  	s6 =	sld [smem:$0x3FAE]  }
0x2c: {  	s7 =	sld [smem:$0x3FAF]  }
0x2d: {  	s3 =	simm.s32 $0x108;
	s8 =	sld [smem:$0x3FB0]  }
0x2e: {  	s3 =	simm.s32 @!p0 $0x1082;
	s9 =	sld [smem:$0x3FB1]  }
0x2f: {  	lr =	sadd.s32 s0, s3;
	s0 =	sld [smem:$0x3FA8]  }
0x30: {  	s3 =	sld [smem:$0x3FAB]  }
0x31: {  	[smem:$0x3FB4] =	sst s10  }
0x32: {  	s10 =	sld [smem:$0x3FB2];
	_ =	sdelay $0x3  }
0x33: {  	p0 =	seq.s32 s10, $0x1;
	s10 =	sld [smem:$0x3FB4];
	_ =	sdelay $0x3  }
0x34: {  	[smem:$0x3FB4] =	sst s10  }
0x35: {  	s10 =	sld [smem:$0x3FB3];
	_ =	sdelay $0x3  }
0x36: {  	p1 =	seq.s32 s10, $0x1;
	s10 =	sld [smem:$0x3FB4];
	_ =	sdelay $0x3  }
0x37: {  	[smem:$0x3FB4] =	sst s10  }
0x38: {  	s10 =	sld [smem:$0x3FB5]  }
0x39: {  	_ = 	snop;
	(pc) =	sbr.ind lr, $3  }
0x3a: {  	_ = 	snop  }
0x3b: {  	_ = 	snop  }
0x3c: {  	p2 =	seq.s32 s10, $0x1;
	s10 =	sld [smem:$0x3FB4]  }
0x3d: {  	_ =	shalt  }
0x3e: {  	_ =	shalt  }
0x3f: {  	_ =	shalt  }
0x40: {  	_ =	shalt  }
0x41: {  	_ =	shalt  }
0x42: {  	_ =	shalt  }
0x43: {  	_ =	shalt  }
0x44: {  	_ =	shalt  }
0x45: {  	_ =	shalt  }
0x46: {  	_ =	shalt  }
0x47: {  	_ =	shalt  }
0x48: {  	_ =	shalt  }
0x49: {  	_ =	shalt  }
0x4a: {  	_ =	shalt  }
0x4b: {  	_ =	shalt  }
0x4c: {  	_ =	shalt  }
0x4d: {  	_ =	shalt  }
0x4e: {  	_ =	shalt  }
0x4f: {  	_ =	shalt  }
0x50: {  	_ =	shalt  }
0x51: {  	_ =	shalt  }
0x52: {  	_ =	shalt  }
0x53: {  	_ =	shalt  }
0x54: {  	_ =	shalt  }
0x55: {  	_ =	shalt  }
0x56: {  	_ =	shalt  }
0x57: {  	_ =	shalt  }
0x58: {  	_ =	shalt  }
0x59: {  	_ =	shalt  }
0x5a: {  	_ =	shalt  }
0x5b: {  	_ =	shalt  }
0x5c: {  	_ =	shalt  }
0x5d: {  	_ =	shalt  }
0x5e: {  	_ =	shalt  }
0x5f: {  	_ =	shalt  }
0x60: {  	_ =	shalt  }
0x61: {  	_ =	shalt  }
0x62: {  	_ =	shalt  }
0x63: {  	_ =	shalt  }
0x64: {  	_ =	shalt  }
0x65: {  	_ =	shalt  }
0x66: {  	_ =	shalt  }
0x67: {  	_ =	shalt  }
0x68: {  	_ =	shalt  }
0x69: {  	_ =	shalt  }
0x6a: {  	_ =	shalt  }
0x6b: {  	_ =	shalt  }
0x6c: {  	_ =	shalt  }
0x6d: {  	_ =	shalt  }
0x6e: {  	_ =	shalt  }
0x6f: {  	_ =	shalt  }
0x70: {  	_ =	shalt  }
0x71: {  	_ =	shalt  }
0x72: {  	_ =	shalt  }
0x73: {  	_ =	shalt  }
0x74: {  	_ =	shalt  }
0x75: {  	_ =	shalt  }
0x76: {  	_ =	shalt  }
0x77: {  	_ =	shalt  }
0x78: {  	_ =	shalt  }
0x79: {  	_ =	shalt  }
0x7a: {  	_ =	shalt  }
0x7b: {  	_ =	shalt  }
0x7c: {  	_ =	shalt  }
0x7d: {  	_ =	shalt  }
0x7e: {  	_ =	shalt  }
0x7f: {  	_ =	shalt  }
0x80: {  	_ =	shalt  }
0x81: {  	_ =	shalt  }
0x82: {  	_ =	shalt  }
0x83: {  	_ =	shalt  }
0x84: {  	_ =	shalt  }
0x85: {  	_ =	shalt  }
0x86: {  	_ =	shalt  }
0x87: {  	_ =	shalt  }
.Lfunc_end0:
.L_simem_size_0:
called_computation_lowered:
.L_overlay_start_0:
0x88: {  	s2 =	sld [smem:$0x3FD9]  }
0x89: {  	s3 =	sld [smem:$0x3FFE];
	_ =	sdelay $0x1  }
0x8a: {  	s1 =	srdreg.scid  }
0x8b: {  	s0 =	sand.u32 $0x1, s1  }
0x8c: {  	s18 =	sshll.u32 s0, $0xA;
	s2 =	sadd.s32 s3, s2  }
0x8d: {  	s2 =	sadd.s32 s2, s18  }
0x8e: {  	[smem:$0x3FC0] =	sst s2  }
0x8f: {  	_ = 	snop  }
0x90: {  	s2 =	sld [smem:$0x3FC9]  }
0x91: {  	s19 =	sld [smem:$0x3FC8]  }
0x92: {  	s4 =	sld [smem:$0x3FC7]  }
0x93: {  	s5 =	sld [smem:$0x3FC6]  }
0x94: {  	s6 =	sld [smem:$0x3FC5]  }
0x95: {  	s7 =	sld [smem:$0x3FC4]  }
0x96: {  	s8 =	sld [smem:$0x3FC3]  }
0x97: {  	s9 =	sld [smem:$0x3FC2]  }
0x98: {  	s10 =	sld [smem:$0x3FD0];
	(tm) =	ssettm $0x1  }
0x99: {  	s11 =	sld [smem:$0x3FFB];
	_ =	sdelay $0x3  }
0x9a: {  	_ =	strace s11  }
0x9b: {  	s11 =	sld [smem:$0x3FFC];
	_ =	sdelay $0x3  }
0x9c: {  	_ =	strace s11  }
0x9d: {  	s11 =	sld [smem:$0x3FFD];
	_ =	sdelay $0x3  }
0x9e: {  	_ =	strace s11  }
0x9f: {  	_ =	strace $0x8FFFFFFF  }
0xa0: {  	s20 =	sld [smem:$0x3FDB];
	_ =	sdelay $0x1  }
0xa1: {  	s12 =	simm.s32 $_scs_section_size  }
0xa2: {  	s13 =	simm.s32 $_size__tile_overlayer_lowered;
	s14 =	simm.s32 $_tile_overlayer_lowered  }
0xa3: {  	s23 =	simm.s32 $0x1BFF;
	s22 =	sshll.u32 s14, $0x1;
	s11 =	sadd.s32 s12, s20  }
0xa4: {  	s15 =	simm.s32 $0x0;
	s21 =	sshll.u32 s13, $0x1;
	s13 =	sadd.s32 s22, s11  }
0xa5: {  	[timem:s15], [sflag:s23] =	dma.local [hbm:s13], s21  }
0xa6: {  	_ =	swait.ge [sflag:s23], s21  }
0xa7: {  	s12 =	ssub.s32 $0x0, s21;
	[sflag:s23] =	ssyncset.done $0x0  }
0xa8: {  	[sflag:s23] =	ssyncadd.s32 s12;
	_ =	sdelay $0x1  }
0xa9: {  	s24 =	simm.s32 $0x1B8B  }
0xaa: {  	_ =	swait.ge [sflag:s24], $0x1  }
0xab: {  	[sflag:s24] =	ssyncset.done $0x0  }
0xac: {  	s25 =	simm.s32 $0x1B8E;
	[sflag:s24] =	ssyncadd.s32 $0xFFFFFFFF  }
0xad: {  	s26 =	simm.s32 $execute0_lowered;
	[smem:$0x3FD2] =	sst s25  }
0xae: {  	s12 =	sshll.u32 s26, $0x1;
	_ =	strace $0x80000046;
	[dreg:$0x1] =	wrdreg $0xFFFFFFFF  }
0xaf: {  	s28 =	simm.s32 $_size_execute0_lowered;
	s11 =	sadd.s32 s11, s12;
	[dreg:$0x0] =	wrdreg $0x0  }
0xb0: {  	s12 =	sshll.u32 s28, $0x1;
	[dreg:$0x2] =	wrdreg s11  }
0xb1: {  	[dreg:$0x3] =	wrdreg s12  }
0xb2: {  	[dreg:$0x4] =	wrdreg $0xC0  }
0xb3: {  	_ =	task [dreg:s15], $0x5FFFF  }
0xb4: {  	[dreg:$0x1] =	wrdreg $0xFFFFFFFF  }
0xb5: {  	[dreg:$0x0] =	wrdreg $0x60  }
0xb6: {  	[dreg:$0x2] =	wrdreg s2  }
0xb7: {  	[dreg:$0x3] =	wrdreg s19  }
0xb8: {  	[dreg:$0x4] =	wrdreg s4  }
0xb9: {  	[dreg:$0x5] =	wrdreg s5  }
0xba: {  	[dreg:$0x6] =	wrdreg s6  }
0xbb: {  	[dreg:$0x7] =	wrdreg s7  }
0xbc: {  	[dreg:$0x8] =	wrdreg s8  }
0xbd: {  	[dreg:$0x9] =	wrdreg s9  }
0xbe: {  	[dreg:$0xa] =	wrdreg s10  }
0xbf: {  	[dreg:$0xb] =	wrdreg $0x18800  }
0xc0: {  	[dreg:$0xc] =	wrdreg $0x31000  }
0xc1: {  	[dreg:$0xd] =	wrdreg $0x0  }
0xc2: {  	[dreg:$0xe] =	wrdreg $0x9  }
0xc3: {  	_ =	task.clear_ibuf [dreg:s15], $0xFFFFF;
	_ =	strace $0x90000046  }
0xc4: {  	s29 =	simm.s32 $0x9;
	_ =	strace $0x80000048  }
0xc5: {  	_ =	swait.ge [sflag:s29], $0x1  }
0xc6: {  	[sflag:s29] =	ssyncadd.s32 $0xFFFFFFFF  }
0xc7: {  	_ =	strace $0x90000048  }
0xc8: {  	_ =	sfence  }
0xc9: {  	s30 =	sld [smem:$0x0];
	_ =	sdelay $0x2  }
0xca: {  	s31 =	sshll.u32 s1, $0xD;
	s1 =	sshrl.u32 s1, $0x2  }
0xcb: {  	s3 =	sand.u32 $0x4000, s31;
	s1 =	sadd.s32 s1, s30  }
0xcc: {  	s0 =	sor.u32 s3, s0;
	s1 =	sshll.u32 s1, $0x11  }
0xcd: {  	s0 =	sor.u32 s1, s0  }
0xce: {  	s0 =	sadd.s32 $0x8F2B, s0  }
0xcf: {  	[sflag:s0] =	ssyncadd.remote.s32 $0x1  }
0xd0: {  	_ =	sfence.sel $0xFFFF  }
0xd1: {  	[dreg:$0x0] =	wrdreg $0xFFFFFFFF;
	(pc) =	sbr.abs _section_cstart, $3  }
0xd2: {  	[dreg:$0x1] =	wrdreg $0xFFFFFFFF  }
0xd3: {  	_ =	task.clear_ibuf [dreg:s15], $0x2FFFF;
	_ =	strace $0x9FFFFFFF  }
0xd4: {  	(tm) =	ssettm $0x7FFFFFFF  }
0xd5: {  	_ =	shalt  }
tec
execute0_lowered:
.L_overlay_start_1:
0x0: {  	(tag) =	ssettag $0x1  }
0x1: {  	s0 =	rddreg [dreg:$0x0]  }
0x2: {  	s1 =	rddreg [dreg:$0x1]  }
0x3: {  	s2 =	rddreg [dreg:$0x2]  }
0x4: {  	s3 =	rddreg [dreg:$0x3]  }
0x5: {  	s4 =	rddreg [dreg:$0x8]  }
0x6: {  	s5 =	rddreg [dreg:$0x9]  }
0x7: {  	s6 =	rddreg [dreg:$0xa]  }
0x8: {  	s7 =	rddreg [dreg:$0xb];
	s8 =	srdreg.scid  }
0x9: {  	s10 =	simm.s32 $0x0;
	s14 =	stileid.u32;
	s28 =	simm.s32 $0xB380  }
0xa: {  	s30 =	simm.s32 $0x80;
	s16 =	simm.s32 $0xB100;
	s29 =	simm.s32 $0xB180  }
0xb: {  	s17 =	simm.s32 $0xB980;
	s8 =	sand.u32 $0x1, s8;
	[smem:$0x7FF] =	sst s10  }
0xc: {  	s11 =	smul.u32 $0x1880, s14;
	s13 =	sshrl.u32 s14, $0x3;
	s22 =	sshll.u32 s14, $0x7  }
0xd: {  	s9 =	ssub.s32 $0x2, s8;
	s19 =	sshll.u32 s8, $0x4;
	s8 =	smul.u32 $0x18800, s8  }
0xe: {  	_ =	strace $0x80000047;
	s20 =	smul.u32 $0xC400, s13;
	s13 =	simm.s32 $0xBA80  }
0xf: {  	s18 =	sshrl.u32 s9, $0x1;
	s12 =	sshrl.u32 s11, $0x3;
	s10 =	sor.u32 s14, s19  }
0x10: {  	s23 =	sadd.s32 s11, s5;
	s15 =	sadd.s32 s11, s6;
	s25 =	sadd.s32 s11, s7  }
0x11: {  	s14 =	simm.s32 $0xB880;
	s11 =	simm.s32 $0xB280;
	[dreg:$0x10] =	wrdreg s23  }
0x12: {  	s9 =	ssub.s32 s9, s18;
	s1 =	sadd.s32 s1, s12;
	[dreg:$0x13] =	wrdreg s25  }
0x13: {  	s2 =	sadd.s32 s2, s12;
	s21 =	sadd.s32 s3, s12;
	[dreg:$0x11] =	wrdreg s15  }
0x14: {  	s0 =	sadd.s32 s0, s12;
	s26 =	smul.u32 $0x32000, s10;
	[dreg:$0xd] =	wrdreg s1  }
0x15: {  	s10 =	simm.s32 $0x4980;
	s23 =	simm.s32 $0xB900;
	[dreg:$0xe] =	wrdreg s2  }
0x16: {  	s18 =	simm.s32 $0xB300;
	[dreg:$0xf] =	wrdreg s21;
	s1 =	sadd.s32 s8, s20  }
0x17: {  	s2 =	sand.u32 $0x380, s22;
	[dreg:$0x12] =	wrdreg s0;
	s31 =	smax.u32 s9, $0x1  }
0x18: {  	s21 =	simm.s32 $0x1;
	s24 =	sor.u32 s2, s1;
	[dreg:$0x14] =	wrdreg s26  }
0x19: {  	s22 =	simm.s32 $0xBB00;
	[dreg:$0x16] =	wrdreg s31;
	s0 =	sshrl.u32 s24, $0x3  }
0x1a: {  	s26 =	simm.s32 $0xAB80;
	s1 =	simm.s32 $0xB200;
	s0 =	sadd.s32 s4, s0  }
0x1b: {  	v0 =	vimm.f32 $0.0e+00;
	s24 =	simm.s32 $0xBA00;
	[dreg:$0x15] =	wrdreg s0;
	s0 =	simm.s32 $0x0  }
.LBB2_1:
0x1c: {  	[dreg:$0x17] =	wrdreg s0  }
0x1d: {  	s8 =	simm.s32 $0x0;
	s2 =	rddreg [dreg:$0xd]  }
0x1e: {  	[tilespmem:s10], [sflag:$0x1] =	stream.linear.gather [hbm4b:s2+s8], $0x1880, $0x38;
	[tilespmem:$0xE400] =	vst v63  }
0x1f: {  	_ =	swait.ge [sflag:s21], $0x1880  }
0x20: {  	[sflag:s21] =	ssyncset.done $0x0  }
0x21: {  	s12 =	simm.s32 $0x6200;
	s10 =	rddreg [dreg:$0xe];
	[sflag:s21] =	ssyncadd.s32 $0xFFFFE780  }
0x22: {  	[tilespmem:s12], [sflag:$0x1] =	stream.linear.gather [hbm4b:s10+s8], $0x1880, $0x38;
	[tilespmem:$0xE400] =	vst v63  }
0x23: {  	_ =	swait.ge [sflag:s21], $0x1880  }
0x24: {  	[sflag:s21] =	ssyncset.done $0x0  }
0x25: {  	s20 =	simm.s32 $0x7A80;
	s19 =	rddreg [dreg:$0xf];
	[sflag:s21] =	ssyncadd.s32 $0xFFFFE780  }
0x26: {  	[tilespmem:s20], [sflag:$0x1] =	stream.linear.gather [hbm4b:s19+s8], $0x1880, $0x38;
	[tilespmem:$0xE400] =	vst v63  }
0x27: {  	_ =	swait.ge [sflag:s21], $0x1880  }
0x28: {  	[sflag:s21] =	ssyncset.done $0x0  }
0x29: {  	[sflag:s21] =	ssyncadd.s32 $0xFFFFE780  }
0x2a: {  	s31 =	simm.s32 $0xE380;
	s25 =	rddreg [dreg:$0x5]  }
0x2b: {  	[tilespmem:s31], [sflag:$0x1] =	stream.linear.gather [hbm4b:s25+s8], $0x80, $0x38;
	[tilespmem:$0xE400] =	vst v63  }
0x2c: {  	_ =	swait.ge [sflag:s21], $0x80  }
0x2d: {  	[sflag:s21] =	ssyncset.done $0x0  }
0x2e: {  	s8 =	simm.s32 $0x0;
	[sflag:s21] =	ssyncadd.s32 $0xFFFFFF80  }
0x2f: {  	v3 =	vld [tilespmem:s8+$0x4980]  }
0x30: {  	v4 =	vld [tilespmem:s8+$0x6200];
	_ =	sdelay $0x1  }
0x31: {  	v2 =	vld [tilespmem:s8+$0x7A80];
	_ =	sdelay $0x1  }
0x32: {  	s2 =	simm.s32 $0x10;
	[tilespmem:s8+$0x4980] =	vst v0  }
0x33: {  	v1 =	vld [tilespmem:s2+$0x4980];
	v4 =	vmul.f32 v4, v3  }
0x34: {  	s10 =	simm.s32 $0x80;
	s20 =	simm.s32 $0xC0;
	[tilespmem:s2+$0x4980] =	vst v0;
	v3 =	vld [tilespmem:s2+$0x6200]  }
.LBB2_2:
0x35: {  	p0 =	sne.s32 s20, $0x61C0;
	v4 =	vmul.f32 v2, v4;
	v2 =	vld [tilespmem:s2+$0x7A80];
	s31 =	smov.u32 s20;
	s20 =	sadd.s32 $0x40, s20  }
.Ltmp0:
0x36: {  	(pc) =	sbr.rel @p0 .LBB2_2-.Ltmp0, $4  }
0x37: {  	[tilespmem:s8+$0x9300] =	vst v4;
	s8 =	smov.u32 s2  }
0x38: {  	s2 =	sshra.s32 s10, $0x2;
	s10 =	smov.u32 s31  }
0x39: {  	[tilespmem:s2+$0x4980] =	vst v0;
	v4 =	vmul.f32 v3, v1;
	v1 =	vld [tilespmem:s2+$0x4980]  }
0x3a: {  	v3 =	vld [tilespmem:s2+$0x6200]  }
0x3b: {  	v2 =	vmul.f32 v2, v4;
	_ =	sdelay $0x1  }
0x3c: {  	v63 =	vld [tilespmem:s2+$0x7A80];
	s4 =	sshra.s32 s10, $0x2;
	[tilespmem:s8+$0x9300] =	vst v2  }
0x3d: {  	v2 =	vld [tilespmem:s4+$0x4980]  }
0x3e: {  	v5 =	vld [tilespmem:s4+$0x6200];
	_ =	sdelay $0x1  }
0x3f: {  	v6 =	vld [tilespmem:s4+$0x7A80];
	_ =	sdelay $0x1  }
0x40: {  	v1 =	vmul.f32 v3, v1  }
0x41: {  	v2 =	vmul.f32 v5, v2  }
0x42: {  	v1 =	vmul.f32 v63, v1  }
0x43: {  	[tilespmem:s4+$0x4980] =	vst v0;
	v2 =	vmul.f32 v6, v2  }
0x44: {  	[tilespmem:s2+$0x9300] =	vst v1  }
0x45: {  	s9 =	rddreg [dreg:$0x10];
	s10 =	simm.s32 $0x9300;
	[tilespmem:s4+$0x9300] =	vst v2  }
0x46: {  	[spmem:s9] =	stream.linear.scatter [tilespmem:s10], [sflag:$0x1], $0x1880, $0x38;
	[tilespmem:$0xE400] =	vst v63  }
0x47: {  	_ =	swait.ge [sflag:s21], $0x1880  }
0x48: {  	[sflag:s21] =	ssyncset.done $0x0  }
0x49: {  	s12 =	simm.s32 $0x4980;
	[sflag:s21] =	ssyncadd.s32 $0xFFFFE780  }
0x4a: {  	[spmem:s15] =	stream.linear.scatter [tilespmem:s12], [sflag:$0x1], $0x1880, $0x38;
	[tilespmem:$0xE400] =	vst v63  }
0x4b: {  	_ =	swait.ge [sflag:s21], $0x1880  }
0x4c: {  	s20 =	simm.s32 $0x0;
	[sflag:s21] =	ssyncset.done $0x0  }
0x4d: {  	s19 =	simm.s32 $0x6200;
	s15 =	rddreg [dreg:$0x12];
	[sflag:s21] =	ssyncadd.s32 $0xFFFFE780  }
0x4e: {  	[tilespmem:s19], [sflag:$0x1] =	stream.linear.gather [hbm4b:s15+s20], $0x1880, $0x38;
	[tilespmem:$0xE400] =	vst v63  }
0x4f: {  	_ =	swait.ge [sflag:s21], $0x1880  }
0x50: {  	[sflag:s21] =	ssyncset.done $0x0  }
0x51: {  	s25 =	rddreg [dreg:$0x13];
	[sflag:s21] =	ssyncadd.s32 $0xFFFFE780  }
0x52: {  	[spmem:s25] =	stream.linear.scatter [tilespmem:s19], [sflag:$0x1], $0x1880, $0x38;
	[tilespmem:$0xE400] =	vst v63  }
0x53: {  	_ =	swait.ge [sflag:s21], $0x1880  }
0x54: {  	[sflag:s21] =	ssyncset.done $0x0  }
0x55: {  	[sflag:s21] =	ssyncadd.s32 $0xFFFFE780  }
0x56: {  	v1 =	vld [tilespmem:$0xE380];
	_ =	sdelay $0x4  }
0x57: {  	s31 =	simm.s32 $0xB480;
	s0 =	simm.s32 $0xB580;
	v1 =	vmul.f32 $1.570796370e+00, v1  }
0x58: {  	s3 =	simm.s32 $0xB600;
	s2 =	simm.s32 $0x0;
	s4 =	simm.s32 $0xB780  }
0x59: {  	s9 =	simm.s32 $0xB500;
	s12 =	simm.s32 $0xB800;
	s15 =	simm.s32 $0xB400;
	[tilespmem:$0xE380] =	vst v1  }
0x5a: {  	s25 =	simm.s32 $0xB680;
	s19 =	simm.s32 $0xB700;
	[bflag:$0x0] =	sbarrier.arrive $0xFFFF  }
.LBB2_4:
0x5b: {  	s8 =	sshll.u32 s2, $0xB;
	s10 =	rddreg [dreg:$0x14]  }
0x5c: {  	s8 =	sadd.s32 s10, s8  }
0x5d: {  	s10 =	rddreg [dreg:$0x6];
	s8 =	sshrl.u32 s8, $0x3  }
0x5e: {  	s10 =	sadd.s32 s10, s8  }
0x5f: {  	[tilespmem:s26], [sflag:$0x1] =	stream.linear.gather [hbm4b:s10+s20], $0x800, $0x38;
	[tilespmem:$0xE400] =	vst v63  }
0x60: {  	_ =	swait.ge [sflag:s21], $0x800  }
0x61: {  	[sflag:s21] =	ssyncset.done $0x0  }
0x62: {  	[sflag:s21] =	ssyncadd.s32 $0xFFFFF800  }
0x63: {  	s10 =	rddreg [dreg:$0x7]  }
0x64: {  	s10 =	sadd.s32 s10, s8  }
0x65: {  	[tilespmem:s28], [sflag:$0x1] =	stream.linear.gather [hbm4b:s10+s20], $0x800, $0x38;
	[tilespmem:$0xE400] =	vst v63  }
0x66: {  	_ =	swait.ge [sflag:s21], $0x800  }
0x67: {  	[sflag:s21] =	ssyncset.done $0x0  }
0x68: {  	[sflag:s21] =	ssyncadd.s32 $0xFFFFF800  }
0x69: {  	s10 =	rddreg [dreg:$0x4]  }
0x6a: {  	s8 =	sadd.s32 s10, s8;
	s10 =	simm.s32 $0xBB80  }
0x6b: {  	[tilespmem:s10], [sflag:$0x1] =	stream.linear.gather [hbm4b:s8+s20], $0x800, $0x38;
	[tilespmem:$0xE400] =	vst v63  }
0x6c: {  	_ =	swait.ge [sflag:s21], $0x800  }
0x6d: {  	[sflag:s21] =	ssyncset.done $0x0  }
0x6e: {  	s10 =	simm.s32 $0xC380;
	[sflag:s21] =	ssyncadd.s32 $0xFFFFF800  }
0x6f: {  	[tilespmem:s10], [sflag:$0x1] =	stream.indirect.gather [spmem:s7], $0x1, s26, s30, $0xb8;
	[tilespmem:$0xE400] =	vst v63  }
0x70: {  	_ =	swait.ge [sflag:s21], $0x80  }
0x71: {  	[sflag:s21] =	ssyncset.done $0x0  }
0x72: {  	s10 =	simm.s32 $0xCB80;
	[sflag:s21] =	ssyncadd.s32 $0xFFFFFF80  }
0x73: {  	[tilespmem:s10], [sflag:$0x1] =	stream.indirect.gather [spmem:s7], $0x1, s28, s30, $0xb8;
	[tilespmem:$0xE400] =	vst v63  }
0x74: {  	_ =	swait.ge [sflag:s21], $0x80  }
0x75: {  	[sflag:s21] =	ssyncset.done $0x0  }
0x76: {  	s10 =	simm.s32 $0xD380;
	[sflag:s21] =	ssyncadd.s32 $0xFFFFFF80  }
0x77: {  	[tilespmem:s10], [sflag:$0x1] =	stream.indirect.gather [spmem:s5], $0x1, s26, s30, $0xb8;
	[tilespmem:$0xE400] =	vst v63  }
0x78: {  	_ =	swait.ge [sflag:s21], $0x80  }
0x79: {  	[sflag:s21] =	ssyncset.done $0x0  }
0x7a: {  	s8 =	simm.s32 $0xAC00;
	s10 =	simm.s32 $0xC400;
	[sflag:s21] =	ssyncadd.s32 $0xFFFFFF80  }
0x7b: {  	[tilespmem:s10], [sflag:$0x1] =	stream.indirect.gather [spmem:s7], $0x1, s8, s30, $0xb8;
	[tilespmem:$0xE400] =	vst v63  }
0x7c: {  	_ =	swait.ge [sflag:s21], $0x80  }
0x7d: {  	[sflag:s21] =	ssyncset.done $0x0  }
0x7e: {  	s10 =	simm.s32 $0xCC00;
	[sflag:s21] =	ssyncadd.s32 $0xFFFFFF80  }
0x7f: {  	[tilespmem:s10], [sflag:$0x1] =	stream.indirect.gather [spmem:s7], $0x1, s15, s30, $0xb8;
	[tilespmem:$0xE400] =	vst v63  }
0x80: {  	_ =	swait.ge [sflag:s21], $0x80  }
0x81: {  	[sflag:s21] =	ssyncset.done $0x0  }
0x82: {  	s15 =	simm.s32 $0xD400;
	[sflag:s21] =	ssyncadd.s32 $0xFFFFFF80  }
0x83: {  	[tilespmem:s15], [sflag:$0x1] =	stream.indirect.gather [spmem:s5], $0x1, s8, s30, $0xb8;
	[tilespmem:$0xE400] =	vst v63  }
0x84: {  	_ =	swait.ge [sflag:s21], $0x80  }
0x85: {  	[sflag:s21] =	ssyncset.done $0x0  }
0x86: {  	s8 =	simm.s32 $0xAC80;
	s15 =	simm.s32 $0xC480;
	[sflag:s21] =	ssyncadd.s32 $0xFFFFFF80  }
0x87: {  	[tilespmem:s15], [sflag:$0x1] =	stream.indirect.gather [spmem:s7], $0x1, s8, s30, $0xb8;
	[tilespmem:$0xE400] =	vst v63  }
0x88: {  	_ =	swait.ge [sflag:s21], $0x80  }
0x89: {  	[sflag:s21] =	ssyncset.done $0x0  }
0x8a: {  	s15 =	simm.s32 $0xCC80;
	[sflag:s21] =	ssyncadd.s32 $0xFFFFFF80  }
0x8b: {  	[tilespmem:s15], [sflag:$0x1] =	stream.indirect.gather [spmem:s7], $0x1, s31, s30, $0xb8;
	[tilespmem:$0xE400] =	vst v63  }
0x8c: {  	_ =	swait.ge [sflag:s21], $0x80  }
0x8d: {  	[sflag:s21] =	ssyncset.done $0x0  }
0x8e: {  	s15 =	simm.s32 $0xD480;
	[sflag:s21] =	ssyncadd.s32 $0xFFFFFF80  }
0x8f: {  	[tilespmem:s15], [sflag:$0x1] =	stream.indirect.gather [spmem:s5], $0x1, s8, s30, $0xb8;
	[tilespmem:$0xE400] =	vst v63  }
0x90: {  	_ =	swait.ge [sflag:s21], $0x80  }
0x91: {  	[sflag:s21] =	ssyncset.done $0x0  }
0x92: {  	s8 =	simm.s32 $0xAD00;
	s15 =	simm.s32 $0xC500;
	[sflag:s21] =	ssyncadd.s32 $0xFFFFFF80  }
0x93: {  	[tilespmem:s15], [sflag:$0x1] =	stream.indirect.gather [spmem:s7], $0x1, s8, s30, $0xb8;
	[tilespmem:$0xE400] =	vst v63  }
0x94: {  	_ =	swait.ge [sflag:s21], $0x80  }
0x95: {  	[sflag:s21] =	ssyncset.done $0x0  }
0x96: {  	s15 =	simm.s32 $0xCD00;
	[sflag:s21] =	ssyncadd.s32 $0xFFFFFF80  }
0x97: {  	[tilespmem:s15], [sflag:$0x1] =	stream.indirect.gather [spmem:s7], $0x1, s9, s30, $0xb8;
	[tilespmem:$0xE400] =	vst v63  }
0x98: {  	_ =	swait.ge [sflag:s21], $0x80  }
0x99: {  	[sflag:s21] =	ssyncset.done $0x0  }
0x9a: {  	s10 =	simm.s32 $0xD500;
	[sflag:s21] =	ssyncadd.s32 $0xFFFFFF80  }
0x9b: {  	[tilespmem:s10], [sflag:$0x1] =	stream.indirect.gather [spmem:s5], $0x1, s8, s30, $0xb8;
	[tilespmem:$0xE400] =	vst v63  }
0x9c: {  	_ =	swait.ge [sflag:s21], $0x80  }
0x9d: {  	[sflag:s21] =	ssyncset.done $0x0  }
0x9e: {  	s15 =	simm.s32 $0xC580;
	s8 =	simm.s32 $0xAD80;
	[sflag:s21] =	ssyncadd.s32 $0xFFFFFF80  }
0x9f: {  	[tilespmem:s15], [sflag:$0x1] =	stream.indirect.gather [spmem:s7], $0x1, s8, s30, $0xb8;
	[tilespmem:$0xE400] =	vst v63  }
0xa0: {  	_ =	swait.ge [sflag:s21], $0x80  }
0xa1: {  	[sflag:s21] =	ssyncset.done $0x0  }
0xa2: {  	s10 =	simm.s32 $0xCD80;
	[sflag:s21] =	ssyncadd.s32 $0xFFFFFF80  }
0xa3: {  	[tilespmem:s10], [sflag:$0x1] =	stream.indirect.gather [spmem:s7], $0x1, s0, s30, $0xb8;
	[tilespmem:$0xE400] =	vst v63  }
0xa4: {  	_ =	swait.ge [sflag:s21], $0x80  }
0xa5: {  	[sflag:s21] =	ssyncset.done $0x0  }
0xa6: {  	s15 =	simm.s32 $0xD580;
	[sflag:s21] =	ssyncadd.s32 $0xFFFFFF80  }
0xa7: {  	[tilespmem:s15], [sflag:$0x1] =	stream.indirect.gather [spmem:s5], $0x1, s8, s30, $0xb8;
	[tilespmem:$0xE400] =	vst v63  }
0xa8: {  	_ =	swait.ge [sflag:s21], $0x80  }
0xa9: {  	[sflag:s21] =	ssyncset.done $0x0  }
0xaa: {  	s9 =	simm.s32 $0xC600;
	s0 =	simm.s32 $0xAE00;
	[sflag:s21] =	ssyncadd.s32 $0xFFFFFF80  }
0xab: {  	[tilespmem:s9], [sflag:$0x1] =	stream.indirect.gather [spmem:s7], $0x1, s0, s30, $0xb8;
	[tilespmem:$0xE400] =	vst v63  }
0xac: {  	_ =	swait.ge [sflag:s21], $0x80  }
0xad: {  	[sflag:s21] =	ssyncset.done $0x0  }
0xae: {  	s10 =	simm.s32 $0xCE00;
	[sflag:s21] =	ssyncadd.s32 $0xFFFFFF80  }
0xaf: {  	[tilespmem:s10], [sflag:$0x1] =	stream.indirect.gather [spmem:s7], $0x1, s3, s30, $0xb8;
	[tilespmem:$0xE400] =	vst v63  }
0xb0: {  	_ =	swait.ge [sflag:s21], $0x80  }
0xb1: {  	[sflag:s21] =	ssyncset.done $0x0  }
0xb2: {  	s15 =	simm.s32 $0xD600;
	[sflag:s21] =	ssyncadd.s32 $0xFFFFFF80  }
0xb3: {  	[tilespmem:s15], [sflag:$0x1] =	stream.indirect.gather [spmem:s5], $0x1, s0, s30, $0xb8;
	[tilespmem:$0xE400] =	vst v63  }
0xb4: {  	_ =	swait.ge [sflag:s21], $0x80  }
0xb5: {  	[sflag:s21] =	ssyncset.done $0x0  }
0xb6: {  	s8 =	simm.s32 $0xAE80;
	s9 =	simm.s32 $0xC680;
	[sflag:s21] =	ssyncadd.s32 $0xFFFFFF80  }
0xb7: {  	[tilespmem:s9], [sflag:$0x1] =	stream.indirect.gather [spmem:s7], $0x1, s8, s30, $0xb8;
	[tilespmem:$0xE400] =	vst v63  }
0xb8: {  	_ =	swait.ge [sflag:s21], $0x80  }
0xb9: {  	[sflag:s21] =	ssyncset.done $0x0  }
0xba: {  	s10 =	simm.s32 $0xCE80;
	[sflag:s21] =	ssyncadd.s32 $0xFFFFFF80  }
0xbb: {  	[tilespmem:s10], [sflag:$0x1] =	stream.indirect.gather [spmem:s7], $0x1, s25, s30, $0xb8;
	[tilespmem:$0xE400] =	vst v63  }
0xbc: {  	_ =	swait.ge [sflag:s21], $0x80  }
0xbd: {  	[sflag:s21] =	ssyncset.done $0x0  }
0xbe: {  	s15 =	simm.s32 $0xD680;
	[sflag:s21] =	ssyncadd.s32 $0xFFFFFF80  }
0xbf: {  	[tilespmem:s15], [sflag:$0x1] =	stream.indirect.gather [spmem:s5], $0x1, s8, s30, $0xb8;
	[tilespmem:$0xE400] =	vst v63  }
0xc0: {  	_ =	swait.ge [sflag:s21], $0x80  }
0xc1: {  	[sflag:s21] =	ssyncset.done $0x0  }
0xc2: {  	s25 =	simm.s32 $0xAF00;
	s8 =	simm.s32 $0xC700;
	[sflag:s21] =	ssyncadd.s32 $0xFFFFFF80  }
0xc3: {  	[tilespmem:s8], [sflag:$0x1] =	stream.indirect.gather [spmem:s7], $0x1, s25, s30, $0xb8;
	[tilespmem:$0xE400] =	vst v63  }
0xc4: {  	_ =	swait.ge [sflag:s21], $0x80  }
0xc5: {  	[sflag:s21] =	ssyncset.done $0x0  }
0xc6: {  	s9 =	simm.s32 $0xCF00;
	[sflag:s21] =	ssyncadd.s32 $0xFFFFFF80  }
0xc7: {  	[tilespmem:s9], [sflag:$0x1] =	stream.indirect.gather [spmem:s7], $0x1, s19, s30, $0xb8;
	[tilespmem:$0xE400] =	vst v63  }
0xc8: {  	_ =	swait.ge [sflag:s21], $0x80  }
0xc9: {  	[sflag:s21] =	ssyncset.done $0x0  }
0xca: {  	s10 =	simm.s32 $0xD700;
	[sflag:s21] =	ssyncadd.s32 $0xFFFFFF80  }
0xcb: {  	[tilespmem:s10], [sflag:$0x1] =	stream.indirect.gather [spmem:s5], $0x1, s25, s30, $0xb8;
	[tilespmem:$0xE400] =	vst v63  }
0xcc: {  	_ =	swait.ge [sflag:s21], $0x80  }
0xcd: {  	[sflag:s21] =	ssyncset.done $0x0  }
0xce: {  	s15 =	simm.s32 $0xAF80;
	s19 =	simm.s32 $0xC780;
	[sflag:s21] =	ssyncadd.s32 $0xFFFFFF80  }
0xcf: {  	[tilespmem:s19], [sflag:$0x1] =	stream.indirect.gather [spmem:s7], $0x1, s15, s30, $0xb8;
	[tilespmem:$0xE400] =	vst v63  }
0xd0: {  	_ =	swait.ge [sflag:s21], $0x80  }
0xd1: {  	[sflag:s21] =	ssyncset.done $0x0  }
0xd2: {  	s25 =	simm.s32 $0xCF80;
	[sflag:s21] =	ssyncadd.s32 $0xFFFFFF80  }
0xd3: {  	[tilespmem:s25], [sflag:$0x1] =	stream.indirect.gather [spmem:s7], $0x1, s4, s30, $0xb8;
	[tilespmem:$0xE400] =	vst v63  }
0xd4: {  	_ =	swait.ge [sflag:s21], $0x80  }
0xd5: {  	[sflag:s21] =	ssyncset.done $0x0  }
0xd6: {  	s4 =	simm.s32 $0xD780;
	[sflag:s21] =	ssyncadd.s32 $0xFFFFFF80  }
0xd7: {  	[tilespmem:s4], [sflag:$0x1] =	stream.indirect.gather [spmem:s5], $0x1, s15, s30, $0xb8;
	[tilespmem:$0xE400] =	vst v63  }
0xd8: {  	_ =	swait.ge [sflag:s21], $0x80  }
0xd9: {  	[sflag:s21] =	ssyncset.done $0x0  }
0xda: {  	s8 =	simm.s32 $0xB000;
	s9 =	simm.s32 $0xC800;
	[sflag:s21] =	ssyncadd.s32 $0xFFFFFF80  }
0xdb: {  	[tilespmem:s9], [sflag:$0x1] =	stream.indirect.gather [spmem:s7], $0x1, s8, s30, $0xb8;
	[tilespmem:$0xE400] =	vst v63  }
0xdc: {  	_ =	swait.ge [sflag:s21], $0x80  }
0xdd: {  	[sflag:s21] =	ssyncset.done $0x0  }
0xde: {  	s10 =	simm.s32 $0xD000;
	[sflag:s21] =	ssyncadd.s32 $0xFFFFFF80  }
0xdf: {  	[tilespmem:s10], [sflag:$0x1] =	stream.indirect.gather [spmem:s7], $0x1, s12, s30, $0xb8;
	[tilespmem:$0xE400] =	vst v63  }
0xe0: {  	_ =	swait.ge [sflag:s21], $0x80  }
0xe1: {  	[sflag:s21] =	ssyncset.done $0x0  }
0xe2: {  	s15 =	simm.s32 $0xD800;
	[sflag:s21] =	ssyncadd.s32 $0xFFFFFF80  }
0xe3: {  	[tilespmem:s15], [sflag:$0x1] =	stream.indirect.gather [spmem:s5], $0x1, s8, s30, $0xb8;
	[tilespmem:$0xE400] =	vst v63  }
0xe4: {  	_ =	swait.ge [sflag:s21], $0x80  }
0xe5: {  	[sflag:s21] =	ssyncset.done $0x0  }
0xe6: {  	s19 =	simm.s32 $0xB080;
	s25 =	simm.s32 $0xC880;
	[sflag:s21] =	ssyncadd.s32 $0xFFFFFF80  }
0xe7: {  	[tilespmem:s25], [sflag:$0x1] =	stream.indirect.gather [spmem:s7], $0x1, s19, s30, $0xb8;
	[tilespmem:$0xE400] =	vst v63  }
0xe8: {  	_ =	swait.ge [sflag:s21], $0x80  }
0xe9: {  	[sflag:s21] =	ssyncset.done $0x0  }
0xea: {  	s4 =	simm.s32 $0xD080;
	[sflag:s21] =	ssyncadd.s32 $0xFFFFFF80  }
0xeb: {  	[tilespmem:s4], [sflag:$0x1] =	stream.indirect.gather [spmem:s7], $0x1, s14, s30, $0xb8;
	[tilespmem:$0xE400] =	vst v63  }
0xec: {  	_ =	swait.ge [sflag:s21], $0x80  }
0xed: {  	[sflag:s21] =	ssyncset.done $0x0  }
0xee: {  	s8 =	simm.s32 $0xD880;
	[sflag:s21] =	ssyncadd.s32 $0xFFFFFF80  }
0xef: {  	[tilespmem:s8], [sflag:$0x1] =	stream.indirect.gather [spmem:s5], $0x1, s19, s30, $0xb8;
	[tilespmem:$0xE400] =	vst v63  }
0xf0: {  	_ =	swait.ge [sflag:s21], $0x80  }
0xf1: {  	[sflag:s21] =	ssyncset.done $0x0  }
0xf2: {  	s9 =	simm.s32 $0xC900;
	[sflag:s21] =	ssyncadd.s32 $0xFFFFFF80  }
0xf3: {  	[tilespmem:s9], [sflag:$0x1] =	stream.indirect.gather [spmem:s7], $0x1, s16, s30, $0xb8;
	[tilespmem:$0xE400] =	vst v63  }
0xf4: {  	_ =	swait.ge [sflag:s21], $0x80  }
0xf5: {  	[sflag:s21] =	ssyncset.done $0x0  }
0xf6: {  	s10 =	simm.s32 $0xD100;
	[sflag:s21] =	ssyncadd.s32 $0xFFFFFF80  }
0xf7: {  	[tilespmem:s10], [sflag:$0x1] =	stream.indirect.gather [spmem:s7], $0x1, s23, s30, $0xb8;
	[tilespmem:$0xE400] =	vst v63  }
0xf8: {  	_ =	swait.ge [sflag:s21], $0x80  }
0xf9: {  	[sflag:s21] =	ssyncset.done $0x0  }
0xfa: {  	s12 =	simm.s32 $0xD900;
	[sflag:s21] =	ssyncadd.s32 $0xFFFFFF80  }
0xfb: {  	[tilespmem:s12], [sflag:$0x1] =	stream.indirect.gather [spmem:s5], $0x1, s16, s30, $0xb8;
	[tilespmem:$0xE400] =	vst v63  }
0xfc: {  	_ =	swait.ge [sflag:s21], $0x80  }
0xfd: {  	[sflag:s21] =	ssyncset.done $0x0  }
0xfe: {  	s15 =	simm.s32 $0xC980;
	[sflag:s21] =	ssyncadd.s32 $0xFFFFFF80  }
0xff: {  	[tilespmem:s15], [sflag:$0x1] =	stream.indirect.gather [spmem:s7], $0x1, s29, s30, $0xb8;
	[tilespmem:$0xE400] =	vst v63  }
0x100: {  	_ =	swait.ge [sflag:s21], $0x80  }
0x101: {  	[sflag:s21] =	ssyncset.done $0x0  }
0x102: {  	s19 =	simm.s32 $0xD180;
	[sflag:s21] =	ssyncadd.s32 $0xFFFFFF80  }
0x103: {  	[tilespmem:s19], [sflag:$0x1] =	stream.indirect.gather [spmem:s7], $0x1, s17, s30, $0xb8;
	[tilespmem:$0xE400] =	vst v63  }
0x104: {  	_ =	swait.ge [sflag:s21], $0x80  }
0x105: {  	[sflag:s21] =	ssyncset.done $0x0  }
0x106: {  	s25 =	simm.s32 $0xD980;
	[sflag:s21] =	ssyncadd.s32 $0xFFFFFF80  }
0x107: {  	[tilespmem:s25], [sflag:$0x1] =	stream.indirect.gather [spmem:s5], $0x1, s29, s30, $0xb8;
	[tilespmem:$0xE400] =	vst v63  }
0x108: {  	_ =	swait.ge [sflag:s21], $0x80  }
0x109: {  	[sflag:s21] =	ssyncset.done $0x0  }
0x10a: {  	s3 =	simm.s32 $0xCA00;
	[sflag:s21] =	ssyncadd.s32 $0xFFFFFF80  }
0x10b: {  	[tilespmem:s3], [sflag:$0x1] =	stream.indirect.gather [spmem:s7], $0x1, s1, s30, $0xb8;
	[tilespmem:$0xE400] =	vst v63  }
0x10c: {  	_ =	swait.ge [sflag:s21], $0x80  }
0x10d: {  	[sflag:s21] =	ssyncset.done $0x0  }
0x10e: {  	s4 =	simm.s32 $0xD200;
	[sflag:s21] =	ssyncadd.s32 $0xFFFFFF80  }
0x10f: {  	[tilespmem:s4], [sflag:$0x1] =	stream.indirect.gather [spmem:s7], $0x1, s24, s30, $0xb8;
	[tilespmem:$0xE400] =	vst v63  }
0x110: {  	_ =	swait.ge [sflag:s21], $0x80  }
0x111: {  	[sflag:s21] =	ssyncset.done $0x0  }
0x112: {  	s8 =	simm.s32 $0xDA00;
	[sflag:s21] =	ssyncadd.s32 $0xFFFFFF80  }
0x113: {  	[tilespmem:s8], [sflag:$0x1] =	stream.indirect.gather [spmem:s5], $0x1, s1, s30, $0xb8;
	[tilespmem:$0xE400] =	vst v63  }
0x114: {  	_ =	swait.ge [sflag:s21], $0x80  }
0x115: {  	[sflag:s21] =	ssyncset.done $0x0  }
0x116: {  	s9 =	simm.s32 $0xCA80;
	[sflag:s21] =	ssyncadd.s32 $0xFFFFFF80  }
0x117: {  	[tilespmem:s9], [sflag:$0x1] =	stream.indirect.gather [spmem:s7], $0x1, s11, s30, $0xb8;
	[tilespmem:$0xE400] =	vst v63  }
0x118: {  	_ =	swait.ge [sflag:s21], $0x80  }
0x119: {  	[sflag:s21] =	ssyncset.done $0x0  }
0x11a: {  	s10 =	simm.s32 $0xD280;
	[sflag:s21] =	ssyncadd.s32 $0xFFFFFF80  }
0x11b: {  	[tilespmem:s10], [sflag:$0x1] =	stream.indirect.gather [spmem:s7], $0x1, s13, s30, $0xb8;
	[tilespmem:$0xE400] =	vst v63  }
0x11c: {  	_ =	swait.ge [sflag:s21], $0x80  }
0x11d: {  	[sflag:s21] =	ssyncset.done $0x0  }
0x11e: {  	s12 =	simm.s32 $0xDA80;
	[sflag:s21] =	ssyncadd.s32 $0xFFFFFF80  }
0x11f: {  	[tilespmem:s12], [sflag:$0x1] =	stream.indirect.gather [spmem:s5], $0x1, s11, s30, $0xb8;
	[tilespmem:$0xE400] =	vst v63  }
0x120: {  	_ =	swait.ge [sflag:s21], $0x80  }
0x121: {  	[sflag:s21] =	ssyncset.done $0x0  }
0x122: {  	s15 =	simm.s32 $0xCB00;
	[sflag:s21] =	ssyncadd.s32 $0xFFFFFF80  }
0x123: {  	[tilespmem:s15], [sflag:$0x1] =	stream.indirect.gather [spmem:s7], $0x1, s18, s30, $0xb8;
	[tilespmem:$0xE400] =	vst v63  }
0x124: {  	_ =	swait.ge [sflag:s21], $0x80  }
0x125: {  	[sflag:s21] =	ssyncset.done $0x0  }
0x126: {  	s19 =	simm.s32 $0xD300;
	[sflag:s21] =	ssyncadd.s32 $0xFFFFFF80  }
0x127: {  	[tilespmem:s19], [sflag:$0x1] =	stream.indirect.gather [spmem:s7], $0x1, s22, s30, $0xb8;
	[tilespmem:$0xE400] =	vst v63  }
0x128: {  	_ =	swait.ge [sflag:s21], $0x80  }
0x129: {  	[sflag:s21] =	ssyncset.done $0x0  }
0x12a: {  	s25 =	simm.s32 $0xDB00;
	[sflag:s21] =	ssyncadd.s32 $0xFFFFFF80  }
0x12b: {  	[tilespmem:s25], [sflag:$0x1] =	stream.indirect.gather [spmem:s5], $0x1, s18, s30, $0xb8;
	[tilespmem:$0xE400] =	vst v63  }
0x12c: {  	_ =	swait.ge [sflag:s21], $0x80  }
0x12d: {  	[sflag:s21] =	ssyncset.done $0x0  }
0x12e: {  	s31 =	simm.s32 $0x0;
	[sflag:s21] =	ssyncadd.s32 $0xFFFFFF80  }
0x12f: {  	v3 =	vld [tilespmem:s31+$0xCB80]  }
0x130: {  	v4 =	vld [tilespmem:s31+$0xC380];
	_ =	sdelay $0x1  }
0x131: {  	v5 =	vld [tilespmem:s31+$0xBB80]  }
0x132: {  	v7 =	vld [tilespmem:s31+$0xD380]  }
0x133: {  	s8 =	simm.s32 $0x10;
	v6 =	vmul.f32 v3, v3  }
0x134: {  	v2 =	vld [tilespmem:s8+$0xCB80];
	v8 =	vsub.f32 v4, v3  }
0x135: {  	v4 =	vld [tilespmem:s8+$0xC380];
	v9 =	vmul.f32 v6, v3  }
0x136: {  	v1 =	vld [tilespmem:$0xE380];
	v6 =	vmax.f32 v8, $0.0e+00  }
0x137: {  	v3 =	vld [tilespmem:s8+$0xBB80];
	v6 =	vmul.f32 v6, v5;
	v7 =	vmul.f32 v9, v7  }
0x138: {  	s10 =	simm.s32 $0x80;
	v5 =	vld [tilespmem:s8+$0xD380]  }
.LBB2_5:
0x139: {  	s15 =	sshra.s32 s10, $0x2;
	p0 =	sne.s32 s10, $0x1FC0;
	s10 =	sadd.s32 $0x40, s10;
	v8 =	vmul.f32 v2, v2;
	v6 =	vmul.f32 v7, v6;
	v7 =	vmov v2  }
.Ltmp1:
0x13a: {  	v2 =	vld [tilespmem:s15+$0xCB80];
	v9 =	vsub.f32 v4, v7;
	(pc) =	sbr.rel @p0 .LBB2_5-.Ltmp1, $4  }
0x13b: {  	v4 =	vld [tilespmem:s15+$0xC380];
	v7 =	vmul.f32 v8, v7;
	v8 =	vmul.f32 v6, v1  }
0x13c: {  	v6 =	vmax.f32 v9, $0.0e+00  }
0x13d: {  	v6 =	vmul.f32 v6, v3;
	v3 =	vld [tilespmem:s15+$0xBB80];
	v7 =	vmul.f32 v7, v5;
	[tilespmem:s31+$0xDB80] =	vst v8;
	s31 =	smov.u32 s8;
	s8 =	smov.u32 s15  }
0x13e: {  	v5 =	vld [tilespmem:s8+$0xD380]  }
0x13f: {  	v8 =	vmul.f32 v2, v2  }
0x140: {  	v4 =	vsub.f32 v4, v2  }
0x141: {  	v2 =	vmul.f32 v8, v2  }
0x142: {  	v4 =	vmax.f32 v4, $0.0e+00  }
0x143: {  	v3 =	vmul.f32 v4, v3;
	v2 =	vmul.f32 v2, v5  }
0x144: {  	v63 =	vmul.f32 v7, v6  }
0x145: {  	v2 =	vmul.f32 v2, v3  }
0x146: {  	v3 =	vmul.f32 v63, v1  }
0x147: {  	v1 =	vmul.f32 v2, v1  }
0x148: {  	[tilespmem:s31+$0xDB80] =	vst v3  }
0x149: {  	s0 =	simm.s32 $0xDB80;
	[tilespmem:s8+$0xDB80] =	vst v1  }
0x14a: {  	[spmem:s6] =	stream.indirect.scatter.add.f32 [tilespmem:s0], [sflag:$0x1], $0x1, s28, s30, $0xb8;
	[tilespmem:$0xE400] =	vst v63  }
0x14b: {  	_ =	swait.ge [sflag:s21], $0x80  }
0x14c: {  	[sflag:s21] =	ssyncset.done $0x0  }
0x14d: {  	s15 =	simm.s32 $0xB400;
	s25 =	simm.s32 $0xDC00;
	[sflag:s21] =	ssyncadd.s32 $0xFFFFFF80  }
0x14e: {  	[spmem:s6] =	stream.indirect.scatter.add.f32 [tilespmem:s25], [sflag:$0x1], $0x1, s15, s30, $0xb8;
	[tilespmem:$0xE400] =	vst v63  }
0x14f: {  	_ =	swait.ge [sflag:s21], $0x80  }
0x150: {  	[sflag:s21] =	ssyncset.done $0x0  }
0x151: {  	s3 =	simm.s32 $0xDC80;
	s31 =	simm.s32 $0xB480;
	[sflag:s21] =	ssyncadd.s32 $0xFFFFFF80  }
0x152: {  	[spmem:s6] =	stream.indirect.scatter.add.f32 [tilespmem:s3], [sflag:$0x1], $0x1, s31, s30, $0xb8;
	[tilespmem:$0xE400] =	vst v63  }
0x153: {  	_ =	swait.ge [sflag:s21], $0x80  }
0x154: {  	[sflag:s21] =	ssyncset.done $0x0  }
0x155: {  	s9 =	simm.s32 $0xB500;
	s4 =	simm.s32 $0xDD00;
	[sflag:s21] =	ssyncadd.s32 $0xFFFFFF80  }
0x156: {  	[spmem:s6] =	stream.indirect.scatter.add.f32 [tilespmem:s4], [sflag:$0x1], $0x1, s9, s30, $0xb8;
	[tilespmem:$0xE400] =	vst v63  }
0x157: {  	_ =	swait.ge [sflag:s21], $0x80  }
0x158: {  	[sflag:s21] =	ssyncset.done $0x0  }
0x159: {  	s0 =	simm.s32 $0xB580;
	s3 =	simm.s32 $0xDD80;
	[sflag:s21] =	ssyncadd.s32 $0xFFFFFF80  }
0x15a: {  	[spmem:s6] =	stream.indirect.scatter.add.f32 [tilespmem:s3], [sflag:$0x1], $0x1, s0, s30, $0xb8;
	[tilespmem:$0xE400] =	vst v63  }
0x15b: {  	_ =	swait.ge [sflag:s21], $0x80  }
0x15c: {  	[sflag:s21] =	ssyncset.done $0x0  }
0x15d: {  	s4 =	simm.s32 $0xDE00;
	s3 =	simm.s32 $0xB600;
	[sflag:s21] =	ssyncadd.s32 $0xFFFFFF80  }
0x15e: {  	[spmem:s6] =	stream.indirect.scatter.add.f32 [tilespmem:s4], [sflag:$0x1], $0x1, s3, s30, $0xb8;
	[tilespmem:$0xE400] =	vst v63  }
0x15f: {  	_ =	swait.ge [sflag:s21], $0x80  }
0x160: {  	[sflag:s21] =	ssyncset.done $0x0  }
0x161: {  	s8 =	simm.s32 $0xDE80;
	s25 =	simm.s32 $0xB680;
	[sflag:s21] =	ssyncadd.s32 $0xFFFFFF80  }
0x162: {  	[spmem:s6] =	stream.indirect.scatter.add.f32 [tilespmem:s8], [sflag:$0x1], $0x1, s25, s30, $0xb8;
	[tilespmem:$0xE400] =	vst v63  }
0x163: {  	_ =	swait.ge [sflag:s21], $0x80  }
0x164: {  	[sflag:s21] =	ssyncset.done $0x0  }
0x165: {  	s19 =	simm.s32 $0xB700;
	s10 =	simm.s32 $0xDF00;
	[sflag:s21] =	ssyncadd.s32 $0xFFFFFF80  }
0x166: {  	[spmem:s6] =	stream.indirect.scatter.add.f32 [tilespmem:s10], [sflag:$0x1], $0x1, s19, s30, $0xb8;
	[tilespmem:$0xE400] =	vst v63  }
0x167: {  	_ =	swait.ge [sflag:s21], $0x80  }
0x168: {  	[sflag:s21] =	ssyncset.done $0x0  }
0x169: {  	s12 =	simm.s32 $0xDF80;
	s4 =	simm.s32 $0xB780;
	[sflag:s21] =	ssyncadd.s32 $0xFFFFFF80  }
0x16a: {  	[spmem:s6] =	stream.indirect.scatter.add.f32 [tilespmem:s12], [sflag:$0x1], $0x1, s4, s30, $0xb8;
	[tilespmem:$0xE400] =	vst v63  }
0x16b: {  	_ =	swait.ge [sflag:s21], $0x80  }
0x16c: {  	[sflag:s21] =	ssyncset.done $0x0  }
0x16d: {  	s10 =	simm.s32 $0xE000;
	s12 =	simm.s32 $0xB800;
	[sflag:s21] =	ssyncadd.s32 $0xFFFFFF80  }
0x16e: {  	[spmem:s6] =	stream.indirect.scatter.add.f32 [tilespmem:s10], [sflag:$0x1], $0x1, s12, s30, $0xb8;
	[tilespmem:$0xE400] =	vst v63  }
0x16f: {  	_ =	swait.ge [sflag:s21], $0x80  }
0x170: {  	[sflag:s21] =	ssyncset.done $0x0  }
0x171: {  	s10 =	simm.s32 $0xE080;
	[sflag:s21] =	ssyncadd.s32 $0xFFFFFF80  }
0x172: {  	[spmem:s6] =	stream.indirect.scatter.add.f32 [tilespmem:s10], [sflag:$0x1], $0x1, s14, s30, $0xb8;
	[tilespmem:$0xE400] =	vst v63  }
0x173: {  	_ =	swait.ge [sflag:s21], $0x80  }
0x174: {  	[sflag:s21] =	ssyncset.done $0x0  }
0x175: {  	s10 =	simm.s32 $0xE100;
	[sflag:s21] =	ssyncadd.s32 $0xFFFFFF80  }
0x176: {  	[spmem:s6] =	stream.indirect.scatter.add.f32 [tilespmem:s10], [sflag:$0x1], $0x1, s23, s30, $0xb8;
	[tilespmem:$0xE400] =	vst v63  }
0x177: {  	_ =	swait.ge [sflag:s21], $0x80  }
0x178: {  	[sflag:s21] =	ssyncset.done $0x0  }
0x179: {  	s10 =	simm.s32 $0xE180;
	[sflag:s21] =	ssyncadd.s32 $0xFFFFFF80  }
0x17a: {  	[spmem:s6] =	stream.indirect.scatter.add.f32 [tilespmem:s10], [sflag:$0x1], $0x1, s17, s30, $0xb8;
	[tilespmem:$0xE400] =	vst v63  }
0x17b: {  	_ =	swait.ge [sflag:s21], $0x80  }
0x17c: {  	[sflag:s21] =	ssyncset.done $0x0  }
0x17d: {  	s10 =	simm.s32 $0xE200;
	[sflag:s21] =	ssyncadd.s32 $0xFFFFFF80  }
0x17e: {  	[spmem:s6] =	stream.indirect.scatter.add.f32 [tilespmem:s10], [sflag:$0x1], $0x1, s24, s30, $0xb8;
	[tilespmem:$0xE400] =	vst v63  }
0x17f: {  	_ =	swait.ge [sflag:s21], $0x80  }
0x180: {  	[sflag:s21] =	ssyncset.done $0x0  }
0x181: {  	s10 =	simm.s32 $0xE280;
	[sflag:s21] =	ssyncadd.s32 $0xFFFFFF80  }
0x182: {  	[spmem:s6] =	stream.indirect.scatter.add.f32 [tilespmem:s10], [sflag:$0x1], $0x1, s13, s30, $0xb8;
	[tilespmem:$0xE400] =	vst v63  }
0x183: {  	s2 =	sadd.s32 $0x1, s2;
	_ =	swait.ge [sflag:s21], $0x80  }
0x184: {  	p0 =	sne.s32 s2, $0x64;
	[sflag:s21] =	ssyncset.done $0x0  }
.Ltmp2:
0x185: {  	s10 =	simm.s32 $0xE300;
	[sflag:s21] =	ssyncadd.s32 $0xFFFFFF80;
	(pc) =	sbr.rel @p0 .LBB2_4-.Ltmp2, $4  }
0x186: {  	[spmem:s6] =	stream.indirect.scatter.add.f32 [tilespmem:s10], [sflag:$0x1], $0x1, s22, s30, $0xb8;
	[tilespmem:$0xE400] =	vst v63  }
0x187: {  	_ =	swait.ge [sflag:s21], $0x80  }
0x188: {  	[sflag:s21] =	ssyncset.done $0x0  }
0x189: {  	[sflag:s21] =	ssyncadd.s32 $0xFFFFFF80  }
0x18a: {  	[bflag:$0x0] =	sbarrier.arrive $0xFFFF  }
0x18b: {  	s10 =	simm.s32 $0x4980;
	s15 =	rddreg [dreg:$0x11]  }
0x18c: {  	[tilespmem:s10], [sflag:$0x1] =	stream.linear.gather [spmem:s15], $0x1880, $0x38;
	[tilespmem:$0xE400] =	vst v63  }
0x18d: {  	_ =	swait.ge [sflag:s21], $0x1880  }
0x18e: {  	[sflag:s21] =	ssyncset.done $0x0  }
0x18f: {  	s0 =	simm.s32 $0x400;
	s2 =	rddreg [dreg:$0x15];
	[sflag:s21] =	ssyncadd.s32 $0xFFFFE780  }
0x190: {  	[hbm4b:s2+s30] =	stream.strided.scatter [tilespmem:s10], [sflag:$0x1], $0x1880, s0, s30, $0x38;
	[tilespmem:$0xE400] =	vst v63  }
0x191: {  	_ =	swait.ge [sflag:s21], $0x1880  }
0x192: {  	s25 =	rddreg [dreg:$0x17]  }
0x193: {  	s31 =	rddreg [dreg:$0x16];
	s0 =	sadd.s32 $0x1, s25  }
0x194: {  	p0 =	sne.s32 s0, s31  }
.Ltmp3:
0x195: {  	_ = 	snop;
	(pc) =	sbr.rel @p0 .LBB2_1-.Ltmp3, $3  }
0x196: {  	_ =	sdelay $0x1  }
0x197: {  	[sflag:s21] =	ssyncset.done $0x0  }
0x198: {  	[sflag:s21] =	ssyncadd.s32 $0xFFFFE780  }
0x199: {  	_ =	sfence.sel $0x180000  }
0x19a: {  	[bflag:$0x0] =	sbarrier.arrive $0xFFFF  }
0x19b: {  	_ =	strace $0x90000047  }
0x19c: {  	s0 =	stileid.u32;
	[bflag:$0x2] =	sbarrier.arrive $0xFFFF  }
0x19d: {  	p0 =	sne.s32 s0, $0x0;
	s0 =	rddreg [dreg:$0xc]  }
0x19e: {  	s0 =	sadd.s32 @!p0 $0x100000, s0  }
0x19f: {  	[sflag:s0] =	ssyncadd.tile.s32 @!p0 $0x1;
	_ =	shalt  }
.Lfunc_end2:
_tile_overlayer_lowered:
.L_overlay_start_2:
0x1a0: {  	(tag) =	ssettag $0x2  }
0x1a1: {  	s0 =	rddreg [dreg:$0x0];
	s2 =	stileid.u32  }
0x1a2: {  	s1 =	rddreg [dreg:$0x1];
	p0 =	sne.s32 s2, $0x0  }
0x1a3: {  	s3 =	rddreg [dreg:$0x2];
	[bflag:$0x3] =	sbarrier.arrive $0xFFFF;
	s2 =	simm.s32 @!p0 $0x1C01  }
0x1a4: {  	[timem:s3], [sflag:s2] =	dma.local @!p0 [hbm:s0], s1  }
0x1a5: {  	s0 =	simm.s32 @!p0 $0x1  }
0x1a6: {  	_ =	swait.ge @!p0 [sflag:s0], s1  }
0x1a7: {  	s1 =	ssub.s32 @!p0 $0x0, s1;
	[sflag:s0] =	ssyncset.done @!p0 $0x0  }
0x1a8: {  	[sflag:s0] =	ssyncadd.s32 @!p0 s1  }
0x1a9: {  	[bflag:$0x3] =	sbarrier.arrive $0xFFFF  }
0x1aa: {  	_ =	shalt  }

</sc_bundles>
